<compile_context>
chip_gen: v7x
topology: tpu7x:2x2x1
jax: 0.10.2.dev20260603
libtpu: 0.0.44.dev20260713+nightly
codegen_flags: <defaults>
</compile_context>

<pallas_src>
import functools

import jax
import jax.numpy as jnp
from jax import lax
from jax.experimental import pallas as pl
from jax.experimental.pallas import tpu as pltpu
from jax.experimental.pallas import tpu_sc as plsc

N_NODES = 10000
N_EDGES = 320000
D_IN = 128
HIDDEN = 64
NUM_CLASSES = 40
CPAD = 48

NC = 2
NS = 16
NW = NC * NS
BLK = 128
NBLK = 80
EPAD = NW * NBLK * BLK
ACC_ROWS = 10240
STRIPE = ACC_ROWS // NS
TRASH = N_NODES + 16

_mesh = plsc.VectorSubcoreMesh(core_axis_name="c", subcore_axis_name="s")
_sc_params = pltpu.CompilerParams(use_tc_tiling_on_sc=False)


def _sc_degree(dst_r):

  @functools.partial(
      pl.kernel,
      mesh=_mesh,
      out_type=jax.ShapeDtypeStruct((NC, ACC_ROWS, 16), jnp.float32),
      compiler_params=_sc_params,
      scratch_types=[
          pltpu.VMEM((NBLK, BLK), jnp.int32),
          pltpu.VMEM((BLK, 16), jnp.float32),
          pltpu.VMEM((BLK, 16), jnp.float32),
          pltpu.VMEM_SHARED((ACC_ROWS, 16), jnp.float32),
          pltpu.SemaphoreType.DMA,
      ],
  )
  def k(dst_hbm, out_hbm, dst_v, ones_v, zeros_v, acc, sem):
    c = lax.axis_index("c")
    s = lax.axis_index("s")
    wid = c * NS + s
    pltpu.sync_copy(dst_hbm.at[wid], dst_v)

    def fill(i, _):
      ones_v[i, :] = jnp.full((16,), 1.0, jnp.float32)
      zeros_v[i, :] = jnp.zeros((16,), jnp.float32)
      return 0

    lax.fori_loop(0, BLK, fill, 0)
    base = s * STRIPE
    for t in range(STRIPE // BLK):
      pltpu.sync_copy(zeros_v, acc.at[pl.ds(base + t * BLK, BLK)])
    plsc.subcore_barrier()

    def blk(j, _):
      pltpu.sync_copy(ones_v, acc.at[dst_v.at[j]], add=True)
      return 0

    lax.fori_loop(0, NBLK, blk, 0)
    plsc.subcore_barrier()
    for t in range(STRIPE // BLK):
      r = base + t * BLK
      pltpu.sync_copy(acc.at[pl.ds(r, BLK)], out_hbm.at[c, pl.ds(r, BLK)])

  return k(dst_r)


def _sc_aggregate(src_r, dst_r, feat, width):

  @functools.partial(
      pl.kernel,
      mesh=_mesh,
      out_type=jax.ShapeDtypeStruct((NC, ACC_ROWS, width), jnp.float32),
      compiler_params=_sc_params,
      scratch_types=[
          pltpu.VMEM((NBLK, BLK), jnp.int32),
          pltpu.VMEM((NBLK, BLK), jnp.int32),
          [pltpu.VMEM((BLK, width), jnp.float32) for _ in range(3)],
          pltpu.VMEM_SHARED((N_NODES, width), jnp.float32),
          pltpu.VMEM_SHARED((ACC_ROWS, width), jnp.float32),
          [pltpu.SemaphoreType.DMA for _ in range(3)],
      ],
  )
  def k(src_hbm, dst_hbm, feat_hbm, out_hbm, src_v, dst_v, bufs,
        feat_sh, acc, gsem):
    c = lax.axis_index("c")
    s = lax.axis_index("s")
    wid = c * NS + s
    pltpu.sync_copy(src_hbm.at[wid], src_v)
    pltpu.sync_copy(dst_hbm.at[wid], dst_v)

    frows = N_NODES // NS
    pltpu.sync_copy(feat_hbm.at[pl.ds(s * frows, frows)],
                    feat_sh.at[pl.ds(s * frows, frows)])

    def fill(i, _):
      for t in range(width // 16):
        bufs[0][i, pl.ds(t * 16, 16)] = jnp.zeros((16,), jnp.float32)
      return 0

    lax.fori_loop(0, BLK, fill, 0)
    base = s * STRIPE
    for t in range(STRIPE // BLK):
      pltpu.sync_copy(bufs[0], acc.at[pl.ds(base + t * BLK, BLK)])
    plsc.subcore_barrier()

    def gw(j, k):
      pltpu.make_async_copy(feat_sh.at[src_v.at[j]], bufs[k], gsem[k]).wait()

    def gstart(j, k):
      pltpu.async_copy(feat_sh.at[src_v.at[j]], bufs[k], gsem[k])

    def sadd(j, k):
      pltpu.sync_copy(bufs[k], acc.at[dst_v.at[j]], add=True)

    for k3 in range(3):
      gstart(k3, k3)

    def blk(t, _):
      j = 3 * t
      for k3 in range(3):
        gw(j + k3, k3)
        sadd(j + k3, k3)
        gstart(j + k3 + 3, k3)
      return 0

    lax.fori_loop(0, NBLK // 3 - 1, blk, 0)
    for jj in range(NBLK - 5, NBLK):
      gw(jj, jj % 3)
      sadd(jj, jj % 3)
      if jj + 3 < NBLK:
        gstart(jj + 3, jj % 3)
    plsc.subcore_barrier()
    for t in range(STRIPE // BLK):
      r = base + t * BLK
      pltpu.sync_copy(acc.at[pl.ds(r, BLK)], out_hbm.at[c, pl.ds(r, BLK)])

  return k(src_r, dst_r, feat)


_ROWS = 1000
_GRID = N_NODES // _ROWS


def _dinv_of(dp_ref):
  deg = dp_ref[0, :, 0:1] + dp_ref[1, :, 0:1] + 1.0
  return lax.rsqrt(deg)


def _xw_body(x_ref, w_ref, xw_ref):
  xw_ref[...] = jnp.dot(
      x_ref[...], w_ref[...], preferred_element_type=jnp.float32)


def _scale_body(xw_ref, dp_ref, y_ref):
  y_ref[...] = xw_ref[...] * _dinv_of(dp_ref)


def _l2_body(y_ref, p_ref, dp_ref, b1_ref, w2_ref, z_ref):
  dinv = _dinv_of(dp_ref)
  pre = (p_ref[0] + p_ref[1] + y_ref[...]) * dinv + b1_ref[...]
  h = jnp.maximum(pre, 0.0)
  z_ref[...] = jnp.dot(
      h, w2_ref[...], preferred_element_type=jnp.float32) * dinv


def _fin_body(z_ref, q_ref, dp_ref, b2_ref, o_ref):
  dinv = _dinv_of(dp_ref)
  o = (q_ref[0] + q_ref[1] + z_ref[...]) * dinv + b2_ref[...]
  col = lax.broadcasted_iota(jnp.int32, o.shape, 1)
  valid = col < NUM_CLASSES
  om = jnp.where(valid, o, -jnp.inf)
  m = jnp.max(om, axis=1, keepdims=True)
  e = jnp.where(valid, jnp.exp(om - m), 0.0)
  lse = jnp.log(jnp.sum(e, axis=1, keepdims=True)) + m
  o_ref[...] = (o - lse)[:, :NUM_CLASSES]


def _dp_spec():
  return pl.BlockSpec((NC, _ROWS, 16), lambda i: (0, i, 0))


def kernel(x, edge_index, W1, b1, W2, b2):
  src = edge_index[0].astype(jnp.int32)
  dst = edge_index[1].astype(jnp.int32)
  pad = EPAD - N_EDGES
  src_r = jnp.concatenate([src, jnp.zeros((pad,), jnp.int32)]).reshape(
      NW, NBLK, BLK)
  dst_r = jnp.concatenate([dst, jnp.full((pad,), TRASH, jnp.int32)]).reshape(
      NW, NBLK, BLK)
  w2p = jnp.pad(W2, ((0, 0), (0, CPAD - NUM_CLASSES)))
  b1r = b1.reshape(1, HIDDEN)
  b2r = jnp.pad(b2, (0, CPAD - NUM_CLASSES)).reshape(1, CPAD)

  degp = _sc_degree(dst_r)

  xw = pl.pallas_call(
      _xw_body,
      grid=(_GRID,),
      in_specs=[
          pl.BlockSpec((_ROWS, D_IN), lambda i: (i, 0)),
          pl.BlockSpec((D_IN, HIDDEN), lambda i: (0, 0)),
      ],
      out_specs=pl.BlockSpec((_ROWS, HIDDEN), lambda i: (i, 0)),
      out_shape=jax.ShapeDtypeStruct((N_NODES, HIDDEN), jnp.float32),
  )(x, W1)

  y = pl.pallas_call(
      _scale_body,
      grid=(_GRID,),
      in_specs=[
          pl.BlockSpec((_ROWS, HIDDEN), lambda i: (i, 0)),
          _dp_spec(),
      ],
      out_specs=pl.BlockSpec((_ROWS, HIDDEN), lambda i: (i, 0)),
      out_shape=jax.ShapeDtypeStruct((N_NODES, HIDDEN), jnp.float32),
  )(xw, degp)

  p = _sc_aggregate(src_r, dst_r, y, HIDDEN)

  z = pl.pallas_call(
      _l2_body,
      grid=(_GRID,),
      in_specs=[
          pl.BlockSpec((_ROWS, HIDDEN), lambda i: (i, 0)),
          pl.BlockSpec((NC, _ROWS, HIDDEN), lambda i: (0, i, 0)),
          _dp_spec(),
          pl.BlockSpec((1, HIDDEN), lambda i: (0, 0)),
          pl.BlockSpec((HIDDEN, CPAD), lambda i: (0, 0)),
      ],
      out_specs=pl.BlockSpec((_ROWS, CPAD), lambda i: (i, 0)),
      out_shape=jax.ShapeDtypeStruct((N_NODES, CPAD), jnp.float32),
  )(y, p, degp, b1r, w2p)

  q = _sc_aggregate(src_r, dst_r, z, CPAD)

  out = pl.pallas_call(
      _fin_body,
      grid=(_GRID,),
      in_specs=[
          pl.BlockSpec((_ROWS, CPAD), lambda i: (i, 0)),
          pl.BlockSpec((NC, _ROWS, CPAD), lambda i: (0, i, 0)),
          _dp_spec(),
          pl.BlockSpec((1, CPAD), lambda i: (0, 0)),
      ],
      out_specs=pl.BlockSpec((_ROWS, NUM_CLASSES), lambda i: (i, 0)),
      out_shape=jax.ShapeDtypeStruct((N_NODES, NUM_CLASSES), jnp.float32),
  )(z, q, degp, b2r)

  return out

# --- scband reference (transcript-rebuilt; emitter-appended) ---
"""Pipeline reference for scband-net-51513837748925 (READ-ONLY COPY).

The authoritative reference and input builder live on the scoring server;
editing this copy changes nothing except your own understanding.
"""

import jax, jax.numpy as jnp
import numpy as np

N_NODES = 10000
N_EDGES = 320000
D_IN = 128
HIDDEN = 64
NUM_CLASSES = 40


def setup_inputs(seed: int = 0) -> dict:
    key = jax.random.key(seed)
    k1, k2, k3, k4, k5, k6 = jax.random.split(key, 6)
    x = jax.random.normal(k1, (N_NODES, D_IN), dtype=jnp.float32)
    edge_index = jax.random.randint(k2, (2, N_EDGES), 0, N_NODES, dtype=jnp.int64)
    # GCNConv layer 1 params (glorot-style scale)
    W1 = jax.random.normal(k3, (D_IN, HIDDEN), dtype=jnp.float32) * (1.0 / np.sqrt(D_IN))
    b1 = jnp.zeros((HIDDEN,), dtype=jnp.float32)
    # GCNConv layer 2 params
    W2 = jax.random.normal(k4, (HIDDEN, NUM_CLASSES), dtype=jnp.float32) * (1.0 / np.sqrt(HIDDEN))
    b2 = jnp.zeros((NUM_CLASSES,), dtype=jnp.float32)
    return {"x": x, "edge_index": edge_index, "W1": W1, "b1": b1, "W2": W2, "b2": b2}


def _gcn_conv(x, src, dst, norm, W, b):
    # x' = D^{-1/2} (A + I) D^{-1/2} (x W) + b
    xw = x @ W
    msg = xw[src] * norm[:, None]
    out = jnp.zeros((x.shape[0], xw.shape[1]), dtype=xw.dtype).at[dst].add(msg)
    return out + b


def _build_norm(edge_index, n_nodes):
    loop = jnp.arange(n_nodes, dtype=edge_index.dtype)
    src = jnp.concatenate([edge_index[0], loop])
    dst = jnp.concatenate([edge_index[1], loop])
    deg = jnp.zeros((n_nodes,), dtype=jnp.float32).at[dst].add(1.0)
    dinv = jnp.where(deg > 0, deg ** -0.5, 0.0)
    norm = dinv[src] * dinv[dst]
    return src, dst, norm


def reference(x, edge_index, W1, b1, W2, b2):
    src, dst, norm = _build_norm(edge_index, x.shape[0])
    # CRD: GCNConv -> ReLU (dropout is identity in eval mode)
    h = _gcn_conv(x, src, dst, norm, W1, b1)
    h = jax.nn.relu(h)
    # CLS: GCNConv -> log_softmax
    out = _gcn_conv(h, src, dst, norm, W2, b2)
    out = jax.nn.log_softmax(out, axis=1)
    return out

if __name__ == "__main__":
    import jax
    _d = setup_inputs()
    print(jax.jit(kernel)(*tuple(_d.values())))

</pallas_src>

<mosaic_0001>
#map = affine_map<(d0, d1) -> (0, 0, 0)>
module attributes {stable_mosaic.version = 14 : i64} {
  func.func @k(%arg0: i32, %arg1: i32, %arg2: memref<32x80x128xi32, #tpu.memory_space<hbm>>, %arg3: memref<2x10240x16xf32, #tpu.memory_space<hbm>>, %arg4: memref<80x128xi32, #tpu.memory_space<vmem>>, %arg5: memref<128x16xf32, #tpu.memory_space<vmem>>, %arg6: memref<128x16xf32, #tpu.memory_space<vmem>>, %arg7: memref<10240x16xf32, #tpu.memory_space<vmem_shared>>, %arg8: memref<!tpu.dma_semaphore, #tpu.memory_space<semaphore_mem>>) attributes {dimension_semantics = [#tpu.dimension_semantics<core_parallel>, #tpu.dimension_semantics<subcore_parallel>], iteration_bounds = array<i64: 2, 16>, scalar_prefetch = 0 : i64, scratch_operands = 5 : i64, tpu.core_type = #tpu.core_type<sc_vector_subcore>, window_params = [{transform_indices = #map}, {transform_indices = #map}]} {
    %mul3A = arith.constant 16 : i32
    %mul3A_0 = arith.muli %arg0, %mul3A : i32
    %add3A = arith.addi %mul3A_0, %arg1 : i32
    "tpu.region"() ({
      %run_scoped3A = tpu.sem_alloc : memref<!tpu.dma_semaphore, #tpu.memory_space<semaphore_mem>>
      %dma_start3A = arith.constant 0 : i32
      %dma_start3A_37 = arith.constant 0 : i32
      %dma_start3A_38 = tpu.memref_slice %arg2[%add3A, %dma_start3A, %dma_start3A_37] : memref<32x80x128xi32, #tpu.memory_space<hbm>> -> memref<1x80x128xi32, #tpu.memory_space<hbm>>
      %dma_start3A_39 = tpu.memref_squeeze %dma_start3A_38 : memref<1x80x128xi32, #tpu.memory_space<hbm>> -> memref<80x128xi32, #tpu.memory_space<hbm>>
      %dma_start3A_40 = arith.constant 0 : i32
      %dma_start3A_41 = arith.constant 0 : i32
      %dma_start3A_42 = tpu.memref_slice %arg2[%add3A, %dma_start3A_40, %dma_start3A_41] : memref<32x80x128xi32, #tpu.memory_space<hbm>> -> memref<1x80x128xi32, #tpu.memory_space<hbm>>
      %dma_start3A_43 = tpu.memref_squeeze %dma_start3A_42 : memref<1x80x128xi32, #tpu.memory_space<hbm>> -> memref<80x128xi32, #tpu.memory_space<hbm>>
      tpu.enqueue_dma source(%dma_start3A_43 : memref<80x128xi32, #tpu.memory_space<hbm>>) target(%arg4 : memref<80x128xi32, #tpu.memory_space<vmem>>) target_semaphore(%run_scoped3A : memref<!tpu.dma_semaphore, #tpu.memory_space<semaphore_mem>>)
      %dma_wait3A = arith.constant 0 : i32
      %dma_wait3A_44 = arith.constant 0 : i32
      %dma_wait3A_45 = tpu.memref_slice %arg2[%add3A, %dma_wait3A, %dma_wait3A_44] : memref<32x80x128xi32, #tpu.memory_space<hbm>> -> memref<1x80x128xi32, #tpu.memory_space<hbm>>
      %dma_wait3A_46 = tpu.memref_squeeze %dma_wait3A_45 : memref<1x80x128xi32, #tpu.memory_space<hbm>> -> memref<80x128xi32, #tpu.memory_space<hbm>>
      %dma_wait3A_47 = arith.constant 0 : i32
      %dma_wait3A_48 = arith.constant 0 : i32
      %dma_wait3A_49 = tpu.memref_slice %arg2[%add3A, %dma_wait3A_47, %dma_wait3A_48] : memref<32x80x128xi32, #tpu.memory_space<hbm>> -> memref<1x80x128xi32, #tpu.memory_space<hbm>>
      %dma_wait3A_50 = tpu.memref_squeeze %dma_wait3A_49 : memref<1x80x128xi32, #tpu.memory_space<hbm>> -> memref<80x128xi32, #tpu.memory_space<hbm>>
      tpu.wait_dma2 semaphore(%run_scoped3A : memref<!tpu.dma_semaphore, #tpu.memory_space<semaphore_mem>>) src(%dma_wait3A_50 : memref<80x128xi32, #tpu.memory_space<hbm>>) dst(%arg4 : memref<80x128xi32, #tpu.memory_space<vmem>>)
      tpu.yield
    }) : () -> ()
    %scan3A = arith.constant 0 : i32
    %scan3A_1 = arith.constant 0 : i32
    %scan3A_2 = arith.constant 128 : i32
    %scan3A_3 = arith.addi %scan3A_1, %scan3A_2 : i32
    %scan3A_4 = arith.constant 1 : i32
    %scan3A_5 = scf.for %scan3A_37 = %scan3A_1 to %scan3A_3 step %scan3A_4 iter_args(%scan3A_38 = %scan3A) -> (i32)  : i32 {
      %broadcast_in_dim3A = arith.constant 1.000000e+00 : f32
      %broadcast_in_dim3A_39 = vector.broadcast %broadcast_in_dim3A : f32 to vector<16xf32>
      %swap3A = arith.index_cast %scan3A_37 : i32 to index
      %swap3A_40 = arith.constant 0 : index
      %swap3A_41 = tpu.vector_load %arg5[%swap3A, %swap3A_40] {strides = array<i32>} : memref<128x16xf32, #tpu.memory_space<vmem>>, vector<1x16xf32>,
      %swap3A_42 = vector.shape_cast %swap3A_41 : vector<1x16xf32> to vector<16xf32>
      %swap3A_43 = vector.shape_cast %broadcast_in_dim3A_39 : vector<16xf32> to vector<1x16xf32>
      tpu.vector_store %arg5[%swap3A, %swap3A_40], %swap3A_43 {strides = array<i32>} : memref<128x16xf32, #tpu.memory_space<vmem>>, vector<1x16xf32>,
      %broadcast_in_dim3A_44 = arith.constant 0.000000e+00 : f32
      %broadcast_in_dim3A_45 = vector.broadcast %broadcast_in_dim3A_44 : f32 to vector<16xf32>
      %swap3A_46 = arith.index_cast %scan3A_37 : i32 to index
      %swap3A_47 = arith.constant 0 : index
      %swap3A_48 = tpu.vector_load %arg6[%swap3A_46, %swap3A_47] {strides = array<i32>} : memref<128x16xf32, #tpu.memory_space<vmem>>, vector<1x16xf32>,
      %swap3A_49 = vector.shape_cast %swap3A_48 : vector<1x16xf32> to vector<16xf32>
      %swap3A_50 = vector.shape_cast %broadcast_in_dim3A_45 : vector<16xf32> to vector<1x16xf32>
      tpu.vector_store %arg6[%swap3A_46, %swap3A_47], %swap3A_50 {strides = array<i32>} : memref<128x16xf32, #tpu.memory_space<vmem>>, vector<1x16xf32>,
      %scan3A_51 = arith.constant 0 : i32
      scf.yield %scan3A_51 : i32
    }
    %scan3A_6 = arith.constant 128 : i32
    %mul3A_7 = arith.constant 640 : i32
    %mul3A_8 = arith.muli %arg1, %mul3A_7 : i32
    %add3A_9 = arith.constant 0 : i32
    %add3A_10 = arith.addi %mul3A_8, %add3A_9 : i32
    "tpu.region"() ({
      %run_scoped3A = tpu.sem_alloc : memref<!tpu.dma_semaphore, #tpu.memory_space<semaphore_mem>>
      %dma_start3A = arith.constant 0 : i32
      %dma_start3A_37 = tpu.memref_slice %arg7[%add3A_10, %dma_start3A] : memref<10240x16xf32, #tpu.memory_space<vmem_shared>> -> memref<128x16xf32, #tpu.memory_space<vmem_shared>>
      %dma_start3A_38 = arith.constant 0 : i32
      %dma_start3A_39 = tpu.memref_slice %arg7[%add3A_10, %dma_start3A_38] : memref<10240x16xf32, #tpu.memory_space<vmem_shared>> -> memref<128x16xf32, #tpu.memory_space<vmem_shared>>
      tpu.enqueue_dma source(%arg6 : memref<128x16xf32, #tpu.memory_space<vmem>>) target(%dma_start3A_39 : memref<128x16xf32, #tpu.memory_space<vmem_shared>>) target_semaphore(%run_scoped3A : memref<!tpu.dma_semaphore, #tpu.memory_space<semaphore_mem>>)
      %dma_wait3A = arith.constant 0 : i32
      %dma_wait3A_40 = tpu.memref_slice %arg7[%add3A_10, %dma_wait3A] : memref<10240x16xf32, #tpu.memory_space<vmem_shared>> -> memref<128x16xf32, #tpu.memory_space<vmem_shared>>
      %dma_wait3A_41 = arith.constant 0 : i32
      %dma_wait3A_42 = tpu.memref_slice %arg7[%add3A_10, %dma_wait3A_41] : memref<10240x16xf32, #tpu.memory_space<vmem_shared>> -> memref<128x16xf32, #tpu.memory_space<vmem_shared>>
      tpu.wait_dma2 semaphore(%run_scoped3A : memref<!tpu.dma_semaphore, #tpu.memory_space<semaphore_mem>>) src(%arg6 : memref<128x16xf32, #tpu.memory_space<vmem>>) dst(%dma_wait3A_42 : memref<128x16xf32, #tpu.memory_space<vmem_shared>>)
      tpu.yield
    }) : () -> ()
    %add3A_11 = arith.constant 128 : i32
    %add3A_12 = arith.addi %mul3A_8, %add3A_11 : i32
    "tpu.region"() ({
      %run_scoped3A = tpu.sem_alloc : memref<!tpu.dma_semaphore, #tpu.memory_space<semaphore_mem>>
      %dma_start3A = arith.constant 0 : i32
      %dma_start3A_37 = tpu.memref_slice %arg7[%add3A_12, %dma_start3A] : memref<10240x16xf32, #tpu.memory_space<vmem_shared>> -> memref<128x16xf32, #tpu.memory_space<vmem_shared>>
      %dma_start3A_38 = arith.constant 0 : i32
      %dma_start3A_39 = tpu.memref_slice %arg7[%add3A_12, %dma_start3A_38] : memref<10240x16xf32, #tpu.memory_space<vmem_shared>> -> memref<128x16xf32, #tpu.memory_space<vmem_shared>>
      tpu.enqueue_dma source(%arg6 : memref<128x16xf32, #tpu.memory_space<vmem>>) target(%dma_start3A_39 : memref<128x16xf32, #tpu.memory_space<vmem_shared>>) target_semaphore(%run_scoped3A : memref<!tpu.dma_semaphore, #tpu.memory_space<semaphore_mem>>)
      %dma_wait3A = arith.constant 0 : i32
      %dma_wait3A_40 = tpu.memref_slice %arg7[%add3A_12, %dma_wait3A] : memref<10240x16xf32, #tpu.memory_space<vmem_shared>> -> memref<128x16xf32, #tpu.memory_space<vmem_shared>>
      %dma_wait3A_41 = arith.constant 0 : i32
      %dma_wait3A_42 = tpu.memref_slice %arg7[%add3A_12, %dma_wait3A_41] : memref<10240x16xf32, #tpu.memory_space<vmem_shared>> -> memref<128x16xf32, #tpu.memory_space<vmem_shared>>
      tpu.wait_dma2 semaphore(%run_scoped3A : memref<!tpu.dma_semaphore, #tpu.memory_space<semaphore_mem>>) src(%arg6 : memref<128x16xf32, #tpu.memory_space<vmem>>) dst(%dma_wait3A_42 : memref<128x16xf32, #tpu.memory_space<vmem_shared>>)
      tpu.yield
    }) : () -> ()
    %add3A_13 = arith.constant 256 : i32
    %add3A_14 = arith.addi %mul3A_8, %add3A_13 : i32
    "tpu.region"() ({
      %run_scoped3A = tpu.sem_alloc : memref<!tpu.dma_semaphore, #tpu.memory_space<semaphore_mem>>
      %dma_start3A = arith.constant 0 : i32
      %dma_start3A_37 = tpu.memref_slice %arg7[%add3A_14, %dma_start3A] : memref<10240x16xf32, #tpu.memory_space<vmem_shared>> -> memref<128x16xf32, #tpu.memory_space<vmem_shared>>
      %dma_start3A_38 = arith.constant 0 : i32
      %dma_start3A_39 = tpu.memref_slice %arg7[%add3A_14, %dma_start3A_38] : memref<10240x16xf32, #tpu.memory_space<vmem_shared>> -> memref<128x16xf32, #tpu.memory_space<vmem_shared>>
      tpu.enqueue_dma source(%arg6 : memref<128x16xf32, #tpu.memory_space<vmem>>) target(%dma_start3A_39 : memref<128x16xf32, #tpu.memory_space<vmem_shared>>) target_semaphore(%run_scoped3A : memref<!tpu.dma_semaphore, #tpu.memory_space<semaphore_mem>>)
      %dma_wait3A = arith.constant 0 : i32
      %dma_wait3A_40 = tpu.memref_slice %arg7[%add3A_14, %dma_wait3A] : memref<10240x16xf32, #tpu.memory_space<vmem_shared>> -> memref<128x16xf32, #tpu.memory_space<vmem_shared>>
      %dma_wait3A_41 = arith.constant 0 : i32
      %dma_wait3A_42 = tpu.memref_slice %arg7[%add3A_14, %dma_wait3A_41] : memref<10240x16xf32, #tpu.memory_space<vmem_shared>> -> memref<128x16xf32, #tpu.memory_space<vmem_shared>>
      tpu.wait_dma2 semaphore(%run_scoped3A : memref<!tpu.dma_semaphore, #tpu.memory_space<semaphore_mem>>) src(%arg6 : memref<128x16xf32, #tpu.memory_space<vmem>>) dst(%dma_wait3A_42 : memref<128x16xf32, #tpu.memory_space<vmem_shared>>)
      tpu.yield
    }) : () -> ()
    %add3A_15 = arith.constant 384 : i32
    %add3A_16 = arith.addi %mul3A_8, %add3A_15 : i32
    "tpu.region"() ({
      %run_scoped3A = tpu.sem_alloc : memref<!tpu.dma_semaphore, #tpu.memory_space<semaphore_mem>>
      %dma_start3A = arith.constant 0 : i32
      %dma_start3A_37 = tpu.memref_slice %arg7[%add3A_16, %dma_start3A] : memref<10240x16xf32, #tpu.memory_space<vmem_shared>> -> memref<128x16xf32, #tpu.memory_space<vmem_shared>>
      %dma_start3A_38 = arith.constant 0 : i32
      %dma_start3A_39 = tpu.memref_slice %arg7[%add3A_16, %dma_start3A_38] : memref<10240x16xf32, #tpu.memory_space<vmem_shared>> -> memref<128x16xf32, #tpu.memory_space<vmem_shared>>
      tpu.enqueue_dma source(%arg6 : memref<128x16xf32, #tpu.memory_space<vmem>>) target(%dma_start3A_39 : memref<128x16xf32, #tpu.memory_space<vmem_shared>>) target_semaphore(%run_scoped3A : memref<!tpu.dma_semaphore, #tpu.memory_space<semaphore_mem>>)
      %dma_wait3A = arith.constant 0 : i32
      %dma_wait3A_40 = tpu.memref_slice %arg7[%add3A_16, %dma_wait3A] : memref<10240x16xf32, #tpu.memory_space<vmem_shared>> -> memref<128x16xf32, #tpu.memory_space<vmem_shared>>
      %dma_wait3A_41 = arith.constant 0 : i32
      %dma_wait3A_42 = tpu.memref_slice %arg7[%add3A_16, %dma_wait3A_41] : memref<10240x16xf32, #tpu.memory_space<vmem_shared>> -> memref<128x16xf32, #tpu.memory_space<vmem_shared>>
      tpu.wait_dma2 semaphore(%run_scoped3A : memref<!tpu.dma_semaphore, #tpu.memory_space<semaphore_mem>>) src(%arg6 : memref<128x16xf32, #tpu.memory_space<vmem>>) dst(%dma_wait3A_42 : memref<128x16xf32, #tpu.memory_space<vmem_shared>>)
      tpu.yield
    }) : () -> ()
    %add3A_17 = arith.constant 512 : i32
    %add3A_18 = arith.addi %mul3A_8, %add3A_17 : i32
    "tpu.region"() ({
      %run_scoped3A = tpu.sem_alloc : memref<!tpu.dma_semaphore, #tpu.memory_space<semaphore_mem>>
      %dma_start3A = arith.constant 0 : i32
      %dma_start3A_37 = tpu.memref_slice %arg7[%add3A_18, %dma_start3A] : memref<10240x16xf32, #tpu.memory_space<vmem_shared>> -> memref<128x16xf32, #tpu.memory_space<vmem_shared>>
      %dma_start3A_38 = arith.constant 0 : i32
      %dma_start3A_39 = tpu.memref_slice %arg7[%add3A_18, %dma_start3A_38] : memref<10240x16xf32, #tpu.memory_space<vmem_shared>> -> memref<128x16xf32, #tpu.memory_space<vmem_shared>>
      tpu.enqueue_dma source(%arg6 : memref<128x16xf32, #tpu.memory_space<vmem>>) target(%dma_start3A_39 : memref<128x16xf32, #tpu.memory_space<vmem_shared>>) target_semaphore(%run_scoped3A : memref<!tpu.dma_semaphore, #tpu.memory_space<semaphore_mem>>)
      %dma_wait3A = arith.constant 0 : i32
      %dma_wait3A_40 = tpu.memref_slice %arg7[%add3A_18, %dma_wait3A] : memref<10240x16xf32, #tpu.memory_space<vmem_shared>> -> memref<128x16xf32, #tpu.memory_space<vmem_shared>>
      %dma_wait3A_41 = arith.constant 0 : i32
      %dma_wait3A_42 = tpu.memref_slice %arg7[%add3A_18, %dma_wait3A_41] : memref<10240x16xf32, #tpu.memory_space<vmem_shared>> -> memref<128x16xf32, #tpu.memory_space<vmem_shared>>
      tpu.wait_dma2 semaphore(%run_scoped3A : memref<!tpu.dma_semaphore, #tpu.memory_space<semaphore_mem>>) src(%arg6 : memref<128x16xf32, #tpu.memory_space<vmem>>) dst(%dma_wait3A_42 : memref<128x16xf32, #tpu.memory_space<vmem_shared>>)
      tpu.yield
    }) : () -> ()
    %barrier3A = arith.constant 0 : index
    tpu.barrier barrier_id(%barrier3A)
    %scan3A_19 = arith.constant 0 : i32
    %scan3A_20 = arith.constant 0 : i32
    %scan3A_21 = arith.constant 80 : i32
    %scan3A_22 = arith.addi %scan3A_20, %scan3A_21 : i32
    %scan3A_23 = arith.constant 1 : i32
    %scan3A_24 = scf.for %scan3A_37 = %scan3A_20 to %scan3A_22 step %scan3A_23 iter_args(%scan3A_38 = %scan3A_19) -> (i32)  : i32 {
      "tpu.region"() ({
        %run_scoped3A = tpu.sem_alloc : memref<!tpu.dma_semaphore, #tpu.memory_space<semaphore_mem>>
        %dma_start3A = arith.constant 0 : i32
        %dma_start3A_40 = tpu.memref_slice %arg4[%scan3A_37, %dma_start3A] : memref<80x128xi32, #tpu.memory_space<vmem>> -> memref<1x128xi32, #tpu.memory_space<vmem>>
        %dma_start3A_41 = tpu.memref_squeeze %dma_start3A_40 : memref<1x128xi32, #tpu.memory_space<vmem>> -> memref<128xi32, #tpu.memory_space<vmem>>
        %dma_start3A_42 = arith.constant 0 : i32
        %dma_start3A_43 = arith.constant 0 : i32
        %dma_start3A_44 = tpu.memref_slice %arg7[%dma_start3A_42, %dma_start3A_43] : memref<10240x16xf32, #tpu.memory_space<vmem_shared>> -> memref<10240x16xf32, #tpu.memory_space<vmem_shared>>
        tpu.enqueue_indirect_dma source(%arg5 : memref<128x16xf32, #tpu.memory_space<vmem>>) target(%dma_start3A_44 : memref<10240x16xf32, #tpu.memory_space<vmem_shared>>) offsets(%dma_start3A_41 : memref<128xi32, #tpu.memory_space<vmem>>) semaphore(%run_scoped3A : memref<!tpu.dma_semaphore, #tpu.memory_space<semaphore_mem>>) {add = true}
        %dma_wait3A = arith.constant 0 : i32
        %dma_wait3A_45 = tpu.memref_slice %arg4[%scan3A_37, %dma_wait3A] : memref<80x128xi32, #tpu.memory_space<vmem>> -> memref<1x128xi32, #tpu.memory_space<vmem>>
        %dma_wait3A_46 = tpu.memref_squeeze %dma_wait3A_45 : memref<1x128xi32, #tpu.memory_space<vmem>> -> memref<128xi32, #tpu.memory_space<vmem>>
        %dma_wait3A_47 = arith.constant 0 : i32
        %dma_wait3A_48 = arith.constant 0 : i32
        %dma_wait3A_49 = tpu.memref_slice %arg7[%dma_wait3A_47, %dma_wait3A_48] : memref<10240x16xf32, #tpu.memory_space<vmem_shared>> -> memref<10240x16xf32, #tpu.memory_space<vmem_shared>>
        tpu.wait_indirect_dma semaphore(%run_scoped3A : memref<!tpu.dma_semaphore, #tpu.memory_space<semaphore_mem>>) src(%arg5 : memref<128x16xf32, #tpu.memory_space<vmem>>) dst(%dma_wait3A_49 : memref<10240x16xf32, #tpu.memory_space<vmem_shared>>)
        tpu.yield
      }) : () -> ()
      %scan3A_39 = arith.constant 0 : i32
      scf.yield %scan3A_39 : i32
    }
    %scan3A_25 = arith.constant 80 : i32
    %barrier3A_26 = arith.constant 0 : index
    tpu.barrier barrier_id(%barrier3A_26)
    %add3A_27 = arith.constant 0 : i32
    %add3A_28 = arith.addi %mul3A_8, %add3A_27 : i32
    "tpu.region"() ({
      %run_scoped3A = tpu.sem_alloc : memref<!tpu.dma_semaphore, #tpu.memory_space<semaphore_mem>>
      %dma_start3A = arith.constant 0 : i32
      %dma_start3A_37 = tpu.memref_slice %arg3[%arg0, %add3A_28, %dma_start3A] : memref<2x10240x16xf32, #tpu.memory_space<hbm>> -> memref<1x128x16xf32, #tpu.memory_space<hbm>>
      %dma_start3A_38 = tpu.memref_squeeze %dma_start3A_37 : memref<1x128x16xf32, #tpu.memory_space<hbm>> -> memref<128x16xf32, #tpu.memory_space<hbm>>
      %dma_start3A_39 = arith.constant 0 : i32
      %dma_start3A_40 = tpu.memref_slice %arg7[%add3A_28, %dma_start3A_39] : memref<10240x16xf32, #tpu.memory_space<vmem_shared>> -> memref<128x16xf32, #tpu.memory_space<vmem_shared>>
      tpu.enqueue_dma source(%dma_start3A_40 : memref<128x16xf32, #tpu.memory_space<vmem_shared>>) target(%dma_start3A_38 : memref<128x16xf32, #tpu.memory_space<hbm>>) target_semaphore(%run_scoped3A : memref<!tpu.dma_semaphore, #tpu.memory_space<semaphore_mem>>)
      %dma_wait3A = arith.constant 0 : i32
      %dma_wait3A_41 = tpu.memref_slice %arg3[%arg0, %add3A_28, %dma_wait3A] : memref<2x10240x16xf32, #tpu.memory_space<hbm>> -> memref<1x128x16xf32, #tpu.memory_space<hbm>>
      %dma_wait3A_42 = tpu.memref_squeeze %dma_wait3A_41 : memref<1x128x16xf32, #tpu.memory_space<hbm>> -> memref<128x16xf32, #tpu.memory_space<hbm>>
      %dma_wait3A_43 = arith.constant 0 : i32
      %dma_wait3A_44 = tpu.memref_slice %arg7[%add3A_28, %dma_wait3A_43] : memref<10240x16xf32, #tpu.memory_space<vmem_shared>> -> memref<128x16xf32, #tpu.memory_space<vmem_shared>>
      tpu.wait_dma2 semaphore(%run_scoped3A : memref<!tpu.dma_semaphore, #tpu.memory_space<semaphore_mem>>) src(%dma_wait3A_44 : memref<128x16xf32, #tpu.memory_space<vmem_shared>>) dst(%dma_wait3A_42 : memref<128x16xf32, #tpu.memory_space<hbm>>)
      tpu.yield
    }) : () -> ()
    %add3A_29 = arith.constant 128 : i32
    %add3A_30 = arith.addi %mul3A_8, %add3A_29 : i32
    "tpu.region"() ({
      %run_scoped3A = tpu.sem_alloc : memref<!tpu.dma_semaphore, #tpu.memory_space<semaphore_mem>>
      %dma_start3A = arith.constant 0 : i32
      %dma_start3A_37 = tpu.memref_slice %arg3[%arg0, %add3A_30, %dma_start3A] : memref<2x10240x16xf32, #tpu.memory_space<hbm>> -> memref<1x128x16xf32, #tpu.memory_space<hbm>>
      %dma_start3A_38 = tpu.memref_squeeze %dma_start3A_37 : memref<1x128x16xf32, #tpu.memory_space<hbm>> -> memref<128x16xf32, #tpu.memory_space<hbm>>
      %dma_start3A_39 = arith.constant 0 : i32
      %dma_start3A_40 = tpu.memref_slice %arg7[%add3A_30, %dma_start3A_39] : memref<10240x16xf32, #tpu.memory_space<vmem_shared>> -> memref<128x16xf32, #tpu.memory_space<vmem_shared>>
      tpu.enqueue_dma source(%dma_start3A_40 : memref<128x16xf32, #tpu.memory_space<vmem_shared>>) target(%dma_start3A_38 : memref<128x16xf32, #tpu.memory_space<hbm>>) target_semaphore(%run_scoped3A : memref<!tpu.dma_semaphore, #tpu.memory_space<semaphore_mem>>)
      %dma_wait3A = arith.constant 0 : i32
      %dma_wait3A_41 = tpu.memref_slice %arg3[%arg0, %add3A_30, %dma_wait3A] : memref<2x10240x16xf32, #tpu.memory_space<hbm>> -> memref<1x128x16xf32, #tpu.memory_space<hbm>>
      %dma_wait3A_42 = tpu.memref_squeeze %dma_wait3A_41 : memref<1x128x16xf32, #tpu.memory_space<hbm>> -> memref<128x16xf32, #tpu.memory_space<hbm>>
      %dma_wait3A_43 = arith.constant 0 : i32
      %dma_wait3A_44 = tpu.memref_slice %arg7[%add3A_30, %dma_wait3A_43] : memref<10240x16xf32, #tpu.memory_space<vmem_shared>> -> memref<128x16xf32, #tpu.memory_space<vmem_shared>>
      tpu.wait_dma2 semaphore(%run_scoped3A : memref<!tpu.dma_semaphore, #tpu.memory_space<semaphore_mem>>) src(%dma_wait3A_44 : memref<128x16xf32, #tpu.memory_space<vmem_shared>>) dst(%dma_wait3A_42 : memref<128x16xf32, #tpu.memory_space<hbm>>)
      tpu.yield
    }) : () -> ()
    %add3A_31 = arith.constant 256 : i32
    %add3A_32 = arith.addi %mul3A_8, %add3A_31 : i32
    "tpu.region"() ({
      %run_scoped3A = tpu.sem_alloc : memref<!tpu.dma_semaphore, #tpu.memory_space<semaphore_mem>>
      %dma_start3A = arith.constant 0 : i32
      %dma_start3A_37 = tpu.memref_slice %arg3[%arg0, %add3A_32, %dma_start3A] : memref<2x10240x16xf32, #tpu.memory_space<hbm>> -> memref<1x128x16xf32, #tpu.memory_space<hbm>>
      %dma_start3A_38 = tpu.memref_squeeze %dma_start3A_37 : memref<1x128x16xf32, #tpu.memory_space<hbm>> -> memref<128x16xf32, #tpu.memory_space<hbm>>
      %dma_start3A_39 = arith.constant 0 : i32
      %dma_start3A_40 = tpu.memref_slice %arg7[%add3A_32, %dma_start3A_39] : memref<10240x16xf32, #tpu.memory_space<vmem_shared>> -> memref<128x16xf32, #tpu.memory_space<vmem_shared>>
      tpu.enqueue_dma source(%dma_start3A_40 : memref<128x16xf32, #tpu.memory_space<vmem_shared>>) target(%dma_start3A_38 : memref<128x16xf32, #tpu.memory_space<hbm>>) target_semaphore(%run_scoped3A : memref<!tpu.dma_semaphore, #tpu.memory_space<semaphore_mem>>)
      %dma_wait3A = arith.constant 0 : i32
      %dma_wait3A_41 = tpu.memref_slice %arg3[%arg0, %add3A_32, %dma_wait3A] : memref<2x10240x16xf32, #tpu.memory_space<hbm>> -> memref<1x128x16xf32, #tpu.memory_space<hbm>>
      %dma_wait3A_42 = tpu.memref_squeeze %dma_wait3A_41 : memref<1x128x16xf32, #tpu.memory_space<hbm>> -> memref<128x16xf32, #tpu.memory_space<hbm>>
      %dma_wait3A_43 = arith.constant 0 : i32
      %dma_wait3A_44 = tpu.memref_slice %arg7[%add3A_32, %dma_wait3A_43] : memref<10240x16xf32, #tpu.memory_space<vmem_shared>> -> memref<128x16xf32, #tpu.memory_space<vmem_shared>>
      tpu.wait_dma2 semaphore(%run_scoped3A : memref<!tpu.dma_semaphore, #tpu.memory_space<semaphore_mem>>) src(%dma_wait3A_44 : memref<128x16xf32, #tpu.memory_space<vmem_shared>>) dst(%dma_wait3A_42 : memref<128x16xf32, #tpu.memory_space<hbm>>)
      tpu.yield
    }) : () -> ()
    %add3A_33 = arith.constant 384 : i32
    %add3A_34 = arith.addi %mul3A_8, %add3A_33 : i32
    "tpu.region"() ({
      %run_scoped3A = tpu.sem_alloc : memref<!tpu.dma_semaphore, #tpu.memory_space<semaphore_mem>>
      %dma_start3A = arith.constant 0 : i32
      %dma_start3A_37 = tpu.memref_slice %arg3[%arg0, %add3A_34, %dma_start3A] : memref<2x10240x16xf32, #tpu.memory_space<hbm>> -> memref<1x128x16xf32, #tpu.memory_space<hbm>>
      %dma_start3A_38 = tpu.memref_squeeze %dma_start3A_37 : memref<1x128x16xf32, #tpu.memory_space<hbm>> -> memref<128x16xf32, #tpu.memory_space<hbm>>
      %dma_start3A_39 = arith.constant 0 : i32
      %dma_start3A_40 = tpu.memref_slice %arg7[%add3A_34, %dma_start3A_39] : memref<10240x16xf32, #tpu.memory_space<vmem_shared>> -> memref<128x16xf32, #tpu.memory_space<vmem_shared>>
      tpu.enqueue_dma source(%dma_start3A_40 : memref<128x16xf32, #tpu.memory_space<vmem_shared>>) target(%dma_start3A_38 : memref<128x16xf32, #tpu.memory_space<hbm>>) target_semaphore(%run_scoped3A : memref<!tpu.dma_semaphore, #tpu.memory_space<semaphore_mem>>)
      %dma_wait3A = arith.constant 0 : i32
      %dma_wait3A_41 = tpu.memref_slice %arg3[%arg0, %add3A_34, %dma_wait3A] : memref<2x10240x16xf32, #tpu.memory_space<hbm>> -> memref<1x128x16xf32, #tpu.memory_space<hbm>>
      %dma_wait3A_42 = tpu.memref_squeeze %dma_wait3A_41 : memref<1x128x16xf32, #tpu.memory_space<hbm>> -> memref<128x16xf32, #tpu.memory_space<hbm>>
      %dma_wait3A_43 = arith.constant 0 : i32
      %dma_wait3A_44 = tpu.memref_slice %arg7[%add3A_34, %dma_wait3A_43] : memref<10240x16xf32, #tpu.memory_space<vmem_shared>> -> memref<128x16xf32, #tpu.memory_space<vmem_shared>>
      tpu.wait_dma2 semaphore(%run_scoped3A : memref<!tpu.dma_semaphore, #tpu.memory_space<semaphore_mem>>) src(%dma_wait3A_44 : memref<128x16xf32, #tpu.memory_space<vmem_shared>>) dst(%dma_wait3A_42 : memref<128x16xf32, #tpu.memory_space<hbm>>)
      tpu.yield
    }) : () -> ()
    %add3A_35 = arith.constant 512 : i32
    %add3A_36 = arith.addi %mul3A_8, %add3A_35 : i32
    "tpu.region"() ({
      %run_scoped3A = tpu.sem_alloc : memref<!tpu.dma_semaphore, #tpu.memory_space<semaphore_mem>>
      %dma_start3A = arith.constant 0 : i32
      %dma_start3A_37 = tpu.memref_slice %arg3[%arg0, %add3A_36, %dma_start3A] : memref<2x10240x16xf32, #tpu.memory_space<hbm>> -> memref<1x128x16xf32, #tpu.memory_space<hbm>>
      %dma_start3A_38 = tpu.memref_squeeze %dma_start3A_37 : memref<1x128x16xf32, #tpu.memory_space<hbm>> -> memref<128x16xf32, #tpu.memory_space<hbm>>
      %dma_start3A_39 = arith.constant 0 : i32
      %dma_start3A_40 = tpu.memref_slice %arg7[%add3A_36, %dma_start3A_39] : memref<10240x16xf32, #tpu.memory_space<vmem_shared>> -> memref<128x16xf32, #tpu.memory_space<vmem_shared>>
      tpu.enqueue_dma source(%dma_start3A_40 : memref<128x16xf32, #tpu.memory_space<vmem_shared>>) target(%dma_start3A_38 : memref<128x16xf32, #tpu.memory_space<hbm>>) target_semaphore(%run_scoped3A : memref<!tpu.dma_semaphore, #tpu.memory_space<semaphore_mem>>)
      %dma_wait3A = arith.constant 0 : i32
      %dma_wait3A_41 = tpu.memref_slice %arg3[%arg0, %add3A_36, %dma_wait3A] : memref<2x10240x16xf32, #tpu.memory_space<hbm>> -> memref<1x128x16xf32, #tpu.memory_space<hbm>>
      %dma_wait3A_42 = tpu.memref_squeeze %dma_wait3A_41 : memref<1x128x16xf32, #tpu.memory_space<hbm>> -> memref<128x16xf32, #tpu.memory_space<hbm>>
      %dma_wait3A_43 = arith.constant 0 : i32
      %dma_wait3A_44 = tpu.memref_slice %arg7[%add3A_36, %dma_wait3A_43] : memref<10240x16xf32, #tpu.memory_space<vmem_shared>> -> memref<128x16xf32, #tpu.memory_space<vmem_shared>>
      tpu.wait_dma2 semaphore(%run_scoped3A : memref<!tpu.dma_semaphore, #tpu.memory_space<semaphore_mem>>) src(%dma_wait3A_44 : memref<128x16xf32, #tpu.memory_space<vmem_shared>>) dst(%dma_wait3A_42 : memref<128x16xf32, #tpu.memory_space<hbm>>)
      tpu.yield
    }) : () -> ()
    return
  }
}

#map = affine_map<(d0, d1) -> (0, 0, 0)>
#map1 = affine_map<(d0, d1) -> (0, 0)>
module attributes {stable_mosaic.version = 14 : i64} {
  func.func @k(%arg0: i32, %arg1: i32, %arg2: memref<32x80x128xi32, #tpu.memory_space<hbm>>, %arg3: memref<32x80x128xi32, #tpu.memory_space<hbm>>, %arg4: memref<10000x48xf32, #tpu.memory_space<hbm>>, %arg5: memref<2x10240x48xf32, #tpu.memory_space<hbm>>, %arg6: memref<80x128xi32, #tpu.memory_space<vmem>>, %arg7: memref<80x128xi32, #tpu.memory_space<vmem>>, %arg8: memref<128x48xf32, #tpu.memory_space<vmem>>, %arg9: memref<128x48xf32, #tpu.memory_space<vmem>>, %arg10: memref<128x48xf32, #tpu.memory_space<vmem>>, %arg11: memref<10000x48xf32, #tpu.memory_space<vmem_shared>>, %arg12: memref<10240x48xf32, #tpu.memory_space<vmem_shared>>, %arg13: memref<!tpu.dma_semaphore, #tpu.memory_space<semaphore_mem>>, %arg14: memref<!tpu.dma_semaphore, #tpu.memory_space<semaphore_mem>>, %arg15: memref<!tpu.dma_semaphore, #tpu.memory_space<semaphore_mem>>) attributes {dimension_semantics = [#tpu.dimension_semantics<core_parallel>, #tpu.dimension_semantics<subcore_parallel>], iteration_bounds = array<i64: 2, 16>, scalar_prefetch = 0 : i64, scratch_operands = 10 : i64, tpu.core_type = #tpu.core_type<sc_vector_subcore>, window_params = [{transform_indices = #map}, {transform_indices = #map}, {transform_indices = #map1}, {transform_indices = #map}]} {
    %mul3A = arith.constant 16 : i32
    %mul3A_0 = arith.muli %arg0, %mul3A : i32
    %add3A = arith.addi %mul3A_0, %arg1 : i32
    "tpu.region"() ({
      %run_scoped3A_113 = tpu.sem_alloc : memref<!tpu.dma_semaphore, #tpu.memory_space<semaphore_mem>>
      %dma_start3A_114 = arith.constant 0 : i32
      %dma_start3A_115 = arith.constant 0 : i32
      %dma_start3A_116 = tpu.memref_slice %arg2[%add3A, %dma_start3A_114, %dma_start3A_115] : memref<32x80x128xi32, #tpu.memory_space<hbm>> -> memref<1x80x128xi32, #tpu.memory_space<hbm>>
      %dma_start3A_117 = tpu.memref_squeeze %dma_start3A_116 : memref<1x80x128xi32, #tpu.memory_space<hbm>> -> memref<80x128xi32, #tpu.memory_space<hbm>>
      %dma_start3A_118 = arith.constant 0 : i32
      %dma_start3A_119 = arith.constant 0 : i32
      %dma_start3A_120 = tpu.memref_slice %arg2[%add3A, %dma_start3A_118, %dma_start3A_119] : memref<32x80x128xi32, #tpu.memory_space<hbm>> -> memref<1x80x128xi32, #tpu.memory_space<hbm>>
      %dma_start3A_121 = tpu.memref_squeeze %dma_start3A_120 : memref<1x80x128xi32, #tpu.memory_space<hbm>> -> memref<80x128xi32, #tpu.memory_space<hbm>>
      tpu.enqueue_dma source(%dma_start3A_121 : memref<80x128xi32, #tpu.memory_space<hbm>>) target(%arg6 : memref<80x128xi32, #tpu.memory_space<vmem>>) target_semaphore(%run_scoped3A_113 : memref<!tpu.dma_semaphore, #tpu.memory_space<semaphore_mem>>)
      %dma_wait3A_122 = arith.constant 0 : i32
      %dma_wait3A_123 = arith.constant 0 : i32
      %dma_wait3A_124 = tpu.memref_slice %arg2[%add3A, %dma_wait3A_122, %dma_wait3A_123] : memref<32x80x128xi32, #tpu.memory_space<hbm>> -> memref<1x80x128xi32, #tpu.memory_space<hbm>>
      %dma_wait3A_125 = tpu.memref_squeeze %dma_wait3A_124 : memref<1x80x128xi32, #tpu.memory_space<hbm>> -> memref<80x128xi32, #tpu.memory_space<hbm>>
      %dma_wait3A_126 = arith.constant 0 : i32
      %dma_wait3A_127 = arith.constant 0 : i32
      %dma_wait3A_128 = tpu.memref_slice %arg2[%add3A, %dma_wait3A_126, %dma_wait3A_127] : memref<32x80x128xi32, #tpu.memory_space<hbm>> -> memref<1x80x128xi32, #tpu.memory_space<hbm>>
      %dma_wait3A_129 = tpu.memref_squeeze %dma_wait3A_128 : memref<1x80x128xi32, #tpu.memory_space<hbm>> -> memref<80x128xi32, #tpu.memory_space<hbm>>
      tpu.wait_dma2 semaphore(%run_scoped3A_113 : memref<!tpu.dma_semaphore, #tpu.memory_space<semaphore_mem>>) src(%dma_wait3A_129 : memref<80x128xi32, #tpu.memory_space<hbm>>) dst(%arg6 : memref<80x128xi32, #tpu.memory_space<vmem>>)
      tpu.yield
    }) : () -> ()
    "tpu.region"() ({
      %run_scoped3A_113 = tpu.sem_alloc : memref<!tpu.dma_semaphore, #tpu.memory_space<semaphore_mem>>
      %dma_start3A_114 = arith.constant 0 : i32
      %dma_start3A_115 = arith.constant 0 : i32
      %dma_start3A_116 = tpu.memref_slice %arg3[%add3A, %dma_start3A_114, %dma_start3A_115] : memref<32x80x128xi32, #tpu.memory_space<hbm>> -> memref<1x80x128xi32, #tpu.memory_space<hbm>>
      %dma_start3A_117 = tpu.memref_squeeze %dma_start3A_116 : memref<1x80x128xi32, #tpu.memory_space<hbm>> -> memref<80x128xi32, #tpu.memory_space<hbm>>
      %dma_start3A_118 = arith.constant 0 : i32
      %dma_start3A_119 = arith.constant 0 : i32
      %dma_start3A_120 = tpu.memref_slice %arg3[%add3A, %dma_start3A_118, %dma_start3A_119] : memref<32x80x128xi32, #tpu.memory_space<hbm>> -> memref<1x80x128xi32, #tpu.memory_space<hbm>>
      %dma_start3A_121 = tpu.memref_squeeze %dma_start3A_120 : memref<1x80x128xi32, #tpu.memory_space<hbm>> -> memref<80x128xi32, #tpu.memory_space<hbm>>
      tpu.enqueue_dma source(%dma_start3A_121 : memref<80x128xi32, #tpu.memory_space<hbm>>) target(%arg7 : memref<80x128xi32, #tpu.memory_space<vmem>>) target_semaphore(%run_scoped3A_113 : memref<!tpu.dma_semaphore, #tpu.memory_space<semaphore_mem>>)
      %dma_wait3A_122 = arith.constant 0 : i32
      %dma_wait3A_123 = arith.constant 0 : i32
      %dma_wait3A_124 = tpu.memref_slice %arg3[%add3A, %dma_wait3A_122, %dma_wait3A_123] : memref<32x80x128xi32, #tpu.memory_space<hbm>> -> memref<1x80x128xi32, #tpu.memory_space<hbm>>
      %dma_wait3A_125 = tpu.memref_squeeze %dma_wait3A_124 : memref<1x80x128xi32, #tpu.memory_space<hbm>> -> memref<80x128xi32, #tpu.memory_space<hbm>>
      %dma_wait3A_126 = arith.constant 0 : i32
      %dma_wait3A_127 = arith.constant 0 : i32
      %dma_wait3A_128 = tpu.memref_slice %arg3[%add3A, %dma_wait3A_126, %dma_wait3A_127] : memref<32x80x128xi32, #tpu.memory_space<hbm>> -> memref<1x80x128xi32, #tpu.memory_space<hbm>>
      %dma_wait3A_129 = tpu.memref_squeeze %dma_wait3A_128 : memref<1x80x128xi32, #tpu.memory_space<hbm>> -> memref<80x128xi32, #tpu.memory_space<hbm>>
      tpu.wait_dma2 semaphore(%run_scoped3A_113 : memref<!tpu.dma_semaphore, #tpu.memory_space<semaphore_mem>>) src(%dma_wait3A_129 : memref<80x128xi32, #tpu.memory_space<hbm>>) dst(%arg7 : memref<80x128xi32, #tpu.memory_space<vmem>>)
      tpu.yield
    }) : () -> ()
    %mul3A_1 = arith.constant 625 : i32
    %mul3A_2 = arith.muli %arg1, %mul3A_1 : i32
    %mul3A_3 = arith.constant 625 : i32
    %mul3A_4 = arith.muli %arg1, %mul3A_3 : i32
    "tpu.region"() ({
      %run_scoped3A_113 = tpu.sem_alloc : memref<!tpu.dma_semaphore, #tpu.memory_space<semaphore_mem>>
      %dma_start3A_114 = arith.constant 0 : i32
      %dma_start3A_115 = tpu.memref_slice %arg11[%mul3A_4, %dma_start3A_114] : memref<10000x48xf32, #tpu.memory_space<vmem_shared>> -> memref<625x48xf32, #tpu.memory_space<vmem_shared>>
      %dma_start3A_116 = arith.constant 0 : i32
      %dma_start3A_117 = tpu.memref_slice %arg4[%mul3A_2, %dma_start3A_116] : memref<10000x48xf32, #tpu.memory_space<hbm>> -> memref<625x48xf32, #tpu.memory_space<hbm>>
      tpu.enqueue_dma source(%dma_start3A_117 : memref<625x48xf32, #tpu.memory_space<hbm>>) target(%dma_start3A_115 : memref<625x48xf32, #tpu.memory_space<vmem_shared>>) target_semaphore(%run_scoped3A_113 : memref<!tpu.dma_semaphore, #tpu.memory_space<semaphore_mem>>)
      %dma_wait3A_118 = arith.constant 0 : i32
      %dma_wait3A_119 = tpu.memref_slice %arg11[%mul3A_4, %dma_wait3A_118] : memref<10000x48xf32, #tpu.memory_space<vmem_shared>> -> memref<625x48xf32, #tpu.memory_space<vmem_shared>>
      %dma_wait3A_120 = arith.constant 0 : i32
      %dma_wait3A_121 = tpu.memref_slice %arg4[%mul3A_2, %dma_wait3A_120] : memref<10000x48xf32, #tpu.memory_space<hbm>> -> memref<625x48xf32, #tpu.memory_space<hbm>>
      tpu.wait_dma2 semaphore(%run_scoped3A_113 : memref<!tpu.dma_semaphore, #tpu.memory_space<semaphore_mem>>) src(%dma_wait3A_121 : memref<625x48xf32, #tpu.memory_space<hbm>>) dst(%dma_wait3A_119 : memref<625x48xf32, #tpu.memory_space<vmem_shared>>)
      tpu.yield
    }) : () -> ()
    %scan3A = arith.constant 0 : i32
    %scan3A_5 = arith.constant 0 : i32
    %scan3A_6 = arith.constant 128 : i32
    %scan3A_7 = arith.addi %scan3A_5, %scan3A_6 : i32
    %scan3A_8 = arith.constant 1 : i32
    %scan3A_9 = scf.for %scan3A_113 = %scan3A_5 to %scan3A_7 step %scan3A_8 iter_args(%scan3A_114 = %scan3A) -> (i32)  : i32 {
      %broadcast_in_dim3A = arith.constant 0.000000e+00 : f32
      %broadcast_in_dim3A_115 = vector.broadcast %broadcast_in_dim3A : f32 to vector<16xf32>
      %swap3A = arith.index_cast %scan3A_113 : i32 to index
      %swap3A_116 = arith.constant 0 : index
      %swap3A_117 = tpu.vector_load %arg8[%swap3A, %swap3A_116] {strides = array<i32>} : memref<128x48xf32, #tpu.memory_space<vmem>>, vector<1x16xf32>,
      %swap3A_118 = vector.shape_cast %swap3A_117 : vector<1x16xf32> to vector<16xf32>
      %swap3A_119 = vector.shape_cast %broadcast_in_dim3A_115 : vector<16xf32> to vector<1x16xf32>
      tpu.vector_store %arg8[%swap3A, %swap3A_116], %swap3A_119 {strides = array<i32>} : memref<128x48xf32, #tpu.memory_space<vmem>>, vector<1x16xf32>,
      %broadcast_in_dim3A_120 = arith.constant 0.000000e+00 : f32
      %broadcast_in_dim3A_121 = vector.broadcast %broadcast_in_dim3A_120 : f32 to vector<16xf32>
      %swap3A_122 = arith.index_cast %scan3A_113 : i32 to index
      %swap3A_123 = arith.constant 16 : index
      %swap3A_124 = tpu.vector_load %arg8[%swap3A_122, %swap3A_123] {strides = array<i32>} : memref<128x48xf32, #tpu.memory_space<vmem>>, vector<1x16xf32>,
      %swap3A_125 = vector.shape_cast %swap3A_124 : vector<1x16xf32> to vector<16xf32>
      %swap3A_126 = vector.shape_cast %broadcast_in_dim3A_121 : vector<16xf32> to vector<1x16xf32>
      tpu.vector_store %arg8[%swap3A_122, %swap3A_123], %swap3A_126 {strides = array<i32>} : memref<128x48xf32, #tpu.memory_space<vmem>>, vector<1x16xf32>,
      %broadcast_in_dim3A_127 = arith.constant 0.000000e+00 : f32
      %broadcast_in_dim3A_128 = vector.broadcast %broadcast_in_dim3A_127 : f32 to vector<16xf32>
      %swap3A_129 = arith.index_cast %scan3A_113 : i32 to index
      %swap3A_130 = arith.constant 32 : index
      %swap3A_131 = tpu.vector_load %arg8[%swap3A_129, %swap3A_130] {strides = array<i32>} : memref<128x48xf32, #tpu.memory_space<vmem>>, vector<1x16xf32>,
      %swap3A_132 = vector.shape_cast %swap3A_131 : vector<1x16xf32> to vector<16xf32>
      %swap3A_133 = vector.shape_cast %broadcast_in_dim3A_128 : vector<16xf32> to vector<1x16xf32>
      tpu.vector_store %arg8[%swap3A_129, %swap3A_130], %swap3A_133 {strides = array<i32>} : memref<128x48xf32, #tpu.memory_space<vmem>>, vector<1x16xf32>,
      %scan3A_134 = arith.constant 0 : i32
      scf.yield %scan3A_134 : i32
    }
    %scan3A_10 = arith.constant 128 : i32
    %mul3A_11 = arith.constant 640 : i32
    %mul3A_12 = arith.muli %arg1, %mul3A_11 : i32
    %add3A_13 = arith.constant 0 : i32
    %add3A_14 = arith.addi %mul3A_12, %add3A_13 : i32
    "tpu.region"() ({
      %run_scoped3A_113 = tpu.sem_alloc : memref<!tpu.dma_semaphore, #tpu.memory_space<semaphore_mem>>
      %dma_start3A_114 = arith.constant 0 : i32
      %dma_start3A_115 = tpu.memref_slice %arg12[%add3A_14, %dma_start3A_114] : memref<10240x48xf32, #tpu.memory_space<vmem_shared>> -> memref<128x48xf32, #tpu.memory_space<vmem_shared>>
      %dma_start3A_116 = arith.constant 0 : i32
      %dma_start3A_117 = tpu.memref_slice %arg12[%add3A_14, %dma_start3A_116] : memref<10240x48xf32, #tpu.memory_space<vmem_shared>> -> memref<128x48xf32, #tpu.memory_space<vmem_shared>>
      tpu.enqueue_dma source(%arg8 : memref<128x48xf32, #tpu.memory_space<vmem>>) target(%dma_start3A_117 : memref<128x48xf32, #tpu.memory_space<vmem_shared>>) target_semaphore(%run_scoped3A_113 : memref<!tpu.dma_semaphore, #tpu.memory_space<semaphore_mem>>)
      %dma_wait3A_118 = arith.constant 0 : i32
      %dma_wait3A_119 = tpu.memref_slice %arg12[%add3A_14, %dma_wait3A_118] : memref<10240x48xf32, #tpu.memory_space<vmem_shared>> -> memref<128x48xf32, #tpu.memory_space<vmem_shared>>
      %dma_wait3A_120 = arith.constant 0 : i32
      %dma_wait3A_121 = tpu.memref_slice %arg12[%add3A_14, %dma_wait3A_120] : memref<10240x48xf32, #tpu.memory_space<vmem_shared>> -> memref<128x48xf32, #tpu.memory_space<vmem_shared>>
      tpu.wait_dma2 semaphore(%run_scoped3A_113 : memref<!tpu.dma_semaphore, #tpu.memory_space<semaphore_mem>>) src(%arg8 : memref<128x48xf32, #tpu.memory_space<vmem>>) dst(%dma_wait3A_121 : memref<128x48xf32, #tpu.memory_space<vmem_shared>>)
      tpu.yield
    }) : () -> ()
    %add3A_15 = arith.constant 128 : i32
    %add3A_16 = arith.addi %mul3A_12, %add3A_15 : i32
    "tpu.region"() ({
      %run_scoped3A_113 = tpu.sem_alloc : memref<!tpu.dma_semaphore, #tpu.memory_space<semaphore_mem>>
      %dma_start3A_114 = arith.constant 0 : i32
      %dma_start3A_115 = tpu.memref_slice %arg12[%add3A_16, %dma_start3A_114] : memref<10240x48xf32, #tpu.memory_space<vmem_shared>> -> memref<128x48xf32, #tpu.memory_space<vmem_shared>>
      %dma_start3A_116 = arith.constant 0 : i32
      %dma_start3A_117 = tpu.memref_slice %arg12[%add3A_16, %dma_start3A_116] : memref<10240x48xf32, #tpu.memory_space<vmem_shared>> -> memref<128x48xf32, #tpu.memory_space<vmem_shared>>
      tpu.enqueue_dma source(%arg8 : memref<128x48xf32, #tpu.memory_space<vmem>>) target(%dma_start3A_117 : memref<128x48xf32, #tpu.memory_space<vmem_shared>>) target_semaphore(%run_scoped3A_113 : memref<!tpu.dma_semaphore, #tpu.memory_space<semaphore_mem>>)
      %dma_wait3A_118 = arith.constant 0 : i32
      %dma_wait3A_119 = tpu.memref_slice %arg12[%add3A_16, %dma_wait3A_118] : memref<10240x48xf32, #tpu.memory_space<vmem_shared>> -> memref<128x48xf32, #tpu.memory_space<vmem_shared>>
      %dma_wait3A_120 = arith.constant 0 : i32
      %dma_wait3A_121 = tpu.memref_slice %arg12[%add3A_16, %dma_wait3A_120] : memref<10240x48xf32, #tpu.memory_space<vmem_shared>> -> memref<128x48xf32, #tpu.memory_space<vmem_shared>>
      tpu.wait_dma2 semaphore(%run_scoped3A_113 : memref<!tpu.dma_semaphore, #tpu.memory_space<semaphore_mem>>) src(%arg8 : memref<128x48xf32, #tpu.memory_space<vmem>>) dst(%dma_wait3A_121 : memref<128x48xf32, #tpu.memory_space<vmem_shared>>)
      tpu.yield
    }) : () -> ()
    %add3A_17 = arith.constant 256 : i32
    %add3A_18 = arith.addi %mul3A_12, %add3A_17 : i32
    "tpu.region"() ({
      %run_scoped3A_113 = tpu.sem_alloc : memref<!tpu.dma_semaphore, #tpu.memory_space<semaphore_mem>>
      %dma_start3A_114 = arith.constant 0 : i32
      %dma_start3A_115 = tpu.memref_slice %arg12[%add3A_18, %dma_start3A_114] : memref<10240x48xf32, #tpu.memory_space<vmem_shared>> -> memref<128x48xf32, #tpu.memory_space<vmem_shared>>
      %dma_start3A_116 = arith.constant 0 : i32
      %dma_start3A_117 = tpu.memref_slice %arg12[%add3A_18, %dma_start3A_116] : memref<10240x48xf32, #tpu.memory_space<vmem_shared>> -> memref<128x48xf32, #tpu.memory_space<vmem_shared>>
      tpu.enqueue_dma source(%arg8 : memref<128x48xf32, #tpu.memory_space<vmem>>) target(%dma_start3A_117 : memref<128x48xf32, #tpu.memory_space<vmem_shared>>) target_semaphore(%run_scoped3A_113 : memref<!tpu.dma_semaphore, #tpu.memory_space<semaphore_mem>>)
      %dma_wait3A_118 = arith.constant 0 : i32
      %dma_wait3A_119 = tpu.memref_slice %arg12[%add3A_18, %dma_wait3A_118] : memref<10240x48xf32, #tpu.memory_space<vmem_shared>> -> memref<128x48xf32, #tpu.memory_space<vmem_shared>>
      %dma_wait3A_120 = arith.constant 0 : i32
      %dma_wait3A_121 = tpu.memref_slice %arg12[%add3A_18, %dma_wait3A_120] : memref<10240x48xf32, #tpu.memory_space<vmem_shared>> -> memref<128x48xf32, #tpu.memory_space<vmem_shared>>
      tpu.wait_dma2 semaphore(%run_scoped3A_113 : memref<!tpu.dma_semaphore, #tpu.memory_space<semaphore_mem>>) src(%arg8 : memref<128x48xf32, #tpu.memory_space<vmem>>) dst(%dma_wait3A_121 : memref<128x48xf32, #tpu.memory_space<vmem_shared>>)
      tpu.yield
    }) : () -> ()
    %add3A_19 = arith.constant 384 : i32
    %add3A_20 = arith.addi %mul3A_12, %add3A_19 : i32
    "tpu.region"() ({
      %run_scoped3A_113 = tpu.sem_alloc : memref<!tpu.dma_semaphore, #tpu.memory_space<semaphore_mem>>
      %dma_start3A_114 = arith.constant 0 : i32
      %dma_start3A_115 = tpu.memref_slice %arg12[%add3A_20, %dma_start3A_114] : memref<10240x48xf32, #tpu.memory_space<vmem_shared>> -> memref<128x48xf32, #tpu.memory_space<vmem_shared>>
      %dma_start3A_116 = arith.constant 0 : i32
      %dma_start3A_117 = tpu.memref_slice %arg12[%add3A_20, %dma_start3A_116] : memref<10240x48xf32, #tpu.memory_space<vmem_shared>> -> memref<128x48xf32, #tpu.memory_space<vmem_shared>>
      tpu.enqueue_dma source(%arg8 : memref<128x48xf32, #tpu.memory_space<vmem>>) target(%dma_start3A_117 : memref<128x48xf32, #tpu.memory_space<vmem_shared>>) target_semaphore(%run_scoped3A_113 : memref<!tpu.dma_semaphore, #tpu.memory_space<semaphore_mem>>)
      %dma_wait3A_118 = arith.constant 0 : i32
      %dma_wait3A_119 = tpu.memref_slice %arg12[%add3A_20, %dma_wait3A_118] : memref<10240x48xf32, #tpu.memory_space<vmem_shared>> -> memref<128x48xf32, #tpu.memory_space<vmem_shared>>
      %dma_wait3A_120 = arith.constant 0 : i32
      %dma_wait3A_121 = tpu.memref_slice %arg12[%add3A_20, %dma_wait3A_120] : memref<10240x48xf32, #tpu.memory_space<vmem_shared>> -> memref<128x48xf32, #tpu.memory_space<vmem_shared>>
      tpu.wait_dma2 semaphore(%run_scoped3A_113 : memref<!tpu.dma_semaphore, #tpu.memory_space<semaphore_mem>>) src(%arg8 : memref<128x48xf32, #tpu.memory_space<vmem>>) dst(%dma_wait3A_121 : memref<128x48xf32, #tpu.memory_space<vmem_shared>>)
      tpu.yield
    }) : () -> ()
    %add3A_21 = arith.constant 512 : i32
    %add3A_22 = arith.addi %mul3A_12, %add3A_21 : i32
    "tpu.region"() ({
      %run_scoped3A_113 = tpu.sem_alloc : memref<!tpu.dma_semaphore, #tpu.memory_space<semaphore_mem>>
      %dma_start3A_114 = arith.constant 0 : i32
      %dma_start3A_115 = tpu.memref_slice %arg12[%add3A_22, %dma_start3A_114] : memref<10240x48xf32, #tpu.memory_space<vmem_shared>> -> memref<128x48xf32, #tpu.memory_space<vmem_shared>>
      %dma_start3A_116 = arith.constant 0 : i32
      %dma_start3A_117 = tpu.memref_slice %arg12[%add3A_22, %dma_start3A_116] : memref<10240x48xf32, #tpu.memory_space<vmem_shared>> -> memref<128x48xf32, #tpu.memory_space<vmem_shared>>
      tpu.enqueue_dma source(%arg8 : memref<128x48xf32, #tpu.memory_space<vmem>>) target(%dma_start3A_117 : memref<128x48xf32, #tpu.memory_space<vmem_shared>>) target_semaphore(%run_scoped3A_113 : memref<!tpu.dma_semaphore, #tpu.memory_space<semaphore_mem>>)
      %dma_wait3A_118 = arith.constant 0 : i32
      %dma_wait3A_119 = tpu.memref_slice %arg12[%add3A_22, %dma_wait3A_118] : memref<10240x48xf32, #tpu.memory_space<vmem_shared>> -> memref<128x48xf32, #tpu.memory_space<vmem_shared>>
      %dma_wait3A_120 = arith.constant 0 : i32
      %dma_wait3A_121 = tpu.memref_slice %arg12[%add3A_22, %dma_wait3A_120] : memref<10240x48xf32, #tpu.memory_space<vmem_shared>> -> memref<128x48xf32, #tpu.memory_space<vmem_shared>>
      tpu.wait_dma2 semaphore(%run_scoped3A_113 : memref<!tpu.dma_semaphore, #tpu.memory_space<semaphore_mem>>) src(%arg8 : memref<128x48xf32, #tpu.memory_space<vmem>>) dst(%dma_wait3A_121 : memref<128x48xf32, #tpu.memory_space<vmem_shared>>)
      tpu.yield
    }) : () -> ()
    %barrier3A = arith.constant 0 : index
    tpu.barrier barrier_id(%barrier3A)
    %dma_start3A = arith.constant 0 : i32
    %dma_start3A_23 = arith.constant 0 : i32
    %dma_start3A_24 = tpu.memref_slice %arg6[%dma_start3A, %dma_start3A_23] : memref<80x128xi32, #tpu.memory_space<vmem>> -> memref<1x128xi32, #tpu.memory_space<vmem>>
    %dma_start3A_25 = tpu.memref_squeeze %dma_start3A_24 : memref<1x128xi32, #tpu.memory_space<vmem>> -> memref<128xi32, #tpu.memory_space<vmem>>
    %dma_start3A_26 = arith.constant 0 : i32
    %dma_start3A_27 = arith.constant 0 : i32
    %dma_start3A_28 = tpu.memref_slice %arg11[%dma_start3A_26, %dma_start3A_27] : memref<10000x48xf32, #tpu.memory_space<vmem_shared>> -> memref<10000x48xf32, #tpu.memory_space<vmem_shared>>
    tpu.enqueue_indirect_dma source(%dma_start3A_28 : memref<10000x48xf32, #tpu.memory_space<vmem_shared>>) target(%arg8 : memref<128x48xf32, #tpu.memory_space<vmem>>) offsets(%dma_start3A_25 : memref<128xi32, #tpu.memory_space<vmem>>) semaphore(%arg13 : memref<!tpu.dma_semaphore, #tpu.memory_space<semaphore_mem>>)
    %dma_start3A_29 = arith.constant 1 : i32
    %dma_start3A_30 = arith.constant 0 : i32
    %dma_start3A_31 = tpu.memref_slice %arg6[%dma_start3A_29, %dma_start3A_30] : memref<80x128xi32, #tpu.memory_space<vmem>> -> memref<1x128xi32, #tpu.memory_space<vmem>>
    %dma_start3A_32 = tpu.memref_squeeze %dma_start3A_31 : memref<1x128xi32, #tpu.memory_space<vmem>> -> memref<128xi32, #tpu.memory_space<vmem>>
    %dma_start3A_33 = arith.constant 0 : i32
    %dma_start3A_34 = arith.constant 0 : i32
    %dma_start3A_35 = tpu.memref_slice %arg11[%dma_start3A_33, %dma_start3A_34] : memref<10000x48xf32, #tpu.memory_space<vmem_shared>> -> memref<10000x48xf32, #tpu.memory_space<vmem_shared>>
    tpu.enqueue_indirect_dma source(%dma_start3A_35 : memref<10000x48xf32, #tpu.memory_space<vmem_shared>>) target(%arg9 : memref<128x48xf32, #tpu.memory_space<vmem>>) offsets(%dma_start3A_32 : memref<128xi32, #tpu.memory_space<vmem>>) semaphore(%arg14 : memref<!tpu.dma_semaphore, #tpu.memory_space<semaphore_mem>>)
    %dma_start3A_36 = arith.constant 2 : i32
    %dma_start3A_37 = arith.constant 0 : i32
    %dma_start3A_38 = tpu.memref_slice %arg6[%dma_start3A_36, %dma_start3A_37] : memref<80x128xi32, #tpu.memory_space<vmem>> -> memref<1x128xi32, #tpu.memory_space<vmem>>
    %dma_start3A_39 = tpu.memref_squeeze %dma_start3A_38 : memref<1x128xi32, #tpu.memory_space<vmem>> -> memref<128xi32, #tpu.memory_space<vmem>>
    %dma_start3A_40 = arith.constant 0 : i32
    %dma_start3A_41 = arith.constant 0 : i32
    %dma_start3A_42 = tpu.memref_slice %arg11[%dma_start3A_40, %dma_start3A_41] : memref<10000x48xf32, #tpu.memory_space<vmem_shared>> -> memref<10000x48xf32, #tpu.memory_space<vmem_shared>>
    tpu.enqueue_indirect_dma source(%dma_start3A_42 : memref<10000x48xf32, #tpu.memory_space<vmem_shared>>) target(%arg10 : memref<128x48xf32, #tpu.memory_space<vmem>>) offsets(%dma_start3A_39 : memref<128xi32, #tpu.memory_space<vmem>>) semaphore(%arg15 : memref<!tpu.dma_semaphore, #tpu.memory_space<semaphore_mem>>)
    %scan3A_43 = arith.constant 0 : i32
    %scan3A_44 = arith.constant 0 : i32
    %scan3A_45 = arith.constant 25 : i32
    %scan3A_46 = arith.addi %scan3A_44, %scan3A_45 : i32
    %scan3A_47 = arith.constant 1 : i32
    %scan3A_48 = scf.for %scan3A_113 = %scan3A_44 to %scan3A_46 step %scan3A_47 iter_args(%scan3A_114 = %scan3A_43) -> (i32)  : i32 {
      %mul3A_115 = arith.constant 3 : i32
      %mul3A_116 = arith.muli %mul3A_115, %scan3A_113 : i32
      %add3A_117 = arith.constant 0 : i32
      %add3A_118 = arith.addi %mul3A_116, %add3A_117 : i32
      %dma_wait3A_119 = arith.constant 0 : i32
      %dma_wait3A_120 = tpu.memref_slice %arg6[%add3A_118, %dma_wait3A_119] : memref<80x128xi32, #tpu.memory_space<vmem>> -> memref<1x128xi32, #tpu.memory_space<vmem>>
      %dma_wait3A_121 = tpu.memref_squeeze %dma_wait3A_120 : memref<1x128xi32, #tpu.memory_space<vmem>> -> memref<128xi32, #tpu.memory_space<vmem>>
      %dma_wait3A_122 = arith.constant 0 : i32
      %dma_wait3A_123 = arith.constant 0 : i32
      %dma_wait3A_124 = tpu.memref_slice %arg11[%dma_wait3A_122, %dma_wait3A_123] : memref<10000x48xf32, #tpu.memory_space<vmem_shared>> -> memref<10000x48xf32, #tpu.memory_space<vmem_shared>>
      tpu.wait_indirect_dma semaphore(%arg13 : memref<!tpu.dma_semaphore, #tpu.memory_space<semaphore_mem>>) src(%dma_wait3A_124 : memref<10000x48xf32, #tpu.memory_space<vmem_shared>>) dst(%arg8 : memref<128x48xf32, #tpu.memory_space<vmem>>)
      %add3A_125 = arith.constant 0 : i32
      %add3A_126 = arith.addi %mul3A_116, %add3A_125 : i32
      "tpu.region"() ({
        %run_scoped3A_178 = tpu.sem_alloc : memref<!tpu.dma_semaphore, #tpu.memory_space<semaphore_mem>>
        %dma_start3A_179 = arith.constant 0 : i32
        %dma_start3A_180 = tpu.memref_slice %arg7[%add3A_126, %dma_start3A_179] : memref<80x128xi32, #tpu.memory_space<vmem>> -> memref<1x128xi32, #tpu.memory_space<vmem>>
        %dma_start3A_181 = tpu.memref_squeeze %dma_start3A_180 : memref<1x128xi32, #tpu.memory_space<vmem>> -> memref<128xi32, #tpu.memory_space<vmem>>
        %dma_start3A_182 = arith.constant 0 : i32
        %dma_start3A_183 = arith.constant 0 : i32
        %dma_start3A_184 = tpu.memref_slice %arg12[%dma_start3A_182, %dma_start3A_183] : memref<10240x48xf32, #tpu.memory_space<vmem_shared>> -> memref<10240x48xf32, #tpu.memory_space<vmem_shared>>
        tpu.enqueue_indirect_dma source(%arg8 : memref<128x48xf32, #tpu.memory_space<vmem>>) target(%dma_start3A_184 : memref<10240x48xf32, #tpu.memory_space<vmem_shared>>) offsets(%dma_start3A_181 : memref<128xi32, #tpu.memory_space<vmem>>) semaphore(%run_scoped3A_178 : memref<!tpu.dma_semaphore, #tpu.memory_space<semaphore_mem>>) {add = true}
        %dma_wait3A_185 = arith.constant 0 : i32
        %dma_wait3A_186 = tpu.memref_slice %arg7[%add3A_126, %dma_wait3A_185] : memref<80x128xi32, #tpu.memory_space<vmem>> -> memref<1x128xi32, #tpu.memory_space<vmem>>
        %dma_wait3A_187 = tpu.memref_squeeze %dma_wait3A_186 : memref<1x128xi32, #tpu.memory_space<vmem>> -> memref<128xi32, #tpu.memory_space<vmem>>
        %dma_wait3A_188 = arith.constant 0 : i32
        %dma_wait3A_189 = arith.constant 0 : i32
        %dma_wait3A_190 = tpu.memref_slice %arg12[%dma_wait3A_188, %dma_wait3A_189] : memref<10240x48xf32, #tpu.memory_space<vmem_shared>> -> memref<10240x48xf32, #tpu.memory_space<vmem_shared>>
        tpu.wait_indirect_dma semaphore(%run_scoped3A_178 : memref<!tpu.dma_semaphore, #tpu.memory_space<semaphore_mem>>) src(%arg8 : memref<128x48xf32, #tpu.memory_space<vmem>>) dst(%dma_wait3A_190 : memref<10240x48xf32, #tpu.memory_space<vmem_shared>>)
        tpu.yield
      }) : () -> ()
      %add3A_127 = arith.constant 0 : i32
      %add3A_128 = arith.addi %mul3A_116, %add3A_127 : i32
      %add3A_129 = arith.constant 3 : i32
      %add3A_130 = arith.addi %add3A_128, %add3A_129 : i32
      %dma_start3A_131 = arith.constant 0 : i32
      %dma_start3A_132 = tpu.memref_slice %arg6[%add3A_130, %dma_start3A_131] : memref<80x128xi32, #tpu.memory_space<vmem>> -> memref<1x128xi32, #tpu.memory_space<vmem>>
      %dma_start3A_133 = tpu.memref_squeeze %dma_start3A_132 : memref<1x128xi32, #tpu.memory_space<vmem>> -> memref<128xi32, #tpu.memory_space<vmem>>
      %dma_start3A_134 = arith.constant 0 : i32
      %dma_start3A_135 = arith.constant 0 : i32
      %dma_start3A_136 = tpu.memref_slice %arg11[%dma_start3A_134, %dma_start3A_135] : memref<10000x48xf32, #tpu.memory_space<vmem_shared>> -> memref<10000x48xf32, #tpu.memory_space<vmem_shared>>
      tpu.enqueue_indirect_dma source(%dma_start3A_136 : memref<10000x48xf32, #tpu.memory_space<vmem_shared>>) target(%arg8 : memref<128x48xf32, #tpu.memory_space<vmem>>) offsets(%dma_start3A_133 : memref<128xi32, #tpu.memory_space<vmem>>) semaphore(%arg13 : memref<!tpu.dma_semaphore, #tpu.memory_space<semaphore_mem>>)
      %add3A_137 = arith.constant 1 : i32
      %add3A_138 = arith.addi %mul3A_116, %add3A_137 : i32
      %dma_wait3A_139 = arith.constant 0 : i32
      %dma_wait3A_140 = tpu.memref_slice %arg6[%add3A_138, %dma_wait3A_139] : memref<80x128xi32, #tpu.memory_space<vmem>> -> memref<1x128xi32, #tpu.memory_space<vmem>>
      %dma_wait3A_141 = tpu.memref_squeeze %dma_wait3A_140 : memref<1x128xi32, #tpu.memory_space<vmem>> -> memref<128xi32, #tpu.memory_space<vmem>>
      %dma_wait3A_142 = arith.constant 0 : i32
      %dma_wait3A_143 = arith.constant 0 : i32
      %dma_wait3A_144 = tpu.memref_slice %arg11[%dma_wait3A_142, %dma_wait3A_143] : memref<10000x48xf32, #tpu.memory_space<vmem_shared>> -> memref<10000x48xf32, #tpu.memory_space<vmem_shared>>
      tpu.wait_indirect_dma semaphore(%arg14 : memref<!tpu.dma_semaphore, #tpu.memory_space<semaphore_mem>>) src(%dma_wait3A_144 : memref<10000x48xf32, #tpu.memory_space<vmem_shared>>) dst(%arg9 : memref<128x48xf32, #tpu.memory_space<vmem>>)
      %add3A_145 = arith.constant 1 : i32
      %add3A_146 = arith.addi %mul3A_116, %add3A_145 : i32
      "tpu.region"() ({
        %run_scoped3A_178 = tpu.sem_alloc : memref<!tpu.dma_semaphore, #tpu.memory_space<semaphore_mem>>
        %dma_start3A_179 = arith.constant 0 : i32
        %dma_start3A_180 = tpu.memref_slice %arg7[%add3A_146, %dma_start3A_179] : memref<80x128xi32, #tpu.memory_space<vmem>> -> memref<1x128xi32, #tpu.memory_space<vmem>>
        %dma_start3A_181 = tpu.memref_squeeze %dma_start3A_180 : memref<1x128xi32, #tpu.memory_space<vmem>> -> memref<128xi32, #tpu.memory_space<vmem>>
        %dma_start3A_182 = arith.constant 0 : i32
        %dma_start3A_183 = arith.constant 0 : i32
        %dma_start3A_184 = tpu.memref_slice %arg12[%dma_start3A_182, %dma_start3A_183] : memref<10240x48xf32, #tpu.memory_space<vmem_shared>> -> memref<10240x48xf32, #tpu.memory_space<vmem_shared>>
        tpu.enqueue_indirect_dma source(%arg9 : memref<128x48xf32, #tpu.memory_space<vmem>>) target(%dma_start3A_184 : memref<10240x48xf32, #tpu.memory_space<vmem_shared>>) offsets(%dma_start3A_181 : memref<128xi32, #tpu.memory_space<vmem>>) semaphore(%run_scoped3A_178 : memref<!tpu.dma_semaphore, #tpu.memory_space<semaphore_mem>>) {add = true}
        %dma_wait3A_185 = arith.constant 0 : i32
        %dma_wait3A_186 = tpu.memref_slice %arg7[%add3A_146, %dma_wait3A_185] : memref<80x128xi32, #tpu.memory_space<vmem>> -> memref<1x128xi32, #tpu.memory_space<vmem>>
        %dma_wait3A_187 = tpu.memref_squeeze %dma_wait3A_186 : memref<1x128xi32, #tpu.memory_space<vmem>> -> memref<128xi32, #tpu.memory_space<vmem>>
        %dma_wait3A_188 = arith.constant 0 : i32
        %dma_wait3A_189 = arith.constant 0 : i32
        %dma_wait3A_190 = tpu.memref_slice %arg12[%dma_wait3A_188, %dma_wait3A_189] : memref<10240x48xf32, #tpu.memory_space<vmem_shared>> -> memref<10240x48xf32, #tpu.memory_space<vmem_shared>>
        tpu.wait_indirect_dma semaphore(%run_scoped3A_178 : memref<!tpu.dma_semaphore, #tpu.memory_space<semaphore_mem>>) src(%arg9 : memref<128x48xf32, #tpu.memory_space<vmem>>) dst(%dma_wait3A_190 : memref<10240x48xf32, #tpu.memory_space<vmem_shared>>)
        tpu.yield
      }) : () -> ()
      %add3A_147 = arith.constant 1 : i32
      %add3A_148 = arith.addi %mul3A_116, %add3A_147 : i32
      %add3A_149 = arith.constant 3 : i32
      %add3A_150 = arith.addi %add3A_148, %add3A_149 : i32
      %dma_start3A_151 = arith.constant 0 : i32
      %dma_start3A_152 = tpu.memref_slice %arg6[%add3A_150, %dma_start3A_151] : memref<80x128xi32, #tpu.memory_space<vmem>> -> memref<1x128xi32, #tpu.memory_space<vmem>>
      %dma_start3A_153 = tpu.memref_squeeze %dma_start3A_152 : memref<1x128xi32, #tpu.memory_space<vmem>> -> memref<128xi32, #tpu.memory_space<vmem>>
      %dma_start3A_154 = arith.constant 0 : i32
      %dma_start3A_155 = arith.constant 0 : i32
      %dma_start3A_156 = tpu.memref_slice %arg11[%dma_start3A_154, %dma_start3A_155] : memref<10000x48xf32, #tpu.memory_space<vmem_shared>> -> memref<10000x48xf32, #tpu.memory_space<vmem_shared>>
      tpu.enqueue_indirect_dma source(%dma_start3A_156 : memref<10000x48xf32, #tpu.memory_space<vmem_shared>>) target(%arg9 : memref<128x48xf32, #tpu.memory_space<vmem>>) offsets(%dma_start3A_153 : memref<128xi32, #tpu.memory_space<vmem>>) semaphore(%arg14 : memref<!tpu.dma_semaphore, #tpu.memory_space<semaphore_mem>>)
      %add3A_157 = arith.constant 2 : i32
      %add3A_158 = arith.addi %mul3A_116, %add3A_157 : i32
      %dma_wait3A_159 = arith.constant 0 : i32
      %dma_wait3A_160 = tpu.memref_slice %arg6[%add3A_158, %dma_wait3A_159] : memref<80x128xi32, #tpu.memory_space<vmem>> -> memref<1x128xi32, #tpu.memory_space<vmem>>
      %dma_wait3A_161 = tpu.memref_squeeze %dma_wait3A_160 : memref<1x128xi32, #tpu.memory_space<vmem>> -> memref<128xi32, #tpu.memory_space<vmem>>
      %dma_wait3A_162 = arith.constant 0 : i32
      %dma_wait3A_163 = arith.constant 0 : i32
      %dma_wait3A_164 = tpu.memref_slice %arg11[%dma_wait3A_162, %dma_wait3A_163] : memref<10000x48xf32, #tpu.memory_space<vmem_shared>> -> memref<10000x48xf32, #tpu.memory_space<vmem_shared>>
      tpu.wait_indirect_dma semaphore(%arg15 : memref<!tpu.dma_semaphore, #tpu.memory_space<semaphore_mem>>) src(%dma_wait3A_164 : memref<10000x48xf32, #tpu.memory_space<vmem_shared>>) dst(%arg10 : memref<128x48xf32, #tpu.memory_space<vmem>>)
      %add3A_165 = arith.constant 2 : i32
      %add3A_166 = arith.addi %mul3A_116, %add3A_165 : i32
      "tpu.region"() ({
        %run_scoped3A_178 = tpu.sem_alloc : memref<!tpu.dma_semaphore, #tpu.memory_space<semaphore_mem>>
        %dma_start3A_179 = arith.constant 0 : i32
        %dma_start3A_180 = tpu.memref_slice %arg7[%add3A_166, %dma_start3A_179] : memref<80x128xi32, #tpu.memory_space<vmem>> -> memref<1x128xi32, #tpu.memory_space<vmem>>
        %dma_start3A_181 = tpu.memref_squeeze %dma_start3A_180 : memref<1x128xi32, #tpu.memory_space<vmem>> -> memref<128xi32, #tpu.memory_space<vmem>>
        %dma_start3A_182 = arith.constant 0 : i32
        %dma_start3A_183 = arith.constant 0 : i32
        %dma_start3A_184 = tpu.memref_slice %arg12[%dma_start3A_182, %dma_start3A_183] : memref<10240x48xf32, #tpu.memory_space<vmem_shared>> -> memref<10240x48xf32, #tpu.memory_space<vmem_shared>>
        tpu.enqueue_indirect_dma source(%arg10 : memref<128x48xf32, #tpu.memory_space<vmem>>) target(%dma_start3A_184 : memref<10240x48xf32, #tpu.memory_space<vmem_shared>>) offsets(%dma_start3A_181 : memref<128xi32, #tpu.memory_space<vmem>>) semaphore(%run_scoped3A_178 : memref<!tpu.dma_semaphore, #tpu.memory_space<semaphore_mem>>) {add = true}
        %dma_wait3A_185 = arith.constant 0 : i32
        %dma_wait3A_186 = tpu.memref_slice %arg7[%add3A_166, %dma_wait3A_185] : memref<80x128xi32, #tpu.memory_space<vmem>> -> memref<1x128xi32, #tpu.memory_space<vmem>>
        %dma_wait3A_187 = tpu.memref_squeeze %dma_wait3A_186 : memref<1x128xi32, #tpu.memory_space<vmem>> -> memref<128xi32, #tpu.memory_space<vmem>>
        %dma_wait3A_188 = arith.constant 0 : i32
        %dma_wait3A_189 = arith.constant 0 : i32
        %dma_wait3A_190 = tpu.memref_slice %arg12[%dma_wait3A_188, %dma_wait3A_189] : memref<10240x48xf32, #tpu.memory_space<vmem_shared>> -> memref<10240x48xf32, #tpu.memory_space<vmem_shared>>
        tpu.wait_indirect_dma semaphore(%run_scoped3A_178 : memref<!tpu.dma_semaphore, #tpu.memory_space<semaphore_mem>>) src(%arg10 : memref<128x48xf32, #tpu.memory_space<vmem>>) dst(%dma_wait3A_190 : memref<10240x48xf32, #tpu.memory_space<vmem_shared>>)
        tpu.yield
      }) : () -> ()
      %add3A_167 = arith.constant 2 : i32
      %add3A_168 = arith.addi %mul3A_116, %add3A_167 : i32
      %add3A_169 = arith.constant 3 : i32
      %add3A_170 = arith.addi %add3A_168, %add3A_169 : i32
      %dma_start3A_171 = arith.constant 0 : i32
      %dma_start3A_172 = tpu.memref_slice %arg6[%add3A_170, %dma_start3A_171] : memref<80x128xi32, #tpu.memory_space<vmem>> -> memref<1x128xi32, #tpu.memory_space<vmem>>
      %dma_start3A_173 = tpu.memref_squeeze %dma_start3A_172 : memref<1x128xi32, #tpu.memory_space<vmem>> -> memref<128xi32, #tpu.memory_space<vmem>>
      %dma_start3A_174 = arith.constant 0 : i32
      %dma_start3A_175 = arith.constant 0 : i32
      %dma_start3A_176 = tpu.memref_slice %arg11[%dma_start3A_174, %dma_start3A_175] : memref<10000x48xf32, #tpu.memory_space<vmem_shared>> -> memref<10000x48xf32, #tpu.memory_space<vmem_shared>>
      tpu.enqueue_indirect_dma source(%dma_start3A_176 : memref<10000x48xf32, #tpu.memory_space<vmem_shared>>) target(%arg10 : memref<128x48xf32, #tpu.memory_space<vmem>>) offsets(%dma_start3A_173 : memref<128xi32, #tpu.memory_space<vmem>>) semaphore(%arg15 : memref<!tpu.dma_semaphore, #tpu.memory_space<semaphore_mem>>)
      %scan3A_177 = arith.constant 0 : i32
      scf.yield %scan3A_177 : i32
    }
    %scan3A_49 = arith.constant 25 : i32
    %dma_wait3A = arith.constant 75 : i32
    %dma_wait3A_50 = arith.constant 0 : i32
    %dma_wait3A_51 = tpu.memref_slice %arg6[%dma_wait3A, %dma_wait3A_50] : memref<80x128xi32, #tpu.memory_space<vmem>> -> memref<1x128xi32, #tpu.memory_space<vmem>>
    %dma_wait3A_52 = tpu.memref_squeeze %dma_wait3A_51 : memref<1x128xi32, #tpu.memory_space<vmem>> -> memref<128xi32, #tpu.memory_space<vmem>>
    %dma_wait3A_53 = arith.constant 0 : i32
    %dma_wait3A_54 = arith.constant 0 : i32
    %dma_wait3A_55 = tpu.memref_slice %arg11[%dma_wait3A_53, %dma_wait3A_54] : memref<10000x48xf32, #tpu.memory_space<vmem_shared>> -> memref<10000x48xf32, #tpu.memory_space<vmem_shared>>
    tpu.wait_indirect_dma semaphore(%arg13 : memref<!tpu.dma_semaphore, #tpu.memory_space<semaphore_mem>>) src(%dma_wait3A_55 : memref<10000x48xf32, #tpu.memory_space<vmem_shared>>) dst(%arg8 : memref<128x48xf32, #tpu.memory_space<vmem>>)
    %run_scoped3A = arith.constant 75 : i32
    "tpu.region"() ({
      %run_scoped3A_113 = tpu.sem_alloc : memref<!tpu.dma_semaphore, #tpu.memory_space<semaphore_mem>>
      %dma_start3A_114 = arith.constant 0 : i32
      %dma_start3A_115 = tpu.memref_slice %arg7[%run_scoped3A, %dma_start3A_114] : memref<80x128xi32, #tpu.memory_space<vmem>> -> memref<1x128xi32, #tpu.memory_space<vmem>>
      %dma_start3A_116 = tpu.memref_squeeze %dma_start3A_115 : memref<1x128xi32, #tpu.memory_space<vmem>> -> memref<128xi32, #tpu.memory_space<vmem>>
      %dma_start3A_117 = arith.constant 0 : i32
      %dma_start3A_118 = arith.constant 0 : i32
      %dma_start3A_119 = tpu.memref_slice %arg12[%dma_start3A_117, %dma_start3A_118] : memref<10240x48xf32, #tpu.memory_space<vmem_shared>> -> memref<10240x48xf32, #tpu.memory_space<vmem_shared>>
      tpu.enqueue_indirect_dma source(%arg8 : memref<128x48xf32, #tpu.memory_space<vmem>>) target(%dma_start3A_119 : memref<10240x48xf32, #tpu.memory_space<vmem_shared>>) offsets(%dma_start3A_116 : memref<128xi32, #tpu.memory_space<vmem>>) semaphore(%run_scoped3A_113 : memref<!tpu.dma_semaphore, #tpu.memory_space<semaphore_mem>>) {add = true}
      %dma_wait3A_120 = arith.constant 0 : i32
      %dma_wait3A_121 = tpu.memref_slice %arg7[%run_scoped3A, %dma_wait3A_120] : memref<80x128xi32, #tpu.memory_space<vmem>> -> memref<1x128xi32, #tpu.memory_space<vmem>>
      %dma_wait3A_122 = tpu.memref_squeeze %dma_wait3A_121 : memref<1x128xi32, #tpu.memory_space<vmem>> -> memref<128xi32, #tpu.memory_space<vmem>>
      %dma_wait3A_123 = arith.constant 0 : i32
      %dma_wait3A_124 = arith.constant 0 : i32
      %dma_wait3A_125 = tpu.memref_slice %arg12[%dma_wait3A_123, %dma_wait3A_124] : memref<10240x48xf32, #tpu.memory_space<vmem_shared>> -> memref<10240x48xf32, #tpu.memory_space<vmem_shared>>
      tpu.wait_indirect_dma semaphore(%run_scoped3A_113 : memref<!tpu.dma_semaphore, #tpu.memory_space<semaphore_mem>>) src(%arg8 : memref<128x48xf32, #tpu.memory_space<vmem>>) dst(%dma_wait3A_125 : memref<10240x48xf32, #tpu.memory_space<vmem_shared>>)
      tpu.yield
    }) : () -> ()
    %dma_start3A_56 = arith.constant 78 : i32
    %dma_start3A_57 = arith.constant 0 : i32
    %dma_start3A_58 = tpu.memref_slice %arg6[%dma_start3A_56, %dma_start3A_57] : memref<80x128xi32, #tpu.memory_space<vmem>> -> memref<1x128xi32, #tpu.memory_space<vmem>>
    %dma_start3A_59 = tpu.memref_squeeze %dma_start3A_58 : memref<1x128xi32, #tpu.memory_space<vmem>> -> memref<128xi32, #tpu.memory_space<vmem>>
    %dma_start3A_60 = arith.constant 0 : i32
    %dma_start3A_61 = arith.constant 0 : i32
    %dma_start3A_62 = tpu.memref_slice %arg11[%dma_start3A_60, %dma_start3A_61] : memref<10000x48xf32, #tpu.memory_space<vmem_shared>> -> memref<10000x48xf32, #tpu.memory_space<vmem_shared>>
    tpu.enqueue_indirect_dma source(%dma_start3A_62 : memref<10000x48xf32, #tpu.memory_space<vmem_shared>>) target(%arg8 : memref<128x48xf32, #tpu.memory_space<vmem>>) offsets(%dma_start3A_59 : memref<128xi32, #tpu.memory_space<vmem>>) semaphore(%arg13 : memref<!tpu.dma_semaphore, #tpu.memory_space<semaphore_mem>>)
    %dma_wait3A_63 = arith.constant 76 : i32
    %dma_wait3A_64 = arith.constant 0 : i32
    %dma_wait3A_65 = tpu.memref_slice %arg6[%dma_wait3A_63, %dma_wait3A_64] : memref<80x128xi32, #tpu.memory_space<vmem>> -> memref<1x128xi32, #tpu.memory_space<vmem>>
    %dma_wait3A_66 = tpu.memref_squeeze %dma_wait3A_65 : memref<1x128xi32, #tpu.memory_space<vmem>> -> memref<128xi32, #tpu.memory_space<vmem>>
    %dma_wait3A_67 = arith.constant 0 : i32
    %dma_wait3A_68 = arith.constant 0 : i32
    %dma_wait3A_69 = tpu.memref_slice %arg11[%dma_wait3A_67, %dma_wait3A_68] : memref<10000x48xf32, #tpu.memory_space<vmem_shared>> -> memref<10000x48xf32, #tpu.memory_space<vmem_shared>>
    tpu.wait_indirect_dma semaphore(%arg14 : memref<!tpu.dma_semaphore, #tpu.memory_space<semaphore_mem>>) src(%dma_wait3A_69 : memref<10000x48xf32, #tpu.memory_space<vmem_shared>>) dst(%arg9 : memref<128x48xf32, #tpu.memory_space<vmem>>)
    %run_scoped3A_70 = arith.constant 76 : i32
    "tpu.region"() ({
      %run_scoped3A_113 = tpu.sem_alloc : memref<!tpu.dma_semaphore, #tpu.memory_space<semaphore_mem>>
      %dma_start3A_114 = arith.constant 0 : i32
      %dma_start3A_115 = tpu.memref_slice %arg7[%run_scoped3A_70, %dma_start3A_114] : memref<80x128xi32, #tpu.memory_space<vmem>> -> memref<1x128xi32, #tpu.memory_space<vmem>>
      %dma_start3A_116 = tpu.memref_squeeze %dma_start3A_115 : memref<1x128xi32, #tpu.memory_space<vmem>> -> memref<128xi32, #tpu.memory_space<vmem>>
      %dma_start3A_117 = arith.constant 0 : i32
      %dma_start3A_118 = arith.constant 0 : i32
      %dma_start3A_119 = tpu.memref_slice %arg12[%dma_start3A_117, %dma_start3A_118] : memref<10240x48xf32, #tpu.memory_space<vmem_shared>> -> memref<10240x48xf32, #tpu.memory_space<vmem_shared>>
      tpu.enqueue_indirect_dma source(%arg9 : memref<128x48xf32, #tpu.memory_space<vmem>>) target(%dma_start3A_119 : memref<10240x48xf32, #tpu.memory_space<vmem_shared>>) offsets(%dma_start3A_116 : memref<128xi32, #tpu.memory_space<vmem>>) semaphore(%run_scoped3A_113 : memref<!tpu.dma_semaphore, #tpu.memory_space<semaphore_mem>>) {add = true}
      %dma_wait3A_120 = arith.constant 0 : i32
      %dma_wait3A_121 = tpu.memref_slice %arg7[%run_scoped3A_70, %dma_wait3A_120] : memref<80x128xi32, #tpu.memory_space<vmem>> -> memref<1x128xi32, #tpu.memory_space<vmem>>
      %dma_wait3A_122 = tpu.memref_squeeze %dma_wait3A_121 : memref<1x128xi32, #tpu.memory_space<vmem>> -> memref<128xi32, #tpu.memory_space<vmem>>
      %dma_wait3A_123 = arith.constant 0 : i32
      %dma_wait3A_124 = arith.constant 0 : i32
      %dma_wait3A_125 = tpu.memref_slice %arg12[%dma_wait3A_123, %dma_wait3A_124] : memref<10240x48xf32, #tpu.memory_space<vmem_shared>> -> memref<10240x48xf32, #tpu.memory_space<vmem_shared>>
      tpu.wait_indirect_dma semaphore(%run_scoped3A_113 : memref<!tpu.dma_semaphore, #tpu.memory_space<semaphore_mem>>) src(%arg9 : memref<128x48xf32, #tpu.memory_space<vmem>>) dst(%dma_wait3A_125 : memref<10240x48xf32, #tpu.memory_space<vmem_shared>>)
      tpu.yield
    }) : () -> ()
    %dma_start3A_71 = arith.constant 79 : i32
    %dma_start3A_72 = arith.constant 0 : i32
    %dma_start3A_73 = tpu.memref_slice %arg6[%dma_start3A_71, %dma_start3A_72] : memref<80x128xi32, #tpu.memory_space<vmem>> -> memref<1x128xi32, #tpu.memory_space<vmem>>
    %dma_start3A_74 = tpu.memref_squeeze %dma_start3A_73 : memref<1x128xi32, #tpu.memory_space<vmem>> -> memref<128xi32, #tpu.memory_space<vmem>>
    %dma_start3A_75 = arith.constant 0 : i32
    %dma_start3A_76 = arith.constant 0 : i32
    %dma_start3A_77 = tpu.memref_slice %arg11[%dma_start3A_75, %dma_start3A_76] : memref<10000x48xf32, #tpu.memory_space<vmem_shared>> -> memref<10000x48xf32, #tpu.memory_space<vmem_shared>>
    tpu.enqueue_indirect_dma source(%dma_start3A_77 : memref<10000x48xf32, #tpu.memory_space<vmem_shared>>) target(%arg9 : memref<128x48xf32, #tpu.memory_space<vmem>>) offsets(%dma_start3A_74 : memref<128xi32, #tpu.memory_space<vmem>>) semaphore(%arg14 : memref<!tpu.dma_semaphore, #tpu.memory_space<semaphore_mem>>)
    %dma_wait3A_78 = arith.constant 77 : i32
    %dma_wait3A_79 = arith.constant 0 : i32
    %dma_wait3A_80 = tpu.memref_slice %arg6[%dma_wait3A_78, %dma_wait3A_79] : memref<80x128xi32, #tpu.memory_space<vmem>> -> memref<1x128xi32, #tpu.memory_space<vmem>>
    %dma_wait3A_81 = tpu.memref_squeeze %dma_wait3A_80 : memref<1x128xi32, #tpu.memory_space<vmem>> -> memref<128xi32, #tpu.memory_space<vmem>>
    %dma_wait3A_82 = arith.constant 0 : i32
    %dma_wait3A_83 = arith.constant 0 : i32
    %dma_wait3A_84 = tpu.memref_slice %arg11[%dma_wait3A_82, %dma_wait3A_83] : memref<10000x48xf32, #tpu.memory_space<vmem_shared>> -> memref<10000x48xf32, #tpu.memory_space<vmem_shared>>
    tpu.wait_indirect_dma semaphore(%arg15 : memref<!tpu.dma_semaphore, #tpu.memory_space<semaphore_mem>>) src(%dma_wait3A_84 : memref<10000x48xf32, #tpu.memory_space<vmem_shared>>) dst(%arg10 : memref<128x48xf32, #tpu.memory_space<vmem>>)
    %run_scoped3A_85 = arith.constant 77 : i32
    "tpu.region"() ({
      %run_scoped3A_113 = tpu.sem_alloc : memref<!tpu.dma_semaphore, #tpu.memory_space<semaphore_mem>>
      %dma_start3A_114 = arith.constant 0 : i32
      %dma_start3A_115 = tpu.memref_slice %arg7[%run_scoped3A_85, %dma_start3A_114] : memref<80x128xi32, #tpu.memory_space<vmem>> -> memref<1x128xi32, #tpu.memory_space<vmem>>
      %dma_start3A_116 = tpu.memref_squeeze %dma_start3A_115 : memref<1x128xi32, #tpu.memory_space<vmem>> -> memref<128xi32, #tpu.memory_space<vmem>>
      %dma_start3A_117 = arith.constant 0 : i32
      %dma_start3A_118 = arith.constant 0 : i32
      %dma_start3A_119 = tpu.memref_slice %arg12[%dma_start3A_117, %dma_start3A_118] : memref<10240x48xf32, #tpu.memory_space<vmem_shared>> -> memref<10240x48xf32, #tpu.memory_space<vmem_shared>>
      tpu.enqueue_indirect_dma source(%arg10 : memref<128x48xf32, #tpu.memory_space<vmem>>) target(%dma_start3A_119 : memref<10240x48xf32, #tpu.memory_space<vmem_shared>>) offsets(%dma_start3A_116 : memref<128xi32, #tpu.memory_space<vmem>>) semaphore(%run_scoped3A_113 : memref<!tpu.dma_semaphore, #tpu.memory_space<semaphore_mem>>) {add = true}
      %dma_wait3A_120 = arith.constant 0 : i32
      %dma_wait3A_121 = tpu.memref_slice %arg7[%run_scoped3A_85, %dma_wait3A_120] : memref<80x128xi32, #tpu.memory_space<vmem>> -> memref<1x128xi32, #tpu.memory_space<vmem>>
      %dma_wait3A_122 = tpu.memref_squeeze %dma_wait3A_121 : memref<1x128xi32, #tpu.memory_space<vmem>> -> memref<128xi32, #tpu.memory_space<vmem>>
      %dma_wait3A_123 = arith.constant 0 : i32
      %dma_wait3A_124 = arith.constant 0 : i32
      %dma_wait3A_125 = tpu.memref_slice %arg12[%dma_wait3A_123, %dma_wait3A_124] : memref<10240x48xf32, #tpu.memory_space<vmem_shared>> -> memref<10240x48xf32, #tpu.memory_space<vmem_shared>>
      tpu.wait_indirect_dma semaphore(%run_scoped3A_113 : memref<!tpu.dma_semaphore, #tpu.memory_space<semaphore_mem>>) src(%arg10 : memref<128x48xf32, #tpu.memory_space<vmem>>) dst(%dma_wait3A_125 : memref<10240x48xf32, #tpu.memory_space<vmem_shared>>)
      tpu.yield
    }) : () -> ()
    %dma_wait3A_86 = arith.constant 78 : i32
    %dma_wait3A_87 = arith.constant 0 : i32
    %dma_wait3A_88 = tpu.memref_slice %arg6[%dma_wait3A_86, %dma_wait3A_87] : memref<80x128xi32, #tpu.memory_space<vmem>> -> memref<1x128xi32, #tpu.memory_space<vmem>>
    %dma_wait3A_89 = tpu.memref_squeeze %dma_wait3A_88 : memref<1x128xi32, #tpu.memory_space<vmem>> -> memref<128xi32, #tpu.memory_space<vmem>>
    %dma_wait3A_90 = arith.constant 0 : i32
    %dma_wait3A_91 = arith.constant 0 : i32
    %dma_wait3A_92 = tpu.memref_slice %arg11[%dma_wait3A_90, %dma_wait3A_91] : memref<10000x48xf32, #tpu.memory_space<vmem_shared>> -> memref<10000x48xf32, #tpu.memory_space<vmem_shared>>
    tpu.wait_indirect_dma semaphore(%arg13 : memref<!tpu.dma_semaphore, #tpu.memory_space<semaphore_mem>>) src(%dma_wait3A_92 : memref<10000x48xf32, #tpu.memory_space<vmem_shared>>) dst(%arg8 : memref<128x48xf32, #tpu.memory_space<vmem>>)
    %run_scoped3A_93 = arith.constant 78 : i32
    "tpu.region"() ({
      %run_scoped3A_113 = tpu.sem_alloc : memref<!tpu.dma_semaphore, #tpu.memory_space<semaphore_mem>>
      %dma_start3A_114 = arith.constant 0 : i32
      %dma_start3A_115 = tpu.memref_slice %arg7[%run_scoped3A_93, %dma_start3A_114] : memref<80x128xi32, #tpu.memory_space<vmem>> -> memref<1x128xi32, #tpu.memory_space<vmem>>
      %dma_start3A_116 = tpu.memref_squeeze %dma_start3A_115 : memref<1x128xi32, #tpu.memory_space<vmem>> -> memref<128xi32, #tpu.memory_space<vmem>>
      %dma_start3A_117 = arith.constant 0 : i32
      %dma_start3A_118 = arith.constant 0 : i32
      %dma_start3A_119 = tpu.memref_slice %arg12[%dma_start3A_117, %dma_start3A_118] : memref<10240x48xf32, #tpu.memory_space<vmem_shared>> -> memref<10240x48xf32, #tpu.memory_space<vmem_shared>>
      tpu.enqueue_indirect_dma source(%arg8 : memref<128x48xf32, #tpu.memory_space<vmem>>) target(%dma_start3A_119 : memref<10240x48xf32, #tpu.memory_space<vmem_shared>>) offsets(%dma_start3A_116 : memref<128xi32, #tpu.memory_space<vmem>>) semaphore(%run_scoped3A_113 : memref<!tpu.dma_semaphore, #tpu.memory_space<semaphore_mem>>) {add = true}
      %dma_wait3A_120 = arith.constant 0 : i32
      %dma_wait3A_121 = tpu.memref_slice %arg7[%run_scoped3A_93, %dma_wait3A_120] : memref<80x128xi32, #tpu.memory_space<vmem>> -> memref<1x128xi32, #tpu.memory_space<vmem>>
      %dma_wait3A_122 = tpu.memref_squeeze %dma_wait3A_121 : memref<1x128xi32, #tpu.memory_space<vmem>> -> memref<128xi32, #tpu.memory_space<vmem>>
      %dma_wait3A_123 = arith.constant 0 : i32
      %dma_wait3A_124 = arith.constant 0 : i32
      %dma_wait3A_125 = tpu.memref_slice %arg12[%dma_wait3A_123, %dma_wait3A_124] : memref<10240x48xf32, #tpu.memory_space<vmem_shared>> -> memref<10240x48xf32, #tpu.memory_space<vmem_shared>>
      tpu.wait_indirect_dma semaphore(%run_scoped3A_113 : memref<!tpu.dma_semaphore, #tpu.memory_space<semaphore_mem>>) src(%arg8 : memref<128x48xf32, #tpu.memory_space<vmem>>) dst(%dma_wait3A_125 : memref<10240x48xf32, #tpu.memory_space<vmem_shared>>)
      tpu.yield
    }) : () -> ()
    %dma_wait3A_94 = arith.constant 79 : i32
    %dma_wait3A_95 = arith.constant 0 : i32
    %dma_wait3A_96 = tpu.memref_slice %arg6[%dma_wait3A_94, %dma_wait3A_95] : memref<80x128xi32, #tpu.memory_space<vmem>> -> memref<1x128xi32, #tpu.memory_space<vmem>>
    %dma_wait3A_97 = tpu.memref_squeeze %dma_wait3A_96 : memref<1x128xi32, #tpu.memory_space<vmem>> -> memref<128xi32, #tpu.memory_space<vmem>>
    %dma_wait3A_98 = arith.constant 0 : i32
    %dma_wait3A_99 = arith.constant 0 : i32
    %dma_wait3A_100 = tpu.memref_slice %arg11[%dma_wait3A_98, %dma_wait3A_99] : memref<10000x48xf32, #tpu.memory_space<vmem_shared>> -> memref<10000x48xf32, #tpu.memory_space<vmem_shared>>
    tpu.wait_indirect_dma semaphore(%arg14 : memref<!tpu.dma_semaphore, #tpu.memory_space<semaphore_mem>>) src(%dma_wait3A_100 : memref<10000x48xf32, #tpu.memory_space<vmem_shared>>) dst(%arg9 : memref<128x48xf32, #tpu.memory_space<vmem>>)
    %run_scoped3A_101 = arith.constant 79 : i32
    "tpu.region"() ({
      %run_scoped3A_113 = tpu.sem_alloc : memref<!tpu.dma_semaphore, #tpu.memory_space<semaphore_mem>>
      %dma_start3A_114 = arith.constant 0 : i32
      %dma_start3A_115 = tpu.memref_slice %arg7[%run_scoped3A_101, %dma_start3A_114] : memref<80x128xi32, #tpu.memory_space<vmem>> -> memref<1x128xi32, #tpu.memory_space<vmem>>
      %dma_start3A_116 = tpu.memref_squeeze %dma_start3A_115 : memref<1x128xi32, #tpu.memory_space<vmem>> -> memref<128xi32, #tpu.memory_space<vmem>>
      %dma_start3A_117 = arith.constant 0 : i32
      %dma_start3A_118 = arith.constant 0 : i32
      %dma_start3A_119 = tpu.memref_slice %arg12[%dma_start3A_117, %dma_start3A_118] : memref<10240x48xf32, #tpu.memory_space<vmem_shared>> -> memref<10240x48xf32, #tpu.memory_space<vmem_shared>>
      tpu.enqueue_indirect_dma source(%arg9 : memref<128x48xf32, #tpu.memory_space<vmem>>) target(%dma_start3A_119 : memref<10240x48xf32, #tpu.memory_space<vmem_shared>>) offsets(%dma_start3A_116 : memref<128xi32, #tpu.memory_space<vmem>>) semaphore(%run_scoped3A_113 : memref<!tpu.dma_semaphore, #tpu.memory_space<semaphore_mem>>) {add = true}
      %dma_wait3A_120 = arith.constant 0 : i32
      %dma_wait3A_121 = tpu.memref_slice %arg7[%run_scoped3A_101, %dma_wait3A_120] : memref<80x128xi32, #tpu.memory_space<vmem>> -> memref<1x128xi32, #tpu.memory_space<vmem>>
      %dma_wait3A_122 = tpu.memref_squeeze %dma_wait3A_121 : memref<1x128xi32, #tpu.memory_space<vmem>> -> memref<128xi32, #tpu.memory_space<vmem>>
      %dma_wait3A_123 = arith.constant 0 : i32
      %dma_wait3A_124 = arith.constant 0 : i32
      %dma_wait3A_125 = tpu.memref_slice %arg12[%dma_wait3A_123, %dma_wait3A_124] : memref<10240x48xf32, #tpu.memory_space<vmem_shared>> -> memref<10240x48xf32, #tpu.memory_space<vmem_shared>>
      tpu.wait_indirect_dma semaphore(%run_scoped3A_113 : memref<!tpu.dma_semaphore, #tpu.memory_space<semaphore_mem>>) src(%arg9 : memref<128x48xf32, #tpu.memory_space<vmem>>) dst(%dma_wait3A_125 : memref<10240x48xf32, #tpu.memory_space<vmem_shared>>)
      tpu.yield
    }) : () -> ()
    %barrier3A_102 = arith.constant 0 : index
    tpu.barrier barrier_id(%barrier3A_102)
    %add3A_103 = arith.constant 0 : i32
    %add3A_104 = arith.addi %mul3A_12, %add3A_103 : i32
    "tpu.region"() ({
      %run_scoped3A_113 = tpu.sem_alloc : memref<!tpu.dma_semaphore, #tpu.memory_space<semaphore_mem>>
      %dma_start3A_114 = arith.constant 0 : i32
      %dma_start3A_115 = tpu.memref_slice %arg5[%arg0, %add3A_104, %dma_start3A_114] : memref<2x10240x48xf32, #tpu.memory_space<hbm>> -> memref<1x128x48xf32, #tpu.memory_space<hbm>>
      %dma_start3A_116 = tpu.memref_squeeze %dma_start3A_115 : memref<1x128x48xf32, #tpu.memory_space<hbm>> -> memref<128x48xf32, #tpu.memory_space<hbm>>
      %dma_start3A_117 = arith.constant 0 : i32
      %dma_start3A_118 = tpu.memref_slice %arg12[%add3A_104, %dma_start3A_117] : memref<10240x48xf32, #tpu.memory_space<vmem_shared>> -> memref<128x48xf32, #tpu.memory_space<vmem_shared>>
      tpu.enqueue_dma source(%dma_start3A_118 : memref<128x48xf32, #tpu.memory_space<vmem_shared>>) target(%dma_start3A_116 : memref<128x48xf32, #tpu.memory_space<hbm>>) target_semaphore(%run_scoped3A_113 : memref<!tpu.dma_semaphore, #tpu.memory_space<semaphore_mem>>)
      %dma_wait3A_119 = arith.constant 0 : i32
      %dma_wait3A_120 = tpu.memref_slice %arg5[%arg0, %add3A_104, %dma_wait3A_119] : memref<2x10240x48xf32, #tpu.memory_space<hbm>> -> memref<1x128x48xf32, #tpu.memory_space<hbm>>
      %dma_wait3A_121 = tpu.memref_squeeze %dma_wait3A_120 : memref<1x128x48xf32, #tpu.memory_space<hbm>> -> memref<128x48xf32, #tpu.memory_space<hbm>>
      %dma_wait3A_122 = arith.constant 0 : i32
      %dma_wait3A_123 = tpu.memref_slice %arg12[%add3A_104, %dma_wait3A_122] : memref<10240x48xf32, #tpu.memory_space<vmem_shared>> -> memref<128x48xf32, #tpu.memory_space<vmem_shared>>
      tpu.wait_dma2 semaphore(%run_scoped3A_113 : memref<!tpu.dma_semaphore, #tpu.memory_space<semaphore_mem>>) src(%dma_wait3A_123 : memref<128x48xf32, #tpu.memory_space<vmem_shared>>) dst(%dma_wait3A_121 : memref<128x48xf32, #tpu.memory_space<hbm>>)
      tpu.yield
    }) : () -> ()
    %add3A_105 = arith.constant 128 : i32
    %add3A_106 = arith.addi %mul3A_12, %add3A_105 : i32
    "tpu.region"() ({
      %run_scoped3A_113 = tpu.sem_alloc : memref<!tpu.dma_semaphore, #tpu.memory_space<semaphore_mem>>
      %dma_start3A_114 = arith.constant 0 : i32
      %dma_start3A_115 = tpu.memref_slice %arg5[%arg0, %add3A_106, %dma_start3A_114] : memref<2x10240x48xf32, #tpu.memory_space<hbm>> -> memref<1x128x48xf32, #tpu.memory_space<hbm>>
      %dma_start3A_116 = tpu.memref_squeeze %dma_start3A_115 : memref<1x128x48xf32, #tpu.memory_space<hbm>> -> memref<128x48xf32, #tpu.memory_space<hbm>>
      %dma_start3A_117 = arith.constant 0 : i32
      %dma_start3A_118 = tpu.memref_slice %arg12[%add3A_106, %dma_start3A_117] : memref<10240x48xf32, #tpu.memory_space<vmem_shared>> -> memref<128x48xf32, #tpu.memory_space<vmem_shared>>
      tpu.enqueue_dma source(%dma_start3A_118 : memref<128x48xf32, #tpu.memory_space<vmem_shared>>) target(%dma_start3A_116 : memref<128x48xf32, #tpu.memory_space<hbm>>) target_semaphore(%run_scoped3A_113 : memref<!tpu.dma_semaphore, #tpu.memory_space<semaphore_mem>>)
      %dma_wait3A_119 = arith.constant 0 : i32
      %dma_wait3A_120 = tpu.memref_slice %arg5[%arg0, %add3A_106, %dma_wait3A_119] : memref<2x10240x48xf32, #tpu.memory_space<hbm>> -> memref<1x128x48xf32, #tpu.memory_space<hbm>>
      %dma_wait3A_121 = tpu.memref_squeeze %dma_wait3A_120 : memref<1x128x48xf32, #tpu.memory_space<hbm>> -> memref<128x48xf32, #tpu.memory_space<hbm>>
      %dma_wait3A_122 = arith.constant 0 : i32
      %dma_wait3A_123 = tpu.memref_slice %arg12[%add3A_106, %dma_wait3A_122] : memref<10240x48xf32, #tpu.memory_space<vmem_shared>> -> memref<128x48xf32, #tpu.memory_space<vmem_shared>>
      tpu.wait_dma2 semaphore(%run_scoped3A_113 : memref<!tpu.dma_semaphore, #tpu.memory_space<semaphore_mem>>) src(%dma_wait3A_123 : memref<128x48xf32, #tpu.memory_space<vmem_shared>>) dst(%dma_wait3A_121 : memref<128x48xf32, #tpu.memory_space<hbm>>)
      tpu.yield
    }) : () -> ()
    %add3A_107 = arith.constant 256 : i32
    %add3A_108 = arith.addi %mul3A_12, %add3A_107 : i32
    "tpu.region"() ({
      %run_scoped3A_113 = tpu.sem_alloc : memref<!tpu.dma_semaphore, #tpu.memory_space<semaphore_mem>>
      %dma_start3A_114 = arith.constant 0 : i32
      %dma_start3A_115 = tpu.memref_slice %arg5[%arg0, %add3A_108, %dma_start3A_114] : memref<2x10240x48xf32, #tpu.memory_space<hbm>> -> memref<1x128x48xf32, #tpu.memory_space<hbm>>
      %dma_start3A_116 = tpu.memref_squeeze %dma_start3A_115 : memref<1x128x48xf32, #tpu.memory_space<hbm>> -> memref<128x48xf32, #tpu.memory_space<hbm>>
      %dma_start3A_117 = arith.constant 0 : i32
      %dma_start3A_118 = tpu.memref_slice %arg12[%add3A_108, %dma_start3A_117] : memref<10240x48xf32, #tpu.memory_space<vmem_shared>> -> memref<128x48xf32, #tpu.memory_space<vmem_shared>>
      tpu.enqueue_dma source(%dma_start3A_118 : memref<128x48xf32, #tpu.memory_space<vmem_shared>>) target(%dma_start3A_116 : memref<128x48xf32, #tpu.memory_space<hbm>>) target_semaphore(%run_scoped3A_113 : memref<!tpu.dma_semaphore, #tpu.memory_space<semaphore_mem>>)
      %dma_wait3A_119 = arith.constant 0 : i32
      %dma_wait3A_120 = tpu.memref_slice %arg5[%arg0, %add3A_108, %dma_wait3A_119] : memref<2x10240x48xf32, #tpu.memory_space<hbm>> -> memref<1x128x48xf32, #tpu.memory_space<hbm>>
      %dma_wait3A_121 = tpu.memref_squeeze %dma_wait3A_120 : memref<1x128x48xf32, #tpu.memory_space<hbm>> -> memref<128x48xf32, #tpu.memory_space<hbm>>
      %dma_wait3A_122 = arith.constant 0 : i32
      %dma_wait3A_123 = tpu.memref_slice %arg12[%add3A_108, %dma_wait3A_122] : memref<10240x48xf32, #tpu.memory_space<vmem_shared>> -> memref<128x48xf32, #tpu.memory_space<vmem_shared>>
      tpu.wait_dma2 semaphore(%run_scoped3A_113 : memref<!tpu.dma_semaphore, #tpu.memory_space<semaphore_mem>>) src(%dma_wait3A_123 : memref<128x48xf32, #tpu.memory_space<vmem_shared>>) dst(%dma_wait3A_121 : memref<128x48xf32, #tpu.memory_space<hbm>>)
      tpu.yield
    }) : () -> ()
    %add3A_109 = arith.constant 384 : i32
    %add3A_110 = arith.addi %mul3A_12, %add3A_109 : i32
    "tpu.region"() ({
      %run_scoped3A_113 = tpu.sem_alloc : memref<!tpu.dma_semaphore, #tpu.memory_space<semaphore_mem>>
      %dma_start3A_114 = arith.constant 0 : i32
      %dma_start3A_115 = tpu.memref_slice %arg5[%arg0, %add3A_110, %dma_start3A_114] : memref<2x10240x48xf32, #tpu.memory_space<hbm>> -> memref<1x128x48xf32, #tpu.memory_space<hbm>>
      %dma_start3A_116 = tpu.memref_squeeze %dma_start3A_115 : memref<1x128x48xf32, #tpu.memory_space<hbm>> -> memref<128x48xf32, #tpu.memory_space<hbm>>
      %dma_start3A_117 = arith.constant 0 : i32
      %dma_start3A_118 = tpu.memref_slice %arg12[%add3A_110, %dma_start3A_117] : memref<10240x48xf32, #tpu.memory_space<vmem_shared>> -> memref<128x48xf32, #tpu.memory_space<vmem_shared>>
      tpu.enqueue_dma source(%dma_start3A_118 : memref<128x48xf32, #tpu.memory_space<vmem_shared>>) target(%dma_start3A_116 : memref<128x48xf32, #tpu.memory_space<hbm>>) target_semaphore(%run_scoped3A_113 : memref<!tpu.dma_semaphore, #tpu.memory_space<semaphore_mem>>)
      %dma_wait3A_119 = arith.constant 0 : i32
      %dma_wait3A_120 = tpu.memref_slice %arg5[%arg0, %add3A_110, %dma_wait3A_119] : memref<2x10240x48xf32, #tpu.memory_space<hbm>> -> memref<1x128x48xf32, #tpu.memory_space<hbm>>
      %dma_wait3A_121 = tpu.memref_squeeze %dma_wait3A_120 : memref<1x128x48xf32, #tpu.memory_space<hbm>> -> memref<128x48xf32, #tpu.memory_space<hbm>>
      %dma_wait3A_122 = arith.constant 0 : i32
      %dma_wait3A_123 = tpu.memref_slice %arg12[%add3A_110, %dma_wait3A_122] : memref<10240x48xf32, #tpu.memory_space<vmem_shared>> -> memref<128x48xf32, #tpu.memory_space<vmem_shared>>
      tpu.wait_dma2 semaphore(%run_scoped3A_113 : memref<!tpu.dma_semaphore, #tpu.memory_space<semaphore_mem>>) src(%dma_wait3A_123 : memref<128x48xf32, #tpu.memory_space<vmem_shared>>) dst(%dma_wait3A_121 : memref<128x48xf32, #tpu.memory_space<hbm>>)
      tpu.yield
    }) : () -> ()
    %add3A_111 = arith.constant 512 : i32
    %add3A_112 = arith.addi %mul3A_12, %add3A_111 : i32
    "tpu.region"() ({
      %run_scoped3A_113 = tpu.sem_alloc : memref<!tpu.dma_semaphore, #tpu.memory_space<semaphore_mem>>
      %dma_start3A_114 = arith.constant 0 : i32
      %dma_start3A_115 = tpu.memref_slice %arg5[%arg0, %add3A_112, %dma_start3A_114] : memref<2x10240x48xf32, #tpu.memory_space<hbm>> -> memref<1x128x48xf32, #tpu.memory_space<hbm>>
      %dma_start3A_116 = tpu.memref_squeeze %dma_start3A_115 : memref<1x128x48xf32, #tpu.memory_space<hbm>> -> memref<128x48xf32, #tpu.memory_space<hbm>>
      %dma_start3A_117 = arith.constant 0 : i32
      %dma_start3A_118 = tpu.memref_slice %arg12[%add3A_112, %dma_start3A_117] : memref<10240x48xf32, #tpu.memory_space<vmem_shared>> -> memref<128x48xf32, #tpu.memory_space<vmem_shared>>
      tpu.enqueue_dma source(%dma_start3A_118 : memref<128x48xf32, #tpu.memory_space<vmem_shared>>) target(%dma_start3A_116 : memref<128x48xf32, #tpu.memory_space<hbm>>) target_semaphore(%run_scoped3A_113 : memref<!tpu.dma_semaphore, #tpu.memory_space<semaphore_mem>>)
      %dma_wait3A_119 = arith.constant 0 : i32
      %dma_wait3A_120 = tpu.memref_slice %arg5[%arg0, %add3A_112, %dma_wait3A_119] : memref<2x10240x48xf32, #tpu.memory_space<hbm>> -> memref<1x128x48xf32, #tpu.memory_space<hbm>>
      %dma_wait3A_121 = tpu.memref_squeeze %dma_wait3A_120 : memref<1x128x48xf32, #tpu.memory_space<hbm>> -> memref<128x48xf32, #tpu.memory_space<hbm>>
      %dma_wait3A_122 = arith.constant 0 : i32
      %dma_wait3A_123 = tpu.memref_slice %arg12[%add3A_112, %dma_wait3A_122] : memref<10240x48xf32, #tpu.memory_space<vmem_shared>> -> memref<128x48xf32, #tpu.memory_space<vmem_shared>>
      tpu.wait_dma2 semaphore(%run_scoped3A_113 : memref<!tpu.dma_semaphore, #tpu.memory_space<semaphore_mem>>) src(%dma_wait3A_123 : memref<128x48xf32, #tpu.memory_space<vmem_shared>>) dst(%dma_wait3A_121 : memref<128x48xf32, #tpu.memory_space<hbm>>)
      tpu.yield
    }) : () -> ()
    return
  }
}

#map = affine_map<(d0, d1) -> (0, 0, 0)>
#map1 = affine_map<(d0, d1) -> (0, 0)>
module attributes {stable_mosaic.version = 14 : i64} {
  func.func @k(%arg0: i32, %arg1: i32, %arg2: memref<32x80x128xi32, #tpu.memory_space<hbm>>, %arg3: memref<32x80x128xi32, #tpu.memory_space<hbm>>, %arg4: memref<10000x64xf32, #tpu.memory_space<hbm>>, %arg5: memref<2x10240x64xf32, #tpu.memory_space<hbm>>, %arg6: memref<80x128xi32, #tpu.memory_space<vmem>>, %arg7: memref<80x128xi32, #tpu.memory_space<vmem>>, %arg8: memref<128x64xf32, #tpu.memory_space<vmem>>, %arg9: memref<128x64xf32, #tpu.memory_space<vmem>>, %arg10: memref<128x64xf32, #tpu.memory_space<vmem>>, %arg11: memref<10000x64xf32, #tpu.memory_space<vmem_shared>>, %arg12: memref<10240x64xf32, #tpu.memory_space<vmem_shared>>, %arg13: memref<!tpu.dma_semaphore, #tpu.memory_space<semaphore_mem>>, %arg14: memref<!tpu.dma_semaphore, #tpu.memory_space<semaphore_mem>>, %arg15: memref<!tpu.dma_semaphore, #tpu.memory_space<semaphore_mem>>) attributes {dimension_semantics = [#tpu.dimension_semantics<core_parallel>, #tpu.dimension_semantics<subcore_parallel>], iteration_bounds = array<i64: 2, 16>, scalar_prefetch = 0 : i64, scratch_operands = 10 : i64, tpu.core_type = #tpu.core_type<sc_vector_subcore>, window_params = [{transform_indices = #map}, {transform_indices = #map}, {transform_indices = #map1}, {transform_indices = #map}]} {
    %mul3A = arith.constant 16 : i32
    %mul3A_0 = arith.muli %arg0, %mul3A : i32
    %add3A = arith.addi %mul3A_0, %arg1 : i32
    "tpu.region"() ({
      %run_scoped3A_113 = tpu.sem_alloc : memref<!tpu.dma_semaphore, #tpu.memory_space<semaphore_mem>>
      %dma_start3A_114 = arith.constant 0 : i32
      %dma_start3A_115 = arith.constant 0 : i32
      %dma_start3A_116 = tpu.memref_slice %arg2[%add3A, %dma_start3A_114, %dma_start3A_115] : memref<32x80x128xi32, #tpu.memory_space<hbm>> -> memref<1x80x128xi32, #tpu.memory_space<hbm>>
      %dma_start3A_117 = tpu.memref_squeeze %dma_start3A_116 : memref<1x80x128xi32, #tpu.memory_space<hbm>> -> memref<80x128xi32, #tpu.memory_space<hbm>>
      %dma_start3A_118 = arith.constant 0 : i32
      %dma_start3A_119 = arith.constant 0 : i32
      %dma_start3A_120 = tpu.memref_slice %arg2[%add3A, %dma_start3A_118, %dma_start3A_119] : memref<32x80x128xi32, #tpu.memory_space<hbm>> -> memref<1x80x128xi32, #tpu.memory_space<hbm>>
      %dma_start3A_121 = tpu.memref_squeeze %dma_start3A_120 : memref<1x80x128xi32, #tpu.memory_space<hbm>> -> memref<80x128xi32, #tpu.memory_space<hbm>>
      tpu.enqueue_dma source(%dma_start3A_121 : memref<80x128xi32, #tpu.memory_space<hbm>>) target(%arg6 : memref<80x128xi32, #tpu.memory_space<vmem>>) target_semaphore(%run_scoped3A_113 : memref<!tpu.dma_semaphore, #tpu.memory_space<semaphore_mem>>)
      %dma_wait3A_122 = arith.constant 0 : i32
      %dma_wait3A_123 = arith.constant 0 : i32
      %dma_wait3A_124 = tpu.memref_slice %arg2[%add3A, %dma_wait3A_122, %dma_wait3A_123] : memref<32x80x128xi32, #tpu.memory_space<hbm>> -> memref<1x80x128xi32, #tpu.memory_space<hbm>>
      %dma_wait3A_125 = tpu.memref_squeeze %dma_wait3A_124 : memref<1x80x128xi32, #tpu.memory_space<hbm>> -> memref<80x128xi32, #tpu.memory_space<hbm>>
      %dma_wait3A_126 = arith.constant 0 : i32
      %dma_wait3A_127 = arith.constant 0 : i32
      %dma_wait3A_128 = tpu.memref_slice %arg2[%add3A, %dma_wait3A_126, %dma_wait3A_127] : memref<32x80x128xi32, #tpu.memory_space<hbm>> -> memref<1x80x128xi32, #tpu.memory_space<hbm>>
      %dma_wait3A_129 = tpu.memref_squeeze %dma_wait3A_128 : memref<1x80x128xi32, #tpu.memory_space<hbm>> -> memref<80x128xi32, #tpu.memory_space<hbm>>
      tpu.wait_dma2 semaphore(%run_scoped3A_113 : memref<!tpu.dma_semaphore, #tpu.memory_space<semaphore_mem>>) src(%dma_wait3A_129 : memref<80x128xi32, #tpu.memory_space<hbm>>) dst(%arg6 : memref<80x128xi32, #tpu.memory_space<vmem>>)
      tpu.yield
    }) : () -> ()
    "tpu.region"() ({
      %run_scoped3A_113 = tpu.sem_alloc : memref<!tpu.dma_semaphore, #tpu.memory_space<semaphore_mem>>
      %dma_start3A_114 = arith.constant 0 : i32
      %dma_start3A_115 = arith.constant 0 : i32
      %dma_start3A_116 = tpu.memref_slice %arg3[%add3A, %dma_start3A_114, %dma_start3A_115] : memref<32x80x128xi32, #tpu.memory_space<hbm>> -> memref<1x80x128xi32, #tpu.memory_space<hbm>>
      %dma_start3A_117 = tpu.memref_squeeze %dma_start3A_116 : memref<1x80x128xi32, #tpu.memory_space<hbm>> -> memref<80x128xi32, #tpu.memory_space<hbm>>
      %dma_start3A_118 = arith.constant 0 : i32
      %dma_start3A_119 = arith.constant 0 : i32
      %dma_start3A_120 = tpu.memref_slice %arg3[%add3A, %dma_start3A_118, %dma_start3A_119] : memref<32x80x128xi32, #tpu.memory_space<hbm>> -> memref<1x80x128xi32, #tpu.memory_space<hbm>>
      %dma_start3A_121 = tpu.memref_squeeze %dma_start3A_120 : memref<1x80x128xi32, #tpu.memory_space<hbm>> -> memref<80x128xi32, #tpu.memory_space<hbm>>
      tpu.enqueue_dma source(%dma_start3A_121 : memref<80x128xi32, #tpu.memory_space<hbm>>) target(%arg7 : memref<80x128xi32, #tpu.memory_space<vmem>>) target_semaphore(%run_scoped3A_113 : memref<!tpu.dma_semaphore, #tpu.memory_space<semaphore_mem>>)
      %dma_wait3A_122 = arith.constant 0 : i32
      %dma_wait3A_123 = arith.constant 0 : i32
      %dma_wait3A_124 = tpu.memref_slice %arg3[%add3A, %dma_wait3A_122, %dma_wait3A_123] : memref<32x80x128xi32, #tpu.memory_space<hbm>> -> memref<1x80x128xi32, #tpu.memory_space<hbm>>
      %dma_wait3A_125 = tpu.memref_squeeze %dma_wait3A_124 : memref<1x80x128xi32, #tpu.memory_space<hbm>> -> memref<80x128xi32, #tpu.memory_space<hbm>>
      %dma_wait3A_126 = arith.constant 0 : i32
      %dma_wait3A_127 = arith.constant 0 : i32
      %dma_wait3A_128 = tpu.memref_slice %arg3[%add3A, %dma_wait3A_126, %dma_wait3A_127] : memref<32x80x128xi32, #tpu.memory_space<hbm>> -> memref<1x80x128xi32, #tpu.memory_space<hbm>>
      %dma_wait3A_129 = tpu.memref_squeeze %dma_wait3A_128 : memref<1x80x128xi32, #tpu.memory_space<hbm>> -> memref<80x128xi32, #tpu.memory_space<hbm>>
      tpu.wait_dma2 semaphore(%run_scoped3A_113 : memref<!tpu.dma_semaphore, #tpu.memory_space<semaphore_mem>>) src(%dma_wait3A_129 : memref<80x128xi32, #tpu.memory_space<hbm>>) dst(%arg7 : memref<80x128xi32, #tpu.memory_space<vmem>>)
      tpu.yield
    }) : () -> ()
    %mul3A_1 = arith.constant 625 : i32
    %mul3A_2 = arith.muli %arg1, %mul3A_1 : i32
    %mul3A_3 = arith.constant 625 : i32
    %mul3A_4 = arith.muli %arg1, %mul3A_3 : i32
    "tpu.region"() ({
      %run_scoped3A_113 = tpu.sem_alloc : memref<!tpu.dma_semaphore, #tpu.memory_space<semaphore_mem>>
      %dma_start3A_114 = arith.constant 0 : i32
      %dma_start3A_115 = tpu.memref_slice %arg11[%mul3A_4, %dma_start3A_114] : memref<10000x64xf32, #tpu.memory_space<vmem_shared>> -> memref<625x64xf32, #tpu.memory_space<vmem_shared>>
      %dma_start3A_116 = arith.constant 0 : i32
      %dma_start3A_117 = tpu.memref_slice %arg4[%mul3A_2, %dma_start3A_116] : memref<10000x64xf32, #tpu.memory_space<hbm>> -> memref<625x64xf32, #tpu.memory_space<hbm>>
      tpu.enqueue_dma source(%dma_start3A_117 : memref<625x64xf32, #tpu.memory_space<hbm>>) target(%dma_start3A_115 : memref<625x64xf32, #tpu.memory_space<vmem_shared>>) target_semaphore(%run_scoped3A_113 : memref<!tpu.dma_semaphore, #tpu.memory_space<semaphore_mem>>)
      %dma_wait3A_118 = arith.constant 0 : i32
      %dma_wait3A_119 = tpu.memref_slice %arg11[%mul3A_4, %dma_wait3A_118] : memref<10000x64xf32, #tpu.memory_space<vmem_shared>> -> memref<625x64xf32, #tpu.memory_space<vmem_shared>>
      %dma_wait3A_120 = arith.constant 0 : i32
      %dma_wait3A_121 = tpu.memref_slice %arg4[%mul3A_2, %dma_wait3A_120] : memref<10000x64xf32, #tpu.memory_space<hbm>> -> memref<625x64xf32, #tpu.memory_space<hbm>>
      tpu.wait_dma2 semaphore(%run_scoped3A_113 : memref<!tpu.dma_semaphore, #tpu.memory_space<semaphore_mem>>) src(%dma_wait3A_121 : memref<625x64xf32, #tpu.memory_space<hbm>>) dst(%dma_wait3A_119 : memref<625x64xf32, #tpu.memory_space<vmem_shared>>)
      tpu.yield
    }) : () -> ()
    %scan3A = arith.constant 0 : i32
    %scan3A_5 = arith.constant 0 : i32
    %scan3A_6 = arith.constant 128 : i32
    %scan3A_7 = arith.addi %scan3A_5, %scan3A_6 : i32
    %scan3A_8 = arith.constant 1 : i32
    %scan3A_9 = scf.for %scan3A_113 = %scan3A_5 to %scan3A_7 step %scan3A_8 iter_args(%scan3A_114 = %scan3A) -> (i32)  : i32 {
      %broadcast_in_dim3A = arith.constant 0.000000e+00 : f32
      %broadcast_in_dim3A_115 = vector.broadcast %broadcast_in_dim3A : f32 to vector<16xf32>
      %swap3A = arith.index_cast %scan3A_113 : i32 to index
      %swap3A_116 = arith.constant 0 : index
      %swap3A_117 = tpu.vector_load %arg8[%swap3A, %swap3A_116] {strides = array<i32>} : memref<128x64xf32, #tpu.memory_space<vmem>>, vector<1x16xf32>,
      %swap3A_118 = vector.shape_cast %swap3A_117 : vector<1x16xf32> to vector<16xf32>
      %swap3A_119 = vector.shape_cast %broadcast_in_dim3A_115 : vector<16xf32> to vector<1x16xf32>
      tpu.vector_store %arg8[%swap3A, %swap3A_116], %swap3A_119 {strides = array<i32>} : memref<128x64xf32, #tpu.memory_space<vmem>>, vector<1x16xf32>,
      %broadcast_in_dim3A_120 = arith.constant 0.000000e+00 : f32
      %broadcast_in_dim3A_121 = vector.broadcast %broadcast_in_dim3A_120 : f32 to vector<16xf32>
      %swap3A_122 = arith.index_cast %scan3A_113 : i32 to index
      %swap3A_123 = arith.constant 16 : index
      %swap3A_124 = tpu.vector_load %arg8[%swap3A_122, %swap3A_123] {strides = array<i32>} : memref<128x64xf32, #tpu.memory_space<vmem>>, vector<1x16xf32>,
      %swap3A_125 = vector.shape_cast %swap3A_124 : vector<1x16xf32> to vector<16xf32>
      %swap3A_126 = vector.shape_cast %broadcast_in_dim3A_121 : vector<16xf32> to vector<1x16xf32>
      tpu.vector_store %arg8[%swap3A_122, %swap3A_123], %swap3A_126 {strides = array<i32>} : memref<128x64xf32, #tpu.memory_space<vmem>>, vector<1x16xf32>,
      %broadcast_in_dim3A_127 = arith.constant 0.000000e+00 : f32
      %broadcast_in_dim3A_128 = vector.broadcast %broadcast_in_dim3A_127 : f32 to vector<16xf32>
      %swap3A_129 = arith.index_cast %scan3A_113 : i32 to index
      %swap3A_130 = arith.constant 32 : index
      %swap3A_131 = tpu.vector_load %arg8[%swap3A_129, %swap3A_130] {strides = array<i32>} : memref<128x64xf32, #tpu.memory_space<vmem>>, vector<1x16xf32>,
      %swap3A_132 = vector.shape_cast %swap3A_131 : vector<1x16xf32> to vector<16xf32>
      %swap3A_133 = vector.shape_cast %broadcast_in_dim3A_128 : vector<16xf32> to vector<1x16xf32>
      tpu.vector_store %arg8[%swap3A_129, %swap3A_130], %swap3A_133 {strides = array<i32>} : memref<128x64xf32, #tpu.memory_space<vmem>>, vector<1x16xf32>,
      %broadcast_in_dim3A_134 = arith.constant 0.000000e+00 : f32
      %broadcast_in_dim3A_135 = vector.broadcast %broadcast_in_dim3A_134 : f32 to vector<16xf32>
      %swap3A_136 = arith.index_cast %scan3A_113 : i32 to index
      %swap3A_137 = arith.constant 48 : index
      %swap3A_138 = tpu.vector_load %arg8[%swap3A_136, %swap3A_137] {strides = array<i32>} : memref<128x64xf32, #tpu.memory_space<vmem>>, vector<1x16xf32>,
      %swap3A_139 = vector.shape_cast %swap3A_138 : vector<1x16xf32> to vector<16xf32>
      %swap3A_140 = vector.shape_cast %broadcast_in_dim3A_135 : vector<16xf32> to vector<1x16xf32>
      tpu.vector_store %arg8[%swap3A_136, %swap3A_137], %swap3A_140 {strides = array<i32>} : memref<128x64xf32, #tpu.memory_space<vmem>>, vector<1x16xf32>,
      %scan3A_141 = arith.constant 0 : i32
      scf.yield %scan3A_141 : i32
    }
    %scan3A_10 = arith.constant 128 : i32
    %mul3A_11 = arith.constant 640 : i32
    %mul3A_12 = arith.muli %arg1, %mul3A_11 : i32
    %add3A_13 = arith.constant 0 : i32
    %add3A_14 = arith.addi %mul3A_12, %add3A_13 : i32
    "tpu.region"() ({
      %run_scoped3A_113 = tpu.sem_alloc : memref<!tpu.dma_semaphore, #tpu.memory_space<semaphore_mem>>
      %dma_start3A_114 = arith.constant 0 : i32
      %dma_start3A_115 = tpu.memref_slice %arg12[%add3A_14, %dma_start3A_114] : memref<10240x64xf32, #tpu.memory_space<vmem_shared>> -> memref<128x64xf32, #tpu.memory_space<vmem_shared>>
      %dma_start3A_116 = arith.constant 0 : i32
      %dma_start3A_117 = tpu.memref_slice %arg12[%add3A_14, %dma_start3A_116] : memref<10240x64xf32, #tpu.memory_space<vmem_shared>> -> memref<128x64xf32, #tpu.memory_space<vmem_shared>>
      tpu.enqueue_dma source(%arg8 : memref<128x64xf32, #tpu.memory_space<vmem>>) target(%dma_start3A_117 : memref<128x64xf32, #tpu.memory_space<vmem_shared>>) target_semaphore(%run_scoped3A_113 : memref<!tpu.dma_semaphore, #tpu.memory_space<semaphore_mem>>)
      %dma_wait3A_118 = arith.constant 0 : i32
      %dma_wait3A_119 = tpu.memref_slice %arg12[%add3A_14, %dma_wait3A_118] : memref<10240x64xf32, #tpu.memory_space<vmem_shared>> -> memref<128x64xf32, #tpu.memory_space<vmem_shared>>
      %dma_wait3A_120 = arith.constant 0 : i32
      %dma_wait3A_121 = tpu.memref_slice %arg12[%add3A_14, %dma_wait3A_120] : memref<10240x64xf32, #tpu.memory_space<vmem_shared>> -> memref<128x64xf32, #tpu.memory_space<vmem_shared>>
      tpu.wait_dma2 semaphore(%run_scoped3A_113 : memref<!tpu.dma_semaphore, #tpu.memory_space<semaphore_mem>>) src(%arg8 : memref<128x64xf32, #tpu.memory_space<vmem>>) dst(%dma_wait3A_121 : memref<128x64xf32, #tpu.memory_space<vmem_shared>>)
      tpu.yield
    }) : () -> ()
    %add3A_15 = arith.constant 128 : i32
    %add3A_16 = arith.addi %mul3A_12, %add3A_15 : i32
    "tpu.region"() ({
      %run_scoped3A_113 = tpu.sem_alloc : memref<!tpu.dma_semaphore, #tpu.memory_space<semaphore_mem>>
      %dma_start3A_114 = arith.constant 0 : i32
      %dma_start3A_115 = tpu.memref_slice %arg12[%add3A_16, %dma_start3A_114] : memref<10240x64xf32, #tpu.memory_space<vmem_shared>> -> memref<128x64xf32, #tpu.memory_space<vmem_shared>>
      %dma_start3A_116 = arith.constant 0 : i32
      %dma_start3A_117 = tpu.memref_slice %arg12[%add3A_16, %dma_start3A_116] : memref<10240x64xf32, #tpu.memory_space<vmem_shared>> -> memref<128x64xf32, #tpu.memory_space<vmem_shared>>
      tpu.enqueue_dma source(%arg8 : memref<128x64xf32, #tpu.memory_space<vmem>>) target(%dma_start3A_117 : memref<128x64xf32, #tpu.memory_space<vmem_shared>>) target_semaphore(%run_scoped3A_113 : memref<!tpu.dma_semaphore, #tpu.memory_space<semaphore_mem>>)
      %dma_wait3A_118 = arith.constant 0 : i32
      %dma_wait3A_119 = tpu.memref_slice %arg12[%add3A_16, %dma_wait3A_118] : memref<10240x64xf32, #tpu.memory_space<vmem_shared>> -> memref<128x64xf32, #tpu.memory_space<vmem_shared>>
      %dma_wait3A_120 = arith.constant 0 : i32
      %dma_wait3A_121 = tpu.memref_slice %arg12[%add3A_16, %dma_wait3A_120] : memref<10240x64xf32, #tpu.memory_space<vmem_shared>> -> memref<128x64xf32, #tpu.memory_space<vmem_shared>>
      tpu.wait_dma2 semaphore(%run_scoped3A_113 : memref<!tpu.dma_semaphore, #tpu.memory_space<semaphore_mem>>) src(%arg8 : memref<128x64xf32, #tpu.memory_space<vmem>>) dst(%dma_wait3A_121 : memref<128x64xf32, #tpu.memory_space<vmem_shared>>)
      tpu.yield
    }) : () -> ()
    %add3A_17 = arith.constant 256 : i32
    %add3A_18 = arith.addi %mul3A_12, %add3A_17 : i32
    "tpu.region"() ({
      %run_scoped3A_113 = tpu.sem_alloc : memref<!tpu.dma_semaphore, #tpu.memory_space<semaphore_mem>>
      %dma_start3A_114 = arith.constant 0 : i32
      %dma_start3A_115 = tpu.memref_slice %arg12[%add3A_18, %dma_start3A_114] : memref<10240x64xf32, #tpu.memory_space<vmem_shared>> -> memref<128x64xf32, #tpu.memory_space<vmem_shared>>
      %dma_start3A_116 = arith.constant 0 : i32
      %dma_start3A_117 = tpu.memref_slice %arg12[%add3A_18, %dma_start3A_116] : memref<10240x64xf32, #tpu.memory_space<vmem_shared>> -> memref<128x64xf32, #tpu.memory_space<vmem_shared>>
      tpu.enqueue_dma source(%arg8 : memref<128x64xf32, #tpu.memory_space<vmem>>) target(%dma_start3A_117 : memref<128x64xf32, #tpu.memory_space<vmem_shared>>) target_semaphore(%run_scoped3A_113 : memref<!tpu.dma_semaphore, #tpu.memory_space<semaphore_mem>>)
      %dma_wait3A_118 = arith.constant 0 : i32
      %dma_wait3A_119 = tpu.memref_slice %arg12[%add3A_18, %dma_wait3A_118] : memref<10240x64xf32, #tpu.memory_space<vmem_shared>> -> memref<128x64xf32, #tpu.memory_space<vmem_shared>>
      %dma_wait3A_120 = arith.constant 0 : i32
      %dma_wait3A_121 = tpu.memref_slice %arg12[%add3A_18, %dma_wait3A_120] : memref<10240x64xf32, #tpu.memory_space<vmem_shared>> -> memref<128x64xf32, #tpu.memory_space<vmem_shared>>
      tpu.wait_dma2 semaphore(%run_scoped3A_113 : memref<!tpu.dma_semaphore, #tpu.memory_space<semaphore_mem>>) src(%arg8 : memref<128x64xf32, #tpu.memory_space<vmem>>) dst(%dma_wait3A_121 : memref<128x64xf32, #tpu.memory_space<vmem_shared>>)
      tpu.yield
    }) : () -> ()
    %add3A_19 = arith.constant 384 : i32
    %add3A_20 = arith.addi %mul3A_12, %add3A_19 : i32
    "tpu.region"() ({
      %run_scoped3A_113 = tpu.sem_alloc : memref<!tpu.dma_semaphore, #tpu.memory_space<semaphore_mem>>
      %dma_start3A_114 = arith.constant 0 : i32
      %dma_start3A_115 = tpu.memref_slice %arg12[%add3A_20, %dma_start3A_114] : memref<10240x64xf32, #tpu.memory_space<vmem_shared>> -> memref<128x64xf32, #tpu.memory_space<vmem_shared>>
      %dma_start3A_116 = arith.constant 0 : i32
      %dma_start3A_117 = tpu.memref_slice %arg12[%add3A_20, %dma_start3A_116] : memref<10240x64xf32, #tpu.memory_space<vmem_shared>> -> memref<128x64xf32, #tpu.memory_space<vmem_shared>>
      tpu.enqueue_dma source(%arg8 : memref<128x64xf32, #tpu.memory_space<vmem>>) target(%dma_start3A_117 : memref<128x64xf32, #tpu.memory_space<vmem_shared>>) target_semaphore(%run_scoped3A_113 : memref<!tpu.dma_semaphore, #tpu.memory_space<semaphore_mem>>)
      %dma_wait3A_118 = arith.constant 0 : i32
      %dma_wait3A_119 = tpu.memref_slice %arg12[%add3A_20, %dma_wait3A_118] : memref<10240x64xf32, #tpu.memory_space<vmem_shared>> -> memref<128x64xf32, #tpu.memory_space<vmem_shared>>
      %dma_wait3A_120 = arith.constant 0 : i32
      %dma_wait3A_121 = tpu.memref_slice %arg12[%add3A_20, %dma_wait3A_120] : memref<10240x64xf32, #tpu.memory_space<vmem_shared>> -> memref<128x64xf32, #tpu.memory_space<vmem_shared>>
      tpu.wait_dma2 semaphore(%run_scoped3A_113 : memref<!tpu.dma_semaphore, #tpu.memory_space<semaphore_mem>>) src(%arg8 : memref<128x64xf32, #tpu.memory_space<vmem>>) dst(%dma_wait3A_121 : memref<128x64xf32, #tpu.memory_space<vmem_shared>>)
      tpu.yield
    }) : () -> ()
    %add3A_21 = arith.constant 512 : i32
    %add3A_22 = arith.addi %mul3A_12, %add3A_21 : i32
    "tpu.region"() ({
      %run_scoped3A_113 = tpu.sem_alloc : memref<!tpu.dma_semaphore, #tpu.memory_space<semaphore_mem>>
      %dma_start3A_114 = arith.constant 0 : i32
      %dma_start3A_115 = tpu.memref_slice %arg12[%add3A_22, %dma_start3A_114] : memref<10240x64xf32, #tpu.memory_space<vmem_shared>> -> memref<128x64xf32, #tpu.memory_space<vmem_shared>>
      %dma_start3A_116 = arith.constant 0 : i32
      %dma_start3A_117 = tpu.memref_slice %arg12[%add3A_22, %dma_start3A_116] : memref<10240x64xf32, #tpu.memory_space<vmem_shared>> -> memref<128x64xf32, #tpu.memory_space<vmem_shared>>
      tpu.enqueue_dma source(%arg8 : memref<128x64xf32, #tpu.memory_space<vmem>>) target(%dma_start3A_117 : memref<128x64xf32, #tpu.memory_space<vmem_shared>>) target_semaphore(%run_scoped3A_113 : memref<!tpu.dma_semaphore, #tpu.memory_space<semaphore_mem>>)
      %dma_wait3A_118 = arith.constant 0 : i32
      %dma_wait3A_119 = tpu.memref_slice %arg12[%add3A_22, %dma_wait3A_118] : memref<10240x64xf32, #tpu.memory_space<vmem_shared>> -> memref<128x64xf32, #tpu.memory_space<vmem_shared>>
      %dma_wait3A_120 = arith.constant 0 : i32
      %dma_wait3A_121 = tpu.memref_slice %arg12[%add3A_22, %dma_wait3A_120] : memref<10240x64xf32, #tpu.memory_space<vmem_shared>> -> memref<128x64xf32, #tpu.memory_space<vmem_shared>>
      tpu.wait_dma2 semaphore(%run_scoped3A_113 : memref<!tpu.dma_semaphore, #tpu.memory_space<semaphore_mem>>) src(%arg8 : memref<128x64xf32, #tpu.memory_space<vmem>>) dst(%dma_wait3A_121 : memref<128x64xf32, #tpu.memory_space<vmem_shared>>)
      tpu.yield
    }) : () -> ()
    %barrier3A = arith.constant 0 : index
    tpu.barrier barrier_id(%barrier3A)
    %dma_start3A = arith.constant 0 : i32
    %dma_start3A_23 = arith.constant 0 : i32
    %dma_start3A_24 = tpu.memref_slice %arg6[%dma_start3A, %dma_start3A_23] : memref<80x128xi32, #tpu.memory_space<vmem>> -> memref<1x128xi32, #tpu.memory_space<vmem>>
    %dma_start3A_25 = tpu.memref_squeeze %dma_start3A_24 : memref<1x128xi32, #tpu.memory_space<vmem>> -> memref<128xi32, #tpu.memory_space<vmem>>
    %dma_start3A_26 = arith.constant 0 : i32
    %dma_start3A_27 = arith.constant 0 : i32
    %dma_start3A_28 = tpu.memref_slice %arg11[%dma_start3A_26, %dma_start3A_27] : memref<10000x64xf32, #tpu.memory_space<vmem_shared>> -> memref<10000x64xf32, #tpu.memory_space<vmem_shared>>
    tpu.enqueue_indirect_dma source(%dma_start3A_28 : memref<10000x64xf32, #tpu.memory_space<vmem_shared>>) target(%arg8 : memref<128x64xf32, #tpu.memory_space<vmem>>) offsets(%dma_start3A_25 : memref<128xi32, #tpu.memory_space<vmem>>) semaphore(%arg13 : memref<!tpu.dma_semaphore, #tpu.memory_space<semaphore_mem>>)
    %dma_start3A_29 = arith.constant 1 : i32
    %dma_start3A_30 = arith.constant 0 : i32
    %dma_start3A_31 = tpu.memref_slice %arg6[%dma_start3A_29, %dma_start3A_30] : memref<80x128xi32, #tpu.memory_space<vmem>> -> memref<1x128xi32, #tpu.memory_space<vmem>>
    %dma_start3A_32 = tpu.memref_squeeze %dma_start3A_31 : memref<1x128xi32, #tpu.memory_space<vmem>> -> memref<128xi32, #tpu.memory_space<vmem>>
    %dma_start3A_33 = arith.constant 0 : i32
    %dma_start3A_34 = arith.constant 0 : i32
    %dma_start3A_35 = tpu.memref_slice %arg11[%dma_start3A_33, %dma_start3A_34] : memref<10000x64xf32, #tpu.memory_space<vmem_shared>> -> memref<10000x64xf32, #tpu.memory_space<vmem_shared>>
    tpu.enqueue_indirect_dma source(%dma_start3A_35 : memref<10000x64xf32, #tpu.memory_space<vmem_shared>>) target(%arg9 : memref<128x64xf32, #tpu.memory_space<vmem>>) offsets(%dma_start3A_32 : memref<128xi32, #tpu.memory_space<vmem>>) semaphore(%arg14 : memref<!tpu.dma_semaphore, #tpu.memory_space<semaphore_mem>>)
    %dma_start3A_36 = arith.constant 2 : i32
    %dma_start3A_37 = arith.constant 0 : i32
    %dma_start3A_38 = tpu.memref_slice %arg6[%dma_start3A_36, %dma_start3A_37] : memref<80x128xi32, #tpu.memory_space<vmem>> -> memref<1x128xi32, #tpu.memory_space<vmem>>
    %dma_start3A_39 = tpu.memref_squeeze %dma_start3A_38 : memref<1x128xi32, #tpu.memory_space<vmem>> -> memref<128xi32, #tpu.memory_space<vmem>>
    %dma_start3A_40 = arith.constant 0 : i32
    %dma_start3A_41 = arith.constant 0 : i32
    %dma_start3A_42 = tpu.memref_slice %arg11[%dma_start3A_40, %dma_start3A_41] : memref<10000x64xf32, #tpu.memory_space<vmem_shared>> -> memref<10000x64xf32, #tpu.memory_space<vmem_shared>>
    tpu.enqueue_indirect_dma source(%dma_start3A_42 : memref<10000x64xf32, #tpu.memory_space<vmem_shared>>) target(%arg10 : memref<128x64xf32, #tpu.memory_space<vmem>>) offsets(%dma_start3A_39 : memref<128xi32, #tpu.memory_space<vmem>>) semaphore(%arg15 : memref<!tpu.dma_semaphore, #tpu.memory_space<semaphore_mem>>)
    %scan3A_43 = arith.constant 0 : i32
    %scan3A_44 = arith.constant 0 : i32
    %scan3A_45 = arith.constant 25 : i32
    %scan3A_46 = arith.addi %scan3A_44, %scan3A_45 : i32
    %scan3A_47 = arith.constant 1 : i32
    %scan3A_48 = scf.for %scan3A_113 = %scan3A_44 to %scan3A_46 step %scan3A_47 iter_args(%scan3A_114 = %scan3A_43) -> (i32)  : i32 {
      %mul3A_115 = arith.constant 3 : i32
      %mul3A_116 = arith.muli %mul3A_115, %scan3A_113 : i32
      %add3A_117 = arith.constant 0 : i32
      %add3A_118 = arith.addi %mul3A_116, %add3A_117 : i32
      %dma_wait3A_119 = arith.constant 0 : i32
      %dma_wait3A_120 = tpu.memref_slice %arg6[%add3A_118, %dma_wait3A_119] : memref<80x128xi32, #tpu.memory_space<vmem>> -> memref<1x128xi32, #tpu.memory_space<vmem>>
      %dma_wait3A_121 = tpu.memref_squeeze %dma_wait3A_120 : memref<1x128xi32, #tpu.memory_space<vmem>> -> memref<128xi32, #tpu.memory_space<vmem>>
      %dma_wait3A_122 = arith.constant 0 : i32
      %dma_wait3A_123 = arith.constant 0 : i32
      %dma_wait3A_124 = tpu.memref_slice %arg11[%dma_wait3A_122, %dma_wait3A_123] : memref<10000x64xf32, #tpu.memory_space<vmem_shared>> -> memref<10000x64xf32, #tpu.memory_space<vmem_shared>>
      tpu.wait_indirect_dma semaphore(%arg13 : memref<!tpu.dma_semaphore, #tpu.memory_space<semaphore_mem>>) src(%dma_wait3A_124 : memref<10000x64xf32, #tpu.memory_space<vmem_shared>>) dst(%arg8 : memref<128x64xf32, #tpu.memory_space<vmem>>)
      %add3A_125 = arith.constant 0 : i32
      %add3A_126 = arith.addi %mul3A_116, %add3A_125 : i32
      "tpu.region"() ({
        %run_scoped3A_178 = tpu.sem_alloc : memref<!tpu.dma_semaphore, #tpu.memory_space<semaphore_mem>>
        %dma_start3A_179 = arith.constant 0 : i32
        %dma_start3A_180 = tpu.memref_slice %arg7[%add3A_126, %dma_start3A_179] : memref<80x128xi32, #tpu.memory_space<vmem>> -> memref<1x128xi32, #tpu.memory_space<vmem>>
        %dma_start3A_181 = tpu.memref_squeeze %dma_start3A_180 : memref<1x128xi32, #tpu.memory_space<vmem>> -> memref<128xi32, #tpu.memory_space<vmem>>
        %dma_start3A_182 = arith.constant 0 : i32
        %dma_start3A_183 = arith.constant 0 : i32
        %dma_start3A_184 = tpu.memref_slice %arg12[%dma_start3A_182, %dma_start3A_183] : memref<10240x64xf32, #tpu.memory_space<vmem_shared>> -> memref<10240x64xf32, #tpu.memory_space<vmem_shared>>
        tpu.enqueue_indirect_dma source(%arg8 : memref<128x64xf32, #tpu.memory_space<vmem>>) target(%dma_start3A_184 : memref<10240x64xf32, #tpu.memory_space<vmem_shared>>) offsets(%dma_start3A_181 : memref<128xi32, #tpu.memory_space<vmem>>) semaphore(%run_scoped3A_178 : memref<!tpu.dma_semaphore, #tpu.memory_space<semaphore_mem>>) {add = true}
        %dma_wait3A_185 = arith.constant 0 : i32
        %dma_wait3A_186 = tpu.memref_slice %arg7[%add3A_126, %dma_wait3A_185] : memref<80x128xi32, #tpu.memory_space<vmem>> -> memref<1x128xi32, #tpu.memory_space<vmem>>
        %dma_wait3A_187 = tpu.memref_squeeze %dma_wait3A_186 : memref<1x128xi32, #tpu.memory_space<vmem>> -> memref<128xi32, #tpu.memory_space<vmem>>
        %dma_wait3A_188 = arith.constant 0 : i32
        %dma_wait3A_189 = arith.constant 0 : i32
        %dma_wait3A_190 = tpu.memref_slice %arg12[%dma_wait3A_188, %dma_wait3A_189] : memref<10240x64xf32, #tpu.memory_space<vmem_shared>> -> memref<10240x64xf32, #tpu.memory_space<vmem_shared>>
        tpu.wait_indirect_dma semaphore(%run_scoped3A_178 : memref<!tpu.dma_semaphore, #tpu.memory_space<semaphore_mem>>) src(%arg8 : memref<128x64xf32, #tpu.memory_space<vmem>>) dst(%dma_wait3A_190 : memref<10240x64xf32, #tpu.memory_space<vmem_shared>>)
        tpu.yield
      }) : () -> ()
      %add3A_127 = arith.constant 0 : i32
      %add3A_128 = arith.addi %mul3A_116, %add3A_127 : i32
      %add3A_129 = arith.constant 3 : i32
      %add3A_130 = arith.addi %add3A_128, %add3A_129 : i32
      %dma_start3A_131 = arith.constant 0 : i32
      %dma_start3A_132 = tpu.memref_slice %arg6[%add3A_130, %dma_start3A_131] : memref<80x128xi32, #tpu.memory_space<vmem>> -> memref<1x128xi32, #tpu.memory_space<vmem>>
      %dma_start3A_133 = tpu.memref_squeeze %dma_start3A_132 : memref<1x128xi32, #tpu.memory_space<vmem>> -> memref<128xi32, #tpu.memory_space<vmem>>
      %dma_start3A_134 = arith.constant 0 : i32
      %dma_start3A_135 = arith.constant 0 : i32
      %dma_start3A_136 = tpu.memref_slice %arg11[%dma_start3A_134, %dma_start3A_135] : memref<10000x64xf32, #tpu.memory_space<vmem_shared>> -> memref<10000x64xf32, #tpu.memory_space<vmem_shared>>
      tpu.enqueue_indirect_dma source(%dma_start3A_136 : memref<10000x64xf32, #tpu.memory_space<vmem_shared>>) target(%arg8 : memref<128x64xf32, #tpu.memory_space<vmem>>) offsets(%dma_start3A_133 : memref<128xi32, #tpu.memory_space<vmem>>) semaphore(%arg13 : memref<!tpu.dma_semaphore, #tpu.memory_space<semaphore_mem>>)
      %add3A_137 = arith.constant 1 : i32
      %add3A_138 = arith.addi %mul3A_116, %add3A_137 : i32
      %dma_wait3A_139 = arith.constant 0 : i32
      %dma_wait3A_140 = tpu.memref_slice %arg6[%add3A_138, %dma_wait3A_139] : memref<80x128xi32, #tpu.memory_space<vmem>> -> memref<1x128xi32, #tpu.memory_space<vmem>>
      %dma_wait3A_141 = tpu.memref_squeeze %dma_wait3A_140 : memref<1x128xi32, #tpu.memory_space<vmem>> -> memref<128xi32, #tpu.memory_space<vmem>>
      %dma_wait3A_142 = arith.constant 0 : i32
      %dma_wait3A_143 = arith.constant 0 : i32
      %dma_wait3A_144 = tpu.memref_slice %arg11[%dma_wait3A_142, %dma_wait3A_143] : memref<10000x64xf32, #tpu.memory_space<vmem_shared>> -> memref<10000x64xf32, #tpu.memory_space<vmem_shared>>
      tpu.wait_indirect_dma semaphore(%arg14 : memref<!tpu.dma_semaphore, #tpu.memory_space<semaphore_mem>>) src(%dma_wait3A_144 : memref<10000x64xf32, #tpu.memory_space<vmem_shared>>) dst(%arg9 : memref<128x64xf32, #tpu.memory_space<vmem>>)
      %add3A_145 = arith.constant 1 : i32
      %add3A_146 = arith.addi %mul3A_116, %add3A_145 : i32
      "tpu.region"() ({
        %run_scoped3A_178 = tpu.sem_alloc : memref<!tpu.dma_semaphore, #tpu.memory_space<semaphore_mem>>
        %dma_start3A_179 = arith.constant 0 : i32
        %dma_start3A_180 = tpu.memref_slice %arg7[%add3A_146, %dma_start3A_179] : memref<80x128xi32, #tpu.memory_space<vmem>> -> memref<1x128xi32, #tpu.memory_space<vmem>>
        %dma_start3A_181 = tpu.memref_squeeze %dma_start3A_180 : memref<1x128xi32, #tpu.memory_space<vmem>> -> memref<128xi32, #tpu.memory_space<vmem>>
        %dma_start3A_182 = arith.constant 0 : i32
        %dma_start3A_183 = arith.constant 0 : i32
        %dma_start3A_184 = tpu.memref_slice %arg12[%dma_start3A_182, %dma_start3A_183] : memref<10240x64xf32, #tpu.memory_space<vmem_shared>> -> memref<10240x64xf32, #tpu.memory_space<vmem_shared>>
        tpu.enqueue_indirect_dma source(%arg9 : memref<128x64xf32, #tpu.memory_space<vmem>>) target(%dma_start3A_184 : memref<10240x64xf32, #tpu.memory_space<vmem_shared>>) offsets(%dma_start3A_181 : memref<128xi32, #tpu.memory_space<vmem>>) semaphore(%run_scoped3A_178 : memref<!tpu.dma_semaphore, #tpu.memory_space<semaphore_mem>>) {add = true}
        %dma_wait3A_185 = arith.constant 0 : i32
        %dma_wait3A_186 = tpu.memref_slice %arg7[%add3A_146, %dma_wait3A_185] : memref<80x128xi32, #tpu.memory_space<vmem>> -> memref<1x128xi32, #tpu.memory_space<vmem>>
        %dma_wait3A_187 = tpu.memref_squeeze %dma_wait3A_186 : memref<1x128xi32, #tpu.memory_space<vmem>> -> memref<128xi32, #tpu.memory_space<vmem>>
        %dma_wait3A_188 = arith.constant 0 : i32
        %dma_wait3A_189 = arith.constant 0 : i32
        %dma_wait3A_190 = tpu.memref_slice %arg12[%dma_wait3A_188, %dma_wait3A_189] : memref<10240x64xf32, #tpu.memory_space<vmem_shared>> -> memref<10240x64xf32, #tpu.memory_space<vmem_shared>>
        tpu.wait_indirect_dma semaphore(%run_scoped3A_178 : memref<!tpu.dma_semaphore, #tpu.memory_space<semaphore_mem>>) src(%arg9 : memref<128x64xf32, #tpu.memory_space<vmem>>) dst(%dma_wait3A_190 : memref<10240x64xf32, #tpu.memory_space<vmem_shared>>)
        tpu.yield
      }) : () -> ()
      %add3A_147 = arith.constant 1 : i32
      %add3A_148 = arith.addi %mul3A_116, %add3A_147 : i32
      %add3A_149 = arith.constant 3 : i32
      %add3A_150 = arith.addi %add3A_148, %add3A_149 : i32
      %dma_start3A_151 = arith.constant 0 : i32
      %dma_start3A_152 = tpu.memref_slice %arg6[%add3A_150, %dma_start3A_151] : memref<80x128xi32, #tpu.memory_space<vmem>> -> memref<1x128xi32, #tpu.memory_space<vmem>>
      %dma_start3A_153 = tpu.memref_squeeze %dma_start3A_152 : memref<1x128xi32, #tpu.memory_space<vmem>> -> memref<128xi32, #tpu.memory_space<vmem>>
      %dma_start3A_154 = arith.constant 0 : i32
      %dma_start3A_155 = arith.constant 0 : i32
      %dma_start3A_156 = tpu.memref_slice %arg11[%dma_start3A_154, %dma_start3A_155] : memref<10000x64xf32, #tpu.memory_space<vmem_shared>> -> memref<10000x64xf32, #tpu.memory_space<vmem_shared>>
      tpu.enqueue_indirect_dma source(%dma_start3A_156 : memref<10000x64xf32, #tpu.memory_space<vmem_shared>>) target(%arg9 : memref<128x64xf32, #tpu.memory_space<vmem>>) offsets(%dma_start3A_153 : memref<128xi32, #tpu.memory_space<vmem>>) semaphore(%arg14 : memref<!tpu.dma_semaphore, #tpu.memory_space<semaphore_mem>>)
      %add3A_157 = arith.constant 2 : i32
      %add3A_158 = arith.addi %mul3A_116, %add3A_157 : i32
      %dma_wait3A_159 = arith.constant 0 : i32
      %dma_wait3A_160 = tpu.memref_slice %arg6[%add3A_158, %dma_wait3A_159] : memref<80x128xi32, #tpu.memory_space<vmem>> -> memref<1x128xi32, #tpu.memory_space<vmem>>
      %dma_wait3A_161 = tpu.memref_squeeze %dma_wait3A_160 : memref<1x128xi32, #tpu.memory_space<vmem>> -> memref<128xi32, #tpu.memory_space<vmem>>
      %dma_wait3A_162 = arith.constant 0 : i32
      %dma_wait3A_163 = arith.constant 0 : i32
      %dma_wait3A_164 = tpu.memref_slice %arg11[%dma_wait3A_162, %dma_wait3A_163] : memref<10000x64xf32, #tpu.memory_space<vmem_shared>> -> memref<10000x64xf32, #tpu.memory_space<vmem_shared>>
      tpu.wait_indirect_dma semaphore(%arg15 : memref<!tpu.dma_semaphore, #tpu.memory_space<semaphore_mem>>) src(%dma_wait3A_164 : memref<10000x64xf32, #tpu.memory_space<vmem_shared>>) dst(%arg10 : memref<128x64xf32, #tpu.memory_space<vmem>>)
      %add3A_165 = arith.constant 2 : i32
      %add3A_166 = arith.addi %mul3A_116, %add3A_165 : i32
      "tpu.region"() ({
        %run_scoped3A_178 = tpu.sem_alloc : memref<!tpu.dma_semaphore, #tpu.memory_space<semaphore_mem>>
        %dma_start3A_179 = arith.constant 0 : i32
        %dma_start3A_180 = tpu.memref_slice %arg7[%add3A_166, %dma_start3A_179] : memref<80x128xi32, #tpu.memory_space<vmem>> -> memref<1x128xi32, #tpu.memory_space<vmem>>
        %dma_start3A_181 = tpu.memref_squeeze %dma_start3A_180 : memref<1x128xi32, #tpu.memory_space<vmem>> -> memref<128xi32, #tpu.memory_space<vmem>>
        %dma_start3A_182 = arith.constant 0 : i32
        %dma_start3A_183 = arith.constant 0 : i32
        %dma_start3A_184 = tpu.memref_slice %arg12[%dma_start3A_182, %dma_start3A_183] : memref<10240x64xf32, #tpu.memory_space<vmem_shared>> -> memref<10240x64xf32, #tpu.memory_space<vmem_shared>>
        tpu.enqueue_indirect_dma source(%arg10 : memref<128x64xf32, #tpu.memory_space<vmem>>) target(%dma_start3A_184 : memref<10240x64xf32, #tpu.memory_space<vmem_shared>>) offsets(%dma_start3A_181 : memref<128xi32, #tpu.memory_space<vmem>>) semaphore(%run_scoped3A_178 : memref<!tpu.dma_semaphore, #tpu.memory_space<semaphore_mem>>) {add = true}
        %dma_wait3A_185 = arith.constant 0 : i32
        %dma_wait3A_186 = tpu.memref_slice %arg7[%add3A_166, %dma_wait3A_185] : memref<80x128xi32, #tpu.memory_space<vmem>> -> memref<1x128xi32, #tpu.memory_space<vmem>>
        %dma_wait3A_187 = tpu.memref_squeeze %dma_wait3A_186 : memref<1x128xi32, #tpu.memory_space<vmem>> -> memref<128xi32, #tpu.memory_space<vmem>>
        %dma_wait3A_188 = arith.constant 0 : i32
        %dma_wait3A_189 = arith.constant 0 : i32
        %dma_wait3A_190 = tpu.memref_slice %arg12[%dma_wait3A_188, %dma_wait3A_189] : memref<10240x64xf32, #tpu.memory_space<vmem_shared>> -> memref<10240x64xf32, #tpu.memory_space<vmem_shared>>
        tpu.wait_indirect_dma semaphore(%run_scoped3A_178 : memref<!tpu.dma_semaphore, #tpu.memory_space<semaphore_mem>>) src(%arg10 : memref<128x64xf32, #tpu.memory_space<vmem>>) dst(%dma_wait3A_190 : memref<10240x64xf32, #tpu.memory_space<vmem_shared>>)
        tpu.yield
      }) : () -> ()
      %add3A_167 = arith.constant 2 : i32
      %add3A_168 = arith.addi %mul3A_116, %add3A_167 : i32
      %add3A_169 = arith.constant 3 : i32
      %add3A_170 = arith.addi %add3A_168, %add3A_169 : i32
      %dma_start3A_171 = arith.constant 0 : i32
      %dma_start3A_172 = tpu.memref_slice %arg6[%add3A_170, %dma_start3A_171] : memref<80x128xi32, #tpu.memory_space<vmem>> -> memref<1x128xi32, #tpu.memory_space<vmem>>
      %dma_start3A_173 = tpu.memref_squeeze %dma_start3A_172 : memref<1x128xi32, #tpu.memory_space<vmem>> -> memref<128xi32, #tpu.memory_space<vmem>>
      %dma_start3A_174 = arith.constant 0 : i32
      %dma_start3A_175 = arith.constant 0 : i32
      %dma_start3A_176 = tpu.memref_slice %arg11[%dma_start3A_174, %dma_start3A_175] : memref<10000x64xf32, #tpu.memory_space<vmem_shared>> -> memref<10000x64xf32, #tpu.memory_space<vmem_shared>>
      tpu.enqueue_indirect_dma source(%dma_start3A_176 : memref<10000x64xf32, #tpu.memory_space<vmem_shared>>) target(%arg10 : memref<128x64xf32, #tpu.memory_space<vmem>>) offsets(%dma_start3A_173 : memref<128xi32, #tpu.memory_space<vmem>>) semaphore(%arg15 : memref<!tpu.dma_semaphore, #tpu.memory_space<semaphore_mem>>)
      %scan3A_177 = arith.constant 0 : i32
      scf.yield %scan3A_177 : i32
    }
    %scan3A_49 = arith.constant 25 : i32
    %dma_wait3A = arith.constant 75 : i32
    %dma_wait3A_50 = arith.constant 0 : i32
    %dma_wait3A_51 = tpu.memref_slice %arg6[%dma_wait3A, %dma_wait3A_50] : memref<80x128xi32, #tpu.memory_space<vmem>> -> memref<1x128xi32, #tpu.memory_space<vmem>>
    %dma_wait3A_52 = tpu.memref_squeeze %dma_wait3A_51 : memref<1x128xi32, #tpu.memory_space<vmem>> -> memref<128xi32, #tpu.memory_space<vmem>>
    %dma_wait3A_53 = arith.constant 0 : i32
    %dma_wait3A_54 = arith.constant 0 : i32
    %dma_wait3A_55 = tpu.memref_slice %arg11[%dma_wait3A_53, %dma_wait3A_54] : memref<10000x64xf32, #tpu.memory_space<vmem_shared>> -> memref<10000x64xf32, #tpu.memory_space<vmem_shared>>
    tpu.wait_indirect_dma semaphore(%arg13 : memref<!tpu.dma_semaphore, #tpu.memory_space<semaphore_mem>>) src(%dma_wait3A_55 : memref<10000x64xf32, #tpu.memory_space<vmem_shared>>) dst(%arg8 : memref<128x64xf32, #tpu.memory_space<vmem>>)
    %run_scoped3A = arith.constant 75 : i32
    "tpu.region"() ({
      %run_scoped3A_113 = tpu.sem_alloc : memref<!tpu.dma_semaphore, #tpu.memory_space<semaphore_mem>>
      %dma_start3A_114 = arith.constant 0 : i32
      %dma_start3A_115 = tpu.memref_slice %arg7[%run_scoped3A, %dma_start3A_114] : memref<80x128xi32, #tpu.memory_space<vmem>> -> memref<1x128xi32, #tpu.memory_space<vmem>>
      %dma_start3A_116 = tpu.memref_squeeze %dma_start3A_115 : memref<1x128xi32, #tpu.memory_space<vmem>> -> memref<128xi32, #tpu.memory_space<vmem>>
      %dma_start3A_117 = arith.constant 0 : i32
      %dma_start3A_118 = arith.constant 0 : i32
      %dma_start3A_119 = tpu.memref_slice %arg12[%dma_start3A_117, %dma_start3A_118] : memref<10240x64xf32, #tpu.memory_space<vmem_shared>> -> memref<10240x64xf32, #tpu.memory_space<vmem_shared>>
      tpu.enqueue_indirect_dma source(%arg8 : memref<128x64xf32, #tpu.memory_space<vmem>>) target(%dma_start3A_119 : memref<10240x64xf32, #tpu.memory_space<vmem_shared>>) offsets(%dma_start3A_116 : memref<128xi32, #tpu.memory_space<vmem>>) semaphore(%run_scoped3A_113 : memref<!tpu.dma_semaphore, #tpu.memory_space<semaphore_mem>>) {add = true}
      %dma_wait3A_120 = arith.constant 0 : i32
      %dma_wait3A_121 = tpu.memref_slice %arg7[%run_scoped3A, %dma_wait3A_120] : memref<80x128xi32, #tpu.memory_space<vmem>> -> memref<1x128xi32, #tpu.memory_space<vmem>>
      %dma_wait3A_122 = tpu.memref_squeeze %dma_wait3A_121 : memref<1x128xi32, #tpu.memory_space<vmem>> -> memref<128xi32, #tpu.memory_space<vmem>>
      %dma_wait3A_123 = arith.constant 0 : i32
      %dma_wait3A_124 = arith.constant 0 : i32
      %dma_wait3A_125 = tpu.memref_slice %arg12[%dma_wait3A_123, %dma_wait3A_124] : memref<10240x64xf32, #tpu.memory_space<vmem_shared>> -> memref<10240x64xf32, #tpu.memory_space<vmem_shared>>
      tpu.wait_indirect_dma semaphore(%run_scoped3A_113 : memref<!tpu.dma_semaphore, #tpu.memory_space<semaphore_mem>>) src(%arg8 : memref<128x64xf32, #tpu.memory_space<vmem>>) dst(%dma_wait3A_125 : memref<10240x64xf32, #tpu.memory_space<vmem_shared>>)
      tpu.yield
    }) : () -> ()
    %dma_start3A_56 = arith.constant 78 : i32
    %dma_start3A_57 = arith.constant 0 : i32
    %dma_start3A_58 = tpu.memref_slice %arg6[%dma_start3A_56, %dma_start3A_57] : memref<80x128xi32, #tpu.memory_space<vmem>> -> memref<1x128xi32, #tpu.memory_space<vmem>>
    %dma_start3A_59 = tpu.memref_squeeze %dma_start3A_58 : memref<1x128xi32, #tpu.memory_space<vmem>> -> memref<128xi32, #tpu.memory_space<vmem>>
    %dma_start3A_60 = arith.constant 0 : i32
    %dma_start3A_61 = arith.constant 0 : i32
    %dma_start3A_62 = tpu.memref_slice %arg11[%dma_start3A_60, %dma_start3A_61] : memref<10000x64xf32, #tpu.memory_space<vmem_shared>> -> memref<10000x64xf32, #tpu.memory_space<vmem_shared>>
    tpu.enqueue_indirect_dma source(%dma_start3A_62 : memref<10000x64xf32, #tpu.memory_space<vmem_shared>>) target(%arg8 : memref<128x64xf32, #tpu.memory_space<vmem>>) offsets(%dma_start3A_59 : memref<128xi32, #tpu.memory_space<vmem>>) semaphore(%arg13 : memref<!tpu.dma_semaphore, #tpu.memory_space<semaphore_mem>>)
    %dma_wait3A_63 = arith.constant 76 : i32
    %dma_wait3A_64 = arith.constant 0 : i32
    %dma_wait3A_65 = tpu.memref_slice %arg6[%dma_wait3A_63, %dma_wait3A_64] : memref<80x128xi32, #tpu.memory_space<vmem>> -> memref<1x128xi32, #tpu.memory_space<vmem>>
    %dma_wait3A_66 = tpu.memref_squeeze %dma_wait3A_65 : memref<1x128xi32, #tpu.memory_space<vmem>> -> memref<128xi32, #tpu.memory_space<vmem>>
    %dma_wait3A_67 = arith.constant 0 : i32
    %dma_wait3A_68 = arith.constant 0 : i32
    %dma_wait3A_69 = tpu.memref_slice %arg11[%dma_wait3A_67, %dma_wait3A_68] : memref<10000x64xf32, #tpu.memory_space<vmem_shared>> -> memref<10000x64xf32, #tpu.memory_space<vmem_shared>>
    tpu.wait_indirect_dma semaphore(%arg14 : memref<!tpu.dma_semaphore, #tpu.memory_space<semaphore_mem>>) src(%dma_wait3A_69 : memref<10000x64xf32, #tpu.memory_space<vmem_shared>>) dst(%arg9 : memref<128x64xf32, #tpu.memory_space<vmem>>)
    %run_scoped3A_70 = arith.constant 76 : i32
    "tpu.region"() ({
      %run_scoped3A_113 = tpu.sem_alloc : memref<!tpu.dma_semaphore, #tpu.memory_space<semaphore_mem>>
      %dma_start3A_114 = arith.constant 0 : i32
      %dma_start3A_115 = tpu.memref_slice %arg7[%run_scoped3A_70, %dma_start3A_114] : memref<80x128xi32, #tpu.memory_space<vmem>> -> memref<1x128xi32, #tpu.memory_space<vmem>>
      %dma_start3A_116 = tpu.memref_squeeze %dma_start3A_115 : memref<1x128xi32, #tpu.memory_space<vmem>> -> memref<128xi32, #tpu.memory_space<vmem>>
      %dma_start3A_117 = arith.constant 0 : i32
      %dma_start3A_118 = arith.constant 0 : i32
      %dma_start3A_119 = tpu.memref_slice %arg12[%dma_start3A_117, %dma_start3A_118] : memref<10240x64xf32, #tpu.memory_space<vmem_shared>> -> memref<10240x64xf32, #tpu.memory_space<vmem_shared>>
      tpu.enqueue_indirect_dma source(%arg9 : memref<128x64xf32, #tpu.memory_space<vmem>>) target(%dma_start3A_119 : memref<10240x64xf32, #tpu.memory_space<vmem_shared>>) offsets(%dma_start3A_116 : memref<128xi32, #tpu.memory_space<vmem>>) semaphore(%run_scoped3A_113 : memref<!tpu.dma_semaphore, #tpu.memory_space<semaphore_mem>>) {add = true}
      %dma_wait3A_120 = arith.constant 0 : i32
      %dma_wait3A_121 = tpu.memref_slice %arg7[%run_scoped3A_70, %dma_wait3A_120] : memref<80x128xi32, #tpu.memory_space<vmem>> -> memref<1x128xi32, #tpu.memory_space<vmem>>
      %dma_wait3A_122 = tpu.memref_squeeze %dma_wait3A_121 : memref<1x128xi32, #tpu.memory_space<vmem>> -> memref<128xi32, #tpu.memory_space<vmem>>
      %dma_wait3A_123 = arith.constant 0 : i32
      %dma_wait3A_124 = arith.constant 0 : i32
      %dma_wait3A_125 = tpu.memref_slice %arg12[%dma_wait3A_123, %dma_wait3A_124] : memref<10240x64xf32, #tpu.memory_space<vmem_shared>> -> memref<10240x64xf32, #tpu.memory_space<vmem_shared>>
      tpu.wait_indirect_dma semaphore(%run_scoped3A_113 : memref<!tpu.dma_semaphore, #tpu.memory_space<semaphore_mem>>) src(%arg9 : memref<128x64xf32, #tpu.memory_space<vmem>>) dst(%dma_wait3A_125 : memref<10240x64xf32, #tpu.memory_space<vmem_shared>>)
      tpu.yield
    }) : () -> ()
    %dma_start3A_71 = arith.constant 79 : i32
    %dma_start3A_72 = arith.constant 0 : i32
    %dma_start3A_73 = tpu.memref_slice %arg6[%dma_start3A_71, %dma_start3A_72] : memref<80x128xi32, #tpu.memory_space<vmem>> -> memref<1x128xi32, #tpu.memory_space<vmem>>
    %dma_start3A_74 = tpu.memref_squeeze %dma_start3A_73 : memref<1x128xi32, #tpu.memory_space<vmem>> -> memref<128xi32, #tpu.memory_space<vmem>>
    %dma_start3A_75 = arith.constant 0 : i32
    %dma_start3A_76 = arith.constant 0 : i32
    %dma_start3A_77 = tpu.memref_slice %arg11[%dma_start3A_75, %dma_start3A_76] : memref<10000x64xf32, #tpu.memory_space<vmem_shared>> -> memref<10000x64xf32, #tpu.memory_space<vmem_shared>>
    tpu.enqueue_indirect_dma source(%dma_start3A_77 : memref<10000x64xf32, #tpu.memory_space<vmem_shared>>) target(%arg9 : memref<128x64xf32, #tpu.memory_space<vmem>>) offsets(%dma_start3A_74 : memref<128xi32, #tpu.memory_space<vmem>>) semaphore(%arg14 : memref<!tpu.dma_semaphore, #tpu.memory_space<semaphore_mem>>)
    %dma_wait3A_78 = arith.constant 77 : i32
    %dma_wait3A_79 = arith.constant 0 : i32
    %dma_wait3A_80 = tpu.memref_slice %arg6[%dma_wait3A_78, %dma_wait3A_79] : memref<80x128xi32, #tpu.memory_space<vmem>> -> memref<1x128xi32, #tpu.memory_space<vmem>>
    %dma_wait3A_81 = tpu.memref_squeeze %dma_wait3A_80 : memref<1x128xi32, #tpu.memory_space<vmem>> -> memref<128xi32, #tpu.memory_space<vmem>>
    %dma_wait3A_82 = arith.constant 0 : i32
    %dma_wait3A_83 = arith.constant 0 : i32
    %dma_wait3A_84 = tpu.memref_slice %arg11[%dma_wait3A_82, %dma_wait3A_83] : memref<10000x64xf32, #tpu.memory_space<vmem_shared>> -> memref<10000x64xf32, #tpu.memory_space<vmem_shared>>
    tpu.wait_indirect_dma semaphore(%arg15 : memref<!tpu.dma_semaphore, #tpu.memory_space<semaphore_mem>>) src(%dma_wait3A_84 : memref<10000x64xf32, #tpu.memory_space<vmem_shared>>) dst(%arg10 : memref<128x64xf32, #tpu.memory_space<vmem>>)
    %run_scoped3A_85 = arith.constant 77 : i32
    "tpu.region"() ({
      %run_scoped3A_113 = tpu.sem_alloc : memref<!tpu.dma_semaphore, #tpu.memory_space<semaphore_mem>>
      %dma_start3A_114 = arith.constant 0 : i32
      %dma_start3A_115 = tpu.memref_slice %arg7[%run_scoped3A_85, %dma_start3A_114] : memref<80x128xi32, #tpu.memory_space<vmem>> -> memref<1x128xi32, #tpu.memory_space<vmem>>
      %dma_start3A_116 = tpu.memref_squeeze %dma_start3A_115 : memref<1x128xi32, #tpu.memory_space<vmem>> -> memref<128xi32, #tpu.memory_space<vmem>>
      %dma_start3A_117 = arith.constant 0 : i32
      %dma_start3A_118 = arith.constant 0 : i32
      %dma_start3A_119 = tpu.memref_slice %arg12[%dma_start3A_117, %dma_start3A_118] : memref<10240x64xf32, #tpu.memory_space<vmem_shared>> -> memref<10240x64xf32, #tpu.memory_space<vmem_shared>>
      tpu.enqueue_indirect_dma source(%arg10 : memref<128x64xf32, #tpu.memory_space<vmem>>) target(%dma_start3A_119 : memref<10240x64xf32, #tpu.memory_space<vmem_shared>>) offsets(%dma_start3A_116 : memref<128xi32, #tpu.memory_space<vmem>>) semaphore(%run_scoped3A_113 : memref<!tpu.dma_semaphore, #tpu.memory_space<semaphore_mem>>) {add = true}
      %dma_wait3A_120 = arith.constant 0 : i32
      %dma_wait3A_121 = tpu.memref_slice %arg7[%run_scoped3A_85, %dma_wait3A_120] : memref<80x128xi32, #tpu.memory_space<vmem>> -> memref<1x128xi32, #tpu.memory_space<vmem>>
      %dma_wait3A_122 = tpu.memref_squeeze %dma_wait3A_121 : memref<1x128xi32, #tpu.memory_space<vmem>> -> memref<128xi32, #tpu.memory_space<vmem>>
      %dma_wait3A_123 = arith.constant 0 : i32
      %dma_wait3A_124 = arith.constant 0 : i32
      %dma_wait3A_125 = tpu.memref_slice %arg12[%dma_wait3A_123, %dma_wait3A_124] : memref<10240x64xf32, #tpu.memory_space<vmem_shared>> -> memref<10240x64xf32, #tpu.memory_space<vmem_shared>>
      tpu.wait_indirect_dma semaphore(%run_scoped3A_113 : memref<!tpu.dma_semaphore, #tpu.memory_space<semaphore_mem>>) src(%arg10 : memref<128x64xf32, #tpu.memory_space<vmem>>) dst(%dma_wait3A_125 : memref<10240x64xf32, #tpu.memory_space<vmem_shared>>)
      tpu.yield
    }) : () -> ()
    %dma_wait3A_86 = arith.constant 78 : i32
    %dma_wait3A_87 = arith.constant 0 : i32
    %dma_wait3A_88 = tpu.memref_slice %arg6[%dma_wait3A_86, %dma_wait3A_87] : memref<80x128xi32, #tpu.memory_space<vmem>> -> memref<1x128xi32, #tpu.memory_space<vmem>>
    %dma_wait3A_89 = tpu.memref_squeeze %dma_wait3A_88 : memref<1x128xi32, #tpu.memory_space<vmem>> -> memref<128xi32, #tpu.memory_space<vmem>>
    %dma_wait3A_90 = arith.constant 0 : i32
    %dma_wait3A_91 = arith.constant 0 : i32
    %dma_wait3A_92 = tpu.memref_slice %arg11[%dma_wait3A_90, %dma_wait3A_91] : memref<10000x64xf32, #tpu.memory_space<vmem_shared>> -> memref<10000x64xf32, #tpu.memory_space<vmem_shared>>
    tpu.wait_indirect_dma semaphore(%arg13 : memref<!tpu.dma_semaphore, #tpu.memory_space<semaphore_mem>>) src(%dma_wait3A_92 : memref<10000x64xf32, #tpu.memory_space<vmem_shared>>) dst(%arg8 : memref<128x64xf32, #tpu.memory_space<vmem>>)
    %run_scoped3A_93 = arith.constant 78 : i32
    "tpu.region"() ({
      %run_scoped3A_113 = tpu.sem_alloc : memref<!tpu.dma_semaphore, #tpu.memory_space<semaphore_mem>>
      %dma_start3A_114 = arith.constant 0 : i32
      %dma_start3A_115 = tpu.memref_slice %arg7[%run_scoped3A_93, %dma_start3A_114] : memref<80x128xi32, #tpu.memory_space<vmem>> -> memref<1x128xi32, #tpu.memory_space<vmem>>
      %dma_start3A_116 = tpu.memref_squeeze %dma_start3A_115 : memref<1x128xi32, #tpu.memory_space<vmem>> -> memref<128xi32, #tpu.memory_space<vmem>>
      %dma_start3A_117 = arith.constant 0 : i32
      %dma_start3A_118 = arith.constant 0 : i32
      %dma_start3A_119 = tpu.memref_slice %arg12[%dma_start3A_117, %dma_start3A_118] : memref<10240x64xf32, #tpu.memory_space<vmem_shared>> -> memref<10240x64xf32, #tpu.memory_space<vmem_shared>>
      tpu.enqueue_indirect_dma source(%arg8 : memref<128x64xf32, #tpu.memory_space<vmem>>) target(%dma_start3A_119 : memref<10240x64xf32, #tpu.memory_space<vmem_shared>>) offsets(%dma_start3A_116 : memref<128xi32, #tpu.memory_space<vmem>>) semaphore(%run_scoped3A_113 : memref<!tpu.dma_semaphore, #tpu.memory_space<semaphore_mem>>) {add = true}
      %dma_wait3A_120 = arith.constant 0 : i32
      %dma_wait3A_121 = tpu.memref_slice %arg7[%run_scoped3A_93, %dma_wait3A_120] : memref<80x128xi32, #tpu.memory_space<vmem>> -> memref<1x128xi32, #tpu.memory_space<vmem>>
      %dma_wait3A_122 = tpu.memref_squeeze %dma_wait3A_121 : memref<1x128xi32, #tpu.memory_space<vmem>> -> memref<128xi32, #tpu.memory_space<vmem>>
      %dma_wait3A_123 = arith.constant 0 : i32
      %dma_wait3A_124 = arith.constant 0 : i32
      %dma_wait3A_125 = tpu.memref_slice %arg12[%dma_wait3A_123, %dma_wait3A_124] : memref<10240x64xf32, #tpu.memory_space<vmem_shared>> -> memref<10240x64xf32, #tpu.memory_space<vmem_shared>>
      tpu.wait_indirect_dma semaphore(%run_scoped3A_113 : memref<!tpu.dma_semaphore, #tpu.memory_space<semaphore_mem>>) src(%arg8 : memref<128x64xf32, #tpu.memory_space<vmem>>) dst(%dma_wait3A_125 : memref<10240x64xf32, #tpu.memory_space<vmem_shared>>)
      tpu.yield
    }) : () -> ()
    %dma_wait3A_94 = arith.constant 79 : i32
    %dma_wait3A_95 = arith.constant 0 : i32
    %dma_wait3A_96 = tpu.memref_slice %arg6[%dma_wait3A_94, %dma_wait3A_95] : memref<80x128xi32, #tpu.memory_space<vmem>> -> memref<1x128xi32, #tpu.memory_space<vmem>>
    %dma_wait3A_97 = tpu.memref_squeeze %dma_wait3A_96 : memref<1x128xi32, #tpu.memory_space<vmem>> -> memref<128xi32, #tpu.memory_space<vmem>>
    %dma_wait3A_98 = arith.constant 0 : i32
    %dma_wait3A_99 = arith.constant 0 : i32
    %dma_wait3A_100 = tpu.memref_slice %arg11[%dma_wait3A_98, %dma_wait3A_99] : memref<10000x64xf32, #tpu.memory_space<vmem_shared>> -> memref<10000x64xf32, #tpu.memory_space<vmem_shared>>
    tpu.wait_indirect_dma semaphore(%arg14 : memref<!tpu.dma_semaphore, #tpu.memory_space<semaphore_mem>>) src(%dma_wait3A_100 : memref<10000x64xf32, #tpu.memory_space<vmem_shared>>) dst(%arg9 : memref<128x64xf32, #tpu.memory_space<vmem>>)
    %run_scoped3A_101 = arith.constant 79 : i32
    "tpu.region"() ({
      %run_scoped3A_113 = tpu.sem_alloc : memref<!tpu.dma_semaphore, #tpu.memory_space<semaphore_mem>>
      %dma_start3A_114 = arith.constant 0 : i32
      %dma_start3A_115 = tpu.memref_slice %arg7[%run_scoped3A_101, %dma_start3A_114] : memref<80x128xi32, #tpu.memory_space<vmem>> -> memref<1x128xi32, #tpu.memory_space<vmem>>
      %dma_start3A_116 = tpu.memref_squeeze %dma_start3A_115 : memref<1x128xi32, #tpu.memory_space<vmem>> -> memref<128xi32, #tpu.memory_space<vmem>>
      %dma_start3A_117 = arith.constant 0 : i32
      %dma_start3A_118 = arith.constant 0 : i32
      %dma_start3A_119 = tpu.memref_slice %arg12[%dma_start3A_117, %dma_start3A_118] : memref<10240x64xf32, #tpu.memory_space<vmem_shared>> -> memref<10240x64xf32, #tpu.memory_space<vmem_shared>>
      tpu.enqueue_indirect_dma source(%arg9 : memref<128x64xf32, #tpu.memory_space<vmem>>) target(%dma_start3A_119 : memref<10240x64xf32, #tpu.memory_space<vmem_shared>>) offsets(%dma_start3A_116 : memref<128xi32, #tpu.memory_space<vmem>>) semaphore(%run_scoped3A_113 : memref<!tpu.dma_semaphore, #tpu.memory_space<semaphore_mem>>) {add = true}
      %dma_wait3A_120 = arith.constant 0 : i32
      %dma_wait3A_121 = tpu.memref_slice %arg7[%run_scoped3A_101, %dma_wait3A_120] : memref<80x128xi32, #tpu.memory_space<vmem>> -> memref<1x128xi32, #tpu.memory_space<vmem>>
      %dma_wait3A_122 = tpu.memref_squeeze %dma_wait3A_121 : memref<1x128xi32, #tpu.memory_space<vmem>> -> memref<128xi32, #tpu.memory_space<vmem>>
      %dma_wait3A_123 = arith.constant 0 : i32
      %dma_wait3A_124 = arith.constant 0 : i32
      %dma_wait3A_125 = tpu.memref_slice %arg12[%dma_wait3A_123, %dma_wait3A_124] : memref<10240x64xf32, #tpu.memory_space<vmem_shared>> -> memref<10240x64xf32, #tpu.memory_space<vmem_shared>>
      tpu.wait_indirect_dma semaphore(%run_scoped3A_113 : memref<!tpu.dma_semaphore, #tpu.memory_space<semaphore_mem>>) src(%arg9 : memref<128x64xf32, #tpu.memory_space<vmem>>) dst(%dma_wait3A_125 : memref<10240x64xf32, #tpu.memory_space<vmem_shared>>)
      tpu.yield
    }) : () -> ()
    %barrier3A_102 = arith.constant 0 : index
    tpu.barrier barrier_id(%barrier3A_102)
    %add3A_103 = arith.constant 0 : i32
    %add3A_104 = arith.addi %mul3A_12, %add3A_103 : i32
    "tpu.region"() ({
      %run_scoped3A_113 = tpu.sem_alloc : memref<!tpu.dma_semaphore, #tpu.memory_space<semaphore_mem>>
      %dma_start3A_114 = arith.constant 0 : i32
      %dma_start3A_115 = tpu.memref_slice %arg5[%arg0, %add3A_104, %dma_start3A_114] : memref<2x10240x64xf32, #tpu.memory_space<hbm>> -> memref<1x128x64xf32, #tpu.memory_space<hbm>>
      %dma_start3A_116 = tpu.memref_squeeze %dma_start3A_115 : memref<1x128x64xf32, #tpu.memory_space<hbm>> -> memref<128x64xf32, #tpu.memory_space<hbm>>
      %dma_start3A_117 = arith.constant 0 : i32
      %dma_start3A_118 = tpu.memref_slice %arg12[%add3A_104, %dma_start3A_117] : memref<10240x64xf32, #tpu.memory_space<vmem_shared>> -> memref<128x64xf32, #tpu.memory_space<vmem_shared>>
      tpu.enqueue_dma source(%dma_start3A_118 : memref<128x64xf32, #tpu.memory_space<vmem_shared>>) target(%dma_start3A_116 : memref<128x64xf32, #tpu.memory_space<hbm>>) target_semaphore(%run_scoped3A_113 : memref<!tpu.dma_semaphore, #tpu.memory_space<semaphore_mem>>)
      %dma_wait3A_119 = arith.constant 0 : i32
      %dma_wait3A_120 = tpu.memref_slice %arg5[%arg0, %add3A_104, %dma_wait3A_119] : memref<2x10240x64xf32, #tpu.memory_space<hbm>> -> memref<1x128x64xf32, #tpu.memory_space<hbm>>
      %dma_wait3A_121 = tpu.memref_squeeze %dma_wait3A_120 : memref<1x128x64xf32, #tpu.memory_space<hbm>> -> memref<128x64xf32, #tpu.memory_space<hbm>>
      %dma_wait3A_122 = arith.constant 0 : i32
      %dma_wait3A_123 = tpu.memref_slice %arg12[%add3A_104, %dma_wait3A_122] : memref<10240x64xf32, #tpu.memory_space<vmem_shared>> -> memref<128x64xf32, #tpu.memory_space<vmem_shared>>
      tpu.wait_dma2 semaphore(%run_scoped3A_113 : memref<!tpu.dma_semaphore, #tpu.memory_space<semaphore_mem>>) src(%dma_wait3A_123 : memref<128x64xf32, #tpu.memory_space<vmem_shared>>) dst(%dma_wait3A_121 : memref<128x64xf32, #tpu.memory_space<hbm>>)
      tpu.yield
    }) : () -> ()
    %add3A_105 = arith.constant 128 : i32
    %add3A_106 = arith.addi %mul3A_12, %add3A_105 : i32
    "tpu.region"() ({
      %run_scoped3A_113 = tpu.sem_alloc : memref<!tpu.dma_semaphore, #tpu.memory_space<semaphore_mem>>
      %dma_start3A_114 = arith.constant 0 : i32
      %dma_start3A_115 = tpu.memref_slice %arg5[%arg0, %add3A_106, %dma_start3A_114] : memref<2x10240x64xf32, #tpu.memory_space<hbm>> -> memref<1x128x64xf32, #tpu.memory_space<hbm>>
      %dma_start3A_116 = tpu.memref_squeeze %dma_start3A_115 : memref<1x128x64xf32, #tpu.memory_space<hbm>> -> memref<128x64xf32, #tpu.memory_space<hbm>>
      %dma_start3A_117 = arith.constant 0 : i32
      %dma_start3A_118 = tpu.memref_slice %arg12[%add3A_106, %dma_start3A_117] : memref<10240x64xf32, #tpu.memory_space<vmem_shared>> -> memref<128x64xf32, #tpu.memory_space<vmem_shared>>
      tpu.enqueue_dma source(%dma_start3A_118 : memref<128x64xf32, #tpu.memory_space<vmem_shared>>) target(%dma_start3A_116 : memref<128x64xf32, #tpu.memory_space<hbm>>) target_semaphore(%run_scoped3A_113 : memref<!tpu.dma_semaphore, #tpu.memory_space<semaphore_mem>>)
      %dma_wait3A_119 = arith.constant 0 : i32
      %dma_wait3A_120 = tpu.memref_slice %arg5[%arg0, %add3A_106, %dma_wait3A_119] : memref<2x10240x64xf32, #tpu.memory_space<hbm>> -> memref<1x128x64xf32, #tpu.memory_space<hbm>>
      %dma_wait3A_121 = tpu.memref_squeeze %dma_wait3A_120 : memref<1x128x64xf32, #tpu.memory_space<hbm>> -> memref<128x64xf32, #tpu.memory_space<hbm>>
      %dma_wait3A_122 = arith.constant 0 : i32
      %dma_wait3A_123 = tpu.memref_slice %arg12[%add3A_106, %dma_wait3A_122] : memref<10240x64xf32, #tpu.memory_space<vmem_shared>> -> memref<128x64xf32, #tpu.memory_space<vmem_shared>>
      tpu.wait_dma2 semaphore(%run_scoped3A_113 : memref<!tpu.dma_semaphore, #tpu.memory_space<semaphore_mem>>) src(%dma_wait3A_123 : memref<128x64xf32, #tpu.memory_space<vmem_shared>>) dst(%dma_wait3A_121 : memref<128x64xf32, #tpu.memory_space<hbm>>)
      tpu.yield
    }) : () -> ()
    %add3A_107 = arith.constant 256 : i32
    %add3A_108 = arith.addi %mul3A_12, %add3A_107 : i32
    "tpu.region"() ({
      %run_scoped3A_113 = tpu.sem_alloc : memref<!tpu.dma_semaphore, #tpu.memory_space<semaphore_mem>>
      %dma_start3A_114 = arith.constant 0 : i32
      %dma_start3A_115 = tpu.memref_slice %arg5[%arg0, %add3A_108, %dma_start3A_114] : memref<2x10240x64xf32, #tpu.memory_space<hbm>> -> memref<1x128x64xf32, #tpu.memory_space<hbm>>
      %dma_start3A_116 = tpu.memref_squeeze %dma_start3A_115 : memref<1x128x64xf32, #tpu.memory_space<hbm>> -> memref<128x64xf32, #tpu.memory_space<hbm>>
      %dma_start3A_117 = arith.constant 0 : i32
      %dma_start3A_118 = tpu.memref_slice %arg12[%add3A_108, %dma_start3A_117] : memref<10240x64xf32, #tpu.memory_space<vmem_shared>> -> memref<128x64xf32, #tpu.memory_space<vmem_shared>>
      tpu.enqueue_dma source(%dma_start3A_118 : memref<128x64xf32, #tpu.memory_space<vmem_shared>>) target(%dma_start3A_116 : memref<128x64xf32, #tpu.memory_space<hbm>>) target_semaphore(%run_scoped3A_113 : memref<!tpu.dma_semaphore, #tpu.memory_space<semaphore_mem>>)
      %dma_wait3A_119 = arith.constant 0 : i32
      %dma_wait3A_120 = tpu.memref_slice %arg5[%arg0, %add3A_108, %dma_wait3A_119] : memref<2x10240x64xf32, #tpu.memory_space<hbm>> -> memref<1x128x64xf32, #tpu.memory_space<hbm>>
      %dma_wait3A_121 = tpu.memref_squeeze %dma_wait3A_120 : memref<1x128x64xf32, #tpu.memory_space<hbm>> -> memref<128x64xf32, #tpu.memory_space<hbm>>
      %dma_wait3A_122 = arith.constant 0 : i32
      %dma_wait3A_123 = tpu.memref_slice %arg12[%add3A_108, %dma_wait3A_122] : memref<10240x64xf32, #tpu.memory_space<vmem_shared>> -> memref<128x64xf32, #tpu.memory_space<vmem_shared>>
      tpu.wait_dma2 semaphore(%run_scoped3A_113 : memref<!tpu.dma_semaphore, #tpu.memory_space<semaphore_mem>>) src(%dma_wait3A_123 : memref<128x64xf32, #tpu.memory_space<vmem_shared>>) dst(%dma_wait3A_121 : memref<128x64xf32, #tpu.memory_space<hbm>>)
      tpu.yield
    }) : () -> ()
    %add3A_109 = arith.constant 384 : i32
    %add3A_110 = arith.addi %mul3A_12, %add3A_109 : i32
    "tpu.region"() ({
      %run_scoped3A_113 = tpu.sem_alloc : memref<!tpu.dma_semaphore, #tpu.memory_space<semaphore_mem>>
      %dma_start3A_114 = arith.constant 0 : i32
      %dma_start3A_115 = tpu.memref_slice %arg5[%arg0, %add3A_110, %dma_start3A_114] : memref<2x10240x64xf32, #tpu.memory_space<hbm>> -> memref<1x128x64xf32, #tpu.memory_space<hbm>>
      %dma_start3A_116 = tpu.memref_squeeze %dma_start3A_115 : memref<1x128x64xf32, #tpu.memory_space<hbm>> -> memref<128x64xf32, #tpu.memory_space<hbm>>
      %dma_start3A_117 = arith.constant 0 : i32
      %dma_start3A_118 = tpu.memref_slice %arg12[%add3A_110, %dma_start3A_117] : memref<10240x64xf32, #tpu.memory_space<vmem_shared>> -> memref<128x64xf32, #tpu.memory_space<vmem_shared>>
      tpu.enqueue_dma source(%dma_start3A_118 : memref<128x64xf32, #tpu.memory_space<vmem_shared>>) target(%dma_start3A_116 : memref<128x64xf32, #tpu.memory_space<hbm>>) target_semaphore(%run_scoped3A_113 : memref<!tpu.dma_semaphore, #tpu.memory_space<semaphore_mem>>)
      %dma_wait3A_119 = arith.constant 0 : i32
      %dma_wait3A_120 = tpu.memref_slice %arg5[%arg0, %add3A_110, %dma_wait3A_119] : memref<2x10240x64xf32, #tpu.memory_space<hbm>> -> memref<1x128x64xf32, #tpu.memory_space<hbm>>
      %dma_wait3A_121 = tpu.memref_squeeze %dma_wait3A_120 : memref<1x128x64xf32, #tpu.memory_space<hbm>> -> memref<128x64xf32, #tpu.memory_space<hbm>>
      %dma_wait3A_122 = arith.constant 0 : i32
      %dma_wait3A_123 = tpu.memref_slice %arg12[%add3A_110, %dma_wait3A_122] : memref<10240x64xf32, #tpu.memory_space<vmem_shared>> -> memref<128x64xf32, #tpu.memory_space<vmem_shared>>
      tpu.wait_dma2 semaphore(%run_scoped3A_113 : memref<!tpu.dma_semaphore, #tpu.memory_space<semaphore_mem>>) src(%dma_wait3A_123 : memref<128x64xf32, #tpu.memory_space<vmem_shared>>) dst(%dma_wait3A_121 : memref<128x64xf32, #tpu.memory_space<hbm>>)
      tpu.yield
    }) : () -> ()
    %add3A_111 = arith.constant 512 : i32
    %add3A_112 = arith.addi %mul3A_12, %add3A_111 : i32
    "tpu.region"() ({
      %run_scoped3A_113 = tpu.sem_alloc : memref<!tpu.dma_semaphore, #tpu.memory_space<semaphore_mem>>
      %dma_start3A_114 = arith.constant 0 : i32
      %dma_start3A_115 = tpu.memref_slice %arg5[%arg0, %add3A_112, %dma_start3A_114] : memref<2x10240x64xf32, #tpu.memory_space<hbm>> -> memref<1x128x64xf32, #tpu.memory_space<hbm>>
      %dma_start3A_116 = tpu.memref_squeeze %dma_start3A_115 : memref<1x128x64xf32, #tpu.memory_space<hbm>> -> memref<128x64xf32, #tpu.memory_space<hbm>>
      %dma_start3A_117 = arith.constant 0 : i32
      %dma_start3A_118 = tpu.memref_slice %arg12[%add3A_112, %dma_start3A_117] : memref<10240x64xf32, #tpu.memory_space<vmem_shared>> -> memref<128x64xf32, #tpu.memory_space<vmem_shared>>
      tpu.enqueue_dma source(%dma_start3A_118 : memref<128x64xf32, #tpu.memory_space<vmem_shared>>) target(%dma_start3A_116 : memref<128x64xf32, #tpu.memory_space<hbm>>) target_semaphore(%run_scoped3A_113 : memref<!tpu.dma_semaphore, #tpu.memory_space<semaphore_mem>>)
      %dma_wait3A_119 = arith.constant 0 : i32
      %dma_wait3A_120 = tpu.memref_slice %arg5[%arg0, %add3A_112, %dma_wait3A_119] : memref<2x10240x64xf32, #tpu.memory_space<hbm>> -> memref<1x128x64xf32, #tpu.memory_space<hbm>>
      %dma_wait3A_121 = tpu.memref_squeeze %dma_wait3A_120 : memref<1x128x64xf32, #tpu.memory_space<hbm>> -> memref<128x64xf32, #tpu.memory_space<hbm>>
      %dma_wait3A_122 = arith.constant 0 : i32
      %dma_wait3A_123 = tpu.memref_slice %arg12[%add3A_112, %dma_wait3A_122] : memref<10240x64xf32, #tpu.memory_space<vmem_shared>> -> memref<128x64xf32, #tpu.memory_space<vmem_shared>>
      tpu.wait_dma2 semaphore(%run_scoped3A_113 : memref<!tpu.dma_semaphore, #tpu.memory_space<semaphore_mem>>) src(%dma_wait3A_123 : memref<128x64xf32, #tpu.memory_space<vmem_shared>>) dst(%dma_wait3A_121 : memref<128x64xf32, #tpu.memory_space<hbm>>)
      tpu.yield
    }) : () -> ()
    return
  }
}

module attributes {stable_mosaic.version = 14 : i64} {
  func.func @_xw_body(%arg0: i32, %arg1: memref<1000x128xf32, #tpu.memory_space<vmem>>, %arg2: memref<128x64xf32, #tpu.memory_space<vmem>>, %arg3: memref<1000x64xf32, #tpu.memory_space<vmem>>) attributes {dimension_semantics = [#tpu.dimension_semantics<arbitrary>], iteration_bounds = array<i64: 10>, scalar_prefetch = 0 : i64, scratch_operands = 0 : i64, tpu.core_type = #tpu.core_type<tc>, window_params = [{transform_indices = @transform_0, window_bounds = array<i64: 1000, 128>}, {pipeline_mode = #tpu.pipeline_mode<synchronous>, transform_indices = @transform_1, window_bounds = array<i64: 128, 64>}, {transform_indices = @transform_2, window_bounds = array<i64: 1000, 64>}]} {
    %get3A = arith.constant 0 : index
    %get3A_0 = arith.constant 0 : index
    %get3A_1 = vector.load %arg1[%get3A, %get3A_0] : memref<1000x128xf32, #tpu.memory_space<vmem>>, vector<1000x128xf32>
    %get3A_2 = arith.constant 0 : index
    %get3A_3 = arith.constant 0 : index
    %get3A_4 = vector.load %arg2[%get3A_2, %get3A_3] : memref<128x64xf32, #tpu.memory_space<vmem>>, vector<128x64xf32>
    %dot_general3A = arith.constant dense<0.000000e+00> : vector<1000x64xf32>
    %dot_general3A_5 = tpu.matmul %get3A_1, %get3A_4, %dot_general3A {dimension_numbers = #tpu.dot_dimension_numbers<[1], [0], [0], [1], [0, 0, 1, 1], [], []>, transpose_lhs_hint = false} : vector<1000x128xf32>, vector<128x64xf32>, vector<1000x64xf32> -> vector<1000x64xf32>
    %swap3A = arith.constant 0 : index
    %swap3A_6 = arith.constant 0 : index
    %swap3A_7 = vector.load %arg3[%swap3A, %swap3A_6] : memref<1000x64xf32, #tpu.memory_space<vmem>>, vector<1000x64xf32>
    tpu.vector_store %arg3[%swap3A, %swap3A_6], %dot_general3A_5 {strides = array<i32>} : memref<1000x64xf32, #tpu.memory_space<vmem>>, vector<1000x64xf32>,
    return
  }
  func.func @transform_0(%arg0: i32) -> (i32, i32) {
    %c0_i32 = arith.constant 0 : i32
    %c0_i32_0 = arith.constant 0 : i32
    return %arg0, %c0_i32 : i32, i32
  }
  func.func @transform_1(%arg0: i32) -> (i32, i32) {
    %c0_i32 = arith.constant 0 : i32
    %c0_i32_0 = arith.constant 0 : i32
    %c0_i32_1 = arith.constant 0 : i32
    return %c0_i32, %c0_i32_0 : i32, i32
  }
  func.func @transform_2(%arg0: i32) -> (i32, i32) {
    %c0_i32 = arith.constant 0 : i32
    %c0_i32_0 = arith.constant 0 : i32
    return %arg0, %c0_i32 : i32, i32
  }
}

module attributes {stable_mosaic.version = 14 : i64} {
  func.func @_scale_body(%arg0: i32, %arg1: memref<1000x64xf32, #tpu.memory_space<vmem>>, %arg2: memref<2x1000x16xf32, #tpu.memory_space<vmem>>, %arg3: memref<1000x64xf32, #tpu.memory_space<vmem>>) attributes {dimension_semantics = [#tpu.dimension_semantics<arbitrary>], iteration_bounds = array<i64: 10>, scalar_prefetch = 0 : i64, scratch_operands = 0 : i64, tpu.core_type = #tpu.core_type<tc>, window_params = [{transform_indices = @transform_0, window_bounds = array<i64: 1000, 64>}, {transform_indices = @transform_1, window_bounds = array<i64: 2, 1000, 16>}, {transform_indices = @transform_2, window_bounds = array<i64: 1000, 64>}]} {
    %get3A = arith.constant 0 : index
    %get3A_0 = arith.constant 0 : index
    %get3A_1 = vector.load %arg1[%get3A, %get3A_0] : memref<1000x64xf32, #tpu.memory_space<vmem>>, vector<1000x64xf32>
    %get3A_2 = arith.constant 0 : index
    %get3A_3 = arith.constant 0 : index
    %get3A_4 = arith.constant 0 : index
    %get3A_5 = vector.load %arg2[%get3A_2, %get3A_3, %get3A_4] : memref<2x1000x16xf32, #tpu.memory_space<vmem>>, vector<1x1000x1xf32>
    %get3A_6 = vector.shape_cast %get3A_5 : vector<1x1000x1xf32> to vector<1000x1xf32>
    %get3A_7 = arith.constant 1 : index
    %get3A_8 = arith.constant 0 : index
    %get3A_9 = arith.constant 0 : index
    %get3A_10 = vector.load %arg2[%get3A_7, %get3A_8, %get3A_9] : memref<2x1000x16xf32, #tpu.memory_space<vmem>>, vector<1x1000x1xf32>
    %get3A_11 = vector.shape_cast %get3A_10 : vector<1x1000x1xf32> to vector<1000x1xf32>
    %add3A = arith.addf %get3A_6, %get3A_11 : vector<1000x1xf32>
    %add3A_12 = arith.constant 1.000000e+00 : f32
    %add3A_13 = vector.broadcast %add3A_12 : f32 to vector<1000x1xf32>
    %add3A_14 = arith.addf %add3A, %add3A_13 : vector<1000x1xf32>
    %rsqrt3A = math.rsqrt %add3A_14 : vector<1000x1xf32>
    %mul3A = vector.broadcast %rsqrt3A : vector<1000x1xf32> to vector<1000x64xf32>
    %mul3A_15 = arith.mulf %get3A_1, %mul3A : vector<1000x64xf32>
    %swap3A = arith.constant 0 : index
    %swap3A_16 = arith.constant 0 : index
    %swap3A_17 = vector.load %arg3[%swap3A, %swap3A_16] : memref<1000x64xf32, #tpu.memory_space<vmem>>, vector<1000x64xf32>
    tpu.vector_store %arg3[%swap3A, %swap3A_16], %mul3A_15 {strides = array<i32>} : memref<1000x64xf32, #tpu.memory_space<vmem>>, vector<1000x64xf32>,
    return
  }
  func.func @transform_0(%arg0: i32) -> (i32, i32) {
    %c0_i32 = arith.constant 0 : i32
    %c0_i32_0 = arith.constant 0 : i32
    return %arg0, %c0_i32 : i32, i32
  }
  func.func @transform_1(%arg0: i32) -> (i32, i32, i32) {
    %c0_i32 = arith.constant 0 : i32
    %c0_i32_0 = arith.constant 0 : i32
    %c0_i32_1 = arith.constant 0 : i32
    return %c0_i32, %arg0, %c0_i32_0 : i32, i32, i32
  }
  func.func @transform_2(%arg0: i32) -> (i32, i32) {
    %c0_i32 = arith.constant 0 : i32
    %c0_i32_0 = arith.constant 0 : i32
    return %arg0, %c0_i32 : i32, i32
  }
}

module attributes {stable_mosaic.version = 14 : i64} {
  func.func @_l2_body(%arg0: i32, %arg1: memref<1000x64xf32, #tpu.memory_space<vmem>>, %arg2: memref<2x1000x64xf32, #tpu.memory_space<vmem>>, %arg3: memref<2x1000x16xf32, #tpu.memory_space<vmem>>, %arg4: memref<1x64xf32, #tpu.memory_space<vmem>>, %arg5: memref<64x48xf32, #tpu.memory_space<vmem>>, %arg6: memref<1000x48xf32, #tpu.memory_space<vmem>>) attributes {dimension_semantics = [#tpu.dimension_semantics<arbitrary>], iteration_bounds = array<i64: 10>, scalar_prefetch = 0 : i64, scratch_operands = 0 : i64, tpu.core_type = #tpu.core_type<tc>, window_params = [{transform_indices = @transform_0, window_bounds = array<i64: 1000, 64>}, {transform_indices = @transform_1, window_bounds = array<i64: 2, 1000, 64>}, {transform_indices = @transform_2, window_bounds = array<i64: 2, 1000, 16>}, {pipeline_mode = #tpu.pipeline_mode<synchronous>, transform_indices = @transform_3, window_bounds = array<i64: 1, 64>}, {pipeline_mode = #tpu.pipeline_mode<synchronous>, transform_indices = @transform_4, window_bounds = array<i64: 64, 48>}, {transform_indices = @transform_5, window_bounds = array<i64: 1000, 48>}]} {
    %get3A = arith.constant 0 : index
    %get3A_0 = arith.constant 0 : index
    %get3A_1 = arith.constant 0 : index
    %get3A_2 = vector.load %arg3[%get3A, %get3A_0, %get3A_1] : memref<2x1000x16xf32, #tpu.memory_space<vmem>>, vector<1x1000x1xf32>
    %get3A_3 = vector.shape_cast %get3A_2 : vector<1x1000x1xf32> to vector<1000x1xf32>
    %get3A_4 = arith.constant 1 : index
    %get3A_5 = arith.constant 0 : index
    %get3A_6 = arith.constant 0 : index
    %get3A_7 = vector.load %arg3[%get3A_4, %get3A_5, %get3A_6] : memref<2x1000x16xf32, #tpu.memory_space<vmem>>, vector<1x1000x1xf32>
    %get3A_8 = vector.shape_cast %get3A_7 : vector<1x1000x1xf32> to vector<1000x1xf32>
    %add3A = arith.addf %get3A_3, %get3A_8 : vector<1000x1xf32>
    %add3A_9 = arith.constant 1.000000e+00 : f32
    %add3A_10 = vector.broadcast %add3A_9 : f32 to vector<1000x1xf32>
    %add3A_11 = arith.addf %add3A, %add3A_10 : vector<1000x1xf32>
    %rsqrt3A = math.rsqrt %add3A_11 : vector<1000x1xf32>
    %get3A_12 = arith.constant 0 : index
    %get3A_13 = arith.constant 0 : index
    %get3A_14 = arith.constant 0 : index
    %get3A_15 = vector.load %arg2[%get3A_12, %get3A_13, %get3A_14] : memref<2x1000x64xf32, #tpu.memory_space<vmem>>, vector<1x1000x64xf32>
    %get3A_16 = vector.shape_cast %get3A_15 : vector<1x1000x64xf32> to vector<1000x64xf32>
    %get3A_17 = arith.constant 1 : index
    %get3A_18 = arith.constant 0 : index
    %get3A_19 = arith.constant 0 : index
    %get3A_20 = vector.load %arg2[%get3A_17, %get3A_18, %get3A_19] : memref<2x1000x64xf32, #tpu.memory_space<vmem>>, vector<1x1000x64xf32>
    %get3A_21 = vector.shape_cast %get3A_20 : vector<1x1000x64xf32> to vector<1000x64xf32>
    %add3A_22 = arith.addf %get3A_16, %get3A_21 : vector<1000x64xf32>
    %get3A_23 = arith.constant 0 : index
    %get3A_24 = arith.constant 0 : index
    %get3A_25 = vector.load %arg1[%get3A_23, %get3A_24] : memref<1000x64xf32, #tpu.memory_space<vmem>>, vector<1000x64xf32>
    %add3A_26 = arith.addf %add3A_22, %get3A_25 : vector<1000x64xf32>
    %mul3A = vector.broadcast %rsqrt3A : vector<1000x1xf32> to vector<1000x64xf32>
    %mul3A_27 = arith.mulf %add3A_26, %mul3A : vector<1000x64xf32>
    %get3A_28 = arith.constant 0 : index
    %get3A_29 = arith.constant 0 : index
    %get3A_30 = vector.load %arg4[%get3A_28, %get3A_29] : memref<1x64xf32, #tpu.memory_space<vmem>>, vector<1x64xf32>
    %add3A_31 = vector.broadcast %get3A_30 : vector<1x64xf32> to vector<1000x64xf32>
    %add3A_32 = arith.addf %mul3A_27, %add3A_31 : vector<1000x64xf32>
    %max3A = arith.constant 0.000000e+00 : f32
    %max3A_33 = vector.broadcast %max3A : f32 to vector<1000x64xf32>
    %max3A_34 = arith.maximumf %add3A_32, %max3A_33 : vector<1000x64xf32>
    %get3A_35 = arith.constant 0 : index
    %get3A_36 = arith.constant 0 : index
    %get3A_37 = vector.load %arg5[%get3A_35, %get3A_36] : memref<64x48xf32, #tpu.memory_space<vmem>>, vector<64x48xf32>
    %dot_general3A = arith.constant dense<0.000000e+00> : vector<1000x48xf32>
    %dot_general3A_38 = tpu.matmul %max3A_34, %get3A_37, %dot_general3A {dimension_numbers = #tpu.dot_dimension_numbers<[1], [0], [0], [1], [0, 0, 1, 1], [], []>, transpose_lhs_hint = false} : vector<1000x64xf32>, vector<64x48xf32>, vector<1000x48xf32> -> vector<1000x48xf32>
    %mul3A_39 = vector.broadcast %rsqrt3A : vector<1000x1xf32> to vector<1000x48xf32>
    %mul3A_40 = arith.mulf %dot_general3A_38, %mul3A_39 : vector<1000x48xf32>
    %swap3A = arith.constant 0 : index
    %swap3A_41 = arith.constant 0 : index
    %swap3A_42 = vector.load %arg6[%swap3A, %swap3A_41] : memref<1000x48xf32, #tpu.memory_space<vmem>>, vector<1000x48xf32>
    tpu.vector_store %arg6[%swap3A, %swap3A_41], %mul3A_40 {strides = array<i32>} : memref<1000x48xf32, #tpu.memory_space<vmem>>, vector<1000x48xf32>,
    return
  }
  func.func @transform_0(%arg0: i32) -> (i32, i32) {
    %c0_i32 = arith.constant 0 : i32
    %c0_i32_0 = arith.constant 0 : i32
    return %arg0, %c0_i32 : i32, i32
  }
  func.func @transform_1(%arg0: i32) -> (i32, i32, i32) {
    %c0_i32 = arith.constant 0 : i32
    %c0_i32_0 = arith.constant 0 : i32
    %c0_i32_1 = arith.constant 0 : i32
    return %c0_i32, %arg0, %c0_i32_0 : i32, i32, i32
  }
  func.func @transform_2(%arg0: i32) -> (i32, i32, i32) {
    %c0_i32 = arith.constant 0 : i32
    %c0_i32_0 = arith.constant 0 : i32
    %c0_i32_1 = arith.constant 0 : i32
    return %c0_i32, %arg0, %c0_i32_0 : i32, i32, i32
  }
  func.func @transform_3(%arg0: i32) -> (i32, i32) {
    %c0_i32 = arith.constant 0 : i32
    %c0_i32_0 = arith.constant 0 : i32
    %c0_i32_1 = arith.constant 0 : i32
    return %c0_i32, %c0_i32_0 : i32, i32
  }
  func.func @transform_4(%arg0: i32) -> (i32, i32) {
    %c0_i32 = arith.constant 0 : i32
    %c0_i32_0 = arith.constant 0 : i32
    %c0_i32_1 = arith.constant 0 : i32
    return %c0_i32, %c0_i32_0 : i32, i32
  }
  func.func @transform_5(%arg0: i32) -> (i32, i32) {
    %c0_i32 = arith.constant 0 : i32
    %c0_i32_0 = arith.constant 0 : i32
    return %arg0, %c0_i32 : i32, i32
  }
}

module attributes {stable_mosaic.version = 14 : i64} {
  func.func @_fin_body(%arg0: i32, %arg1: memref<1000x48xf32, #tpu.memory_space<vmem>>, %arg2: memref<2x1000x48xf32, #tpu.memory_space<vmem>>, %arg3: memref<2x1000x16xf32, #tpu.memory_space<vmem>>, %arg4: memref<1x48xf32, #tpu.memory_space<vmem>>, %arg5: memref<1000x40xf32, #tpu.memory_space<vmem>>) attributes {dimension_semantics = [#tpu.dimension_semantics<arbitrary>], iteration_bounds = array<i64: 10>, scalar_prefetch = 0 : i64, scratch_operands = 0 : i64, tpu.core_type = #tpu.core_type<tc>, window_params = [{transform_indices = @transform_0, window_bounds = array<i64: 1000, 48>}, {transform_indices = @transform_1, window_bounds = array<i64: 2, 1000, 48>}, {transform_indices = @transform_2, window_bounds = array<i64: 2, 1000, 16>}, {pipeline_mode = #tpu.pipeline_mode<synchronous>, transform_indices = @transform_3, window_bounds = array<i64: 1, 48>}, {transform_indices = @transform_4, window_bounds = array<i64: 1000, 40>}]} {
    %get3A = arith.constant 0 : index
    %get3A_0 = arith.constant 0 : index
    %get3A_1 = arith.constant 0 : index
    %get3A_2 = vector.load %arg3[%get3A, %get3A_0, %get3A_1] : memref<2x1000x16xf32, #tpu.memory_space<vmem>>, vector<1x1000x1xf32>
    %get3A_3 = vector.shape_cast %get3A_2 : vector<1x1000x1xf32> to vector<1000x1xf32>
    %get3A_4 = arith.constant 1 : index
    %get3A_5 = arith.constant 0 : index
    %get3A_6 = arith.constant 0 : index
    %get3A_7 = vector.load %arg3[%get3A_4, %get3A_5, %get3A_6] : memref<2x1000x16xf32, #tpu.memory_space<vmem>>, vector<1x1000x1xf32>
    %get3A_8 = vector.shape_cast %get3A_7 : vector<1x1000x1xf32> to vector<1000x1xf32>
    %add3A = arith.addf %get3A_3, %get3A_8 : vector<1000x1xf32>
    %add3A_9 = arith.constant 1.000000e+00 : f32
    %add3A_10 = vector.broadcast %add3A_9 : f32 to vector<1000x1xf32>
    %add3A_11 = arith.addf %add3A, %add3A_10 : vector<1000x1xf32>
    %rsqrt3A = math.rsqrt %add3A_11 : vector<1000x1xf32>
    %get3A_12 = arith.constant 0 : index
    %get3A_13 = arith.constant 0 : index
    %get3A_14 = arith.constant 0 : index
    %get3A_15 = vector.load %arg2[%get3A_12, %get3A_13, %get3A_14] : memref<2x1000x48xf32, #tpu.memory_space<vmem>>, vector<1x1000x48xf32>
    %get3A_16 = vector.shape_cast %get3A_15 : vector<1x1000x48xf32> to vector<1000x48xf32>
    %get3A_17 = arith.constant 1 : index
    %get3A_18 = arith.constant 0 : index
    %get3A_19 = arith.constant 0 : index
    %get3A_20 = vector.load %arg2[%get3A_17, %get3A_18, %get3A_19] : memref<2x1000x48xf32, #tpu.memory_space<vmem>>, vector<1x1000x48xf32>
    %get3A_21 = vector.shape_cast %get3A_20 : vector<1x1000x48xf32> to vector<1000x48xf32>
    %add3A_22 = arith.addf %get3A_16, %get3A_21 : vector<1000x48xf32>
    %get3A_23 = arith.constant 0 : index
    %get3A_24 = arith.constant 0 : index
    %get3A_25 = vector.load %arg1[%get3A_23, %get3A_24] : memref<1000x48xf32, #tpu.memory_space<vmem>>, vector<1000x48xf32>
    %add3A_26 = arith.addf %add3A_22, %get3A_25 : vector<1000x48xf32>
    %mul3A = vector.broadcast %rsqrt3A : vector<1000x1xf32> to vector<1000x48xf32>
    %mul3A_27 = arith.mulf %add3A_26, %mul3A : vector<1000x48xf32>
    %get3A_28 = arith.constant 0 : index
    %get3A_29 = arith.constant 0 : index
    %get3A_30 = vector.load %arg4[%get3A_28, %get3A_29] : memref<1x48xf32, #tpu.memory_space<vmem>>, vector<1x48xf32>
    %add3A_31 = vector.broadcast %get3A_30 : vector<1x48xf32> to vector<1000x48xf32>
    %add3A_32 = arith.addf %mul3A_27, %add3A_31 : vector<1000x48xf32>
    %iota3A = tpu.iota {dimensions = array<i32: 1>} : vector<1000x48xi32>
    %lt3A = arith.constant 40 : i32
    %lt3A_33 = vector.broadcast %lt3A : i32 to vector<1000x48xi32>
    %lt3A_34 = arith.cmpi slt, %iota3A, %lt3A_33 : vector<1000x48xi32>
    %jit3A = arith.constant 0xFF800000 : f32
    %broadcast_in_dim3A = vector.broadcast %jit3A : f32 to vector<1000x48xf32>
    %select_n3A = arith.select %lt3A_34, %add3A_32, %broadcast_in_dim3A : vector<1000x48xi1>, vector<1000x48xf32>
    %reduce_max3A = arith.constant dense<0xFF800000> : vector<1000xf32>
    %reduce_max3A_35 = vector.multi_reduction <maximumf>, %select_n3A, %reduce_max3A [1] : vector<1000x48xf32> to vector<1000xf32>
    %broadcast_in_dim3A_36 = vector.shape_cast %reduce_max3A_35 : vector<1000xf32> to vector<1000x1xf32>
    %sub3A = vector.broadcast %broadcast_in_dim3A_36 : vector<1000x1xf32> to vector<1000x48xf32>
    %sub3A_37 = arith.subf %select_n3A, %sub3A : vector<1000x48xf32>
    %exp3A = math.exp %sub3A_37 : vector<1000x48xf32>
    %jit3A_38 = arith.constant 0.000000e+00 : f32
    %broadcast_in_dim3A_39 = vector.broadcast %jit3A_38 : f32 to vector<1000x48xf32>
    %select_n3A_40 = arith.select %lt3A_34, %exp3A, %broadcast_in_dim3A_39 : vector<1000x48xi1>, vector<1000x48xf32>
    %reduce_sum3A = arith.constant dense<0.000000e+00> : vector<1000xf32>
    %reduce_sum3A_41 = vector.multi_reduction <add>, %select_n3A_40, %reduce_sum3A [1] : vector<1000x48xf32> to vector<1000xf32>
    %broadcast_in_dim3A_42 = vector.shape_cast %reduce_sum3A_41 : vector<1000xf32> to vector<1000x1xf32>
    %log3A = math.log %broadcast_in_dim3A_42 : vector<1000x1xf32>
    %add3A_43 = arith.addf %log3A, %broadcast_in_dim3A_36 : vector<1000x1xf32>
    %sub3A_44 = vector.broadcast %add3A_43 : vector<1000x1xf32> to vector<1000x48xf32>
    %sub3A_45 = arith.subf %add3A_32, %sub3A_44 : vector<1000x48xf32>
    %slice3A = vector.extract_strided_slice %sub3A_45 {offsets = [0, 0], sizes = [1000, 40], strides = [1, 1]} : vector<1000x48xf32> to vector<1000x40xf32>
    %swap3A = arith.constant 0 : index
    %swap3A_46 = arith.constant 0 : index
    %swap3A_47 = vector.load %arg5[%swap3A, %swap3A_46] : memref<1000x40xf32, #tpu.memory_space<vmem>>, vector<1000x40xf32>
    tpu.vector_store %arg5[%swap3A, %swap3A_46], %slice3A {strides = array<i32>} : memref<1000x40xf32, #tpu.memory_space<vmem>>, vector<1000x40xf32>,
    return
  }
  func.func @transform_0(%arg0: i32) -> (i32, i32) {
    %c0_i32 = arith.constant 0 : i32
    %c0_i32_0 = arith.constant 0 : i32
    return %arg0, %c0_i32 : i32, i32
  }
  func.func @transform_1(%arg0: i32) -> (i32, i32, i32) {
    %c0_i32 = arith.constant 0 : i32
    %c0_i32_0 = arith.constant 0 : i32
    %c0_i32_1 = arith.constant 0 : i32
    return %c0_i32, %arg0, %c0_i32_0 : i32, i32, i32
  }
  func.func @transform_2(%arg0: i32) -> (i32, i32, i32) {
    %c0_i32 = arith.constant 0 : i32
    %c0_i32_0 = arith.constant 0 : i32
    %c0_i32_1 = arith.constant 0 : i32
    return %c0_i32, %arg0, %c0_i32_0 : i32, i32, i32
  }
  func.func @transform_3(%arg0: i32) -> (i32, i32) {
    %c0_i32 = arith.constant 0 : i32
    %c0_i32_0 = arith.constant 0 : i32
    %c0_i32_1 = arith.constant 0 : i32
    return %c0_i32, %c0_i32_0 : i32, i32
  }
  func.func @transform_4(%arg0: i32) -> (i32, i32) {
    %c0_i32 = arith.constant 0 : i32
    %c0_i32_0 = arith.constant 0 : i32
    return %arg0, %c0_i32 : i32, i32
  }
}

</mosaic_0001>

<sc_bundles>
// kernel: kernel.12.cloned.1.call-start
scs
__scs_entry_jumppad:
0x0: {  	(pc) =	sbr.rel $0x88, $3  }
0x1: {  	(tag) =	ssettag $0x0;
	lr =	simm.s32 $0x1  }
0x2: {  	[smem:$0x3F9B] =	sst lr;
	_ =	strace $0xD0000000  }
0x3: {  	_ = 	snop  }
0x4: {  	_ = 	snop  }
0x5: {  	_ = 	snop  }
0x6: {  	_ = 	snop  }
0x7: {  	_ = 	snop  }
__scs_overlays_trampoline_lowered:
0x8: {  	[smem:$0x3FAA] =	sst s0  }
0x9: {  	[smem:$0x3FAB] =	sst s1  }
0xa: {  	[smem:$0x3FAC] =	sst s2  }
0xb: {  	[smem:$0x3FAD] =	sst s3  }
0xc: {  	[smem:$0x3FAE] =	sst s4  }
0xd: {  	[smem:$0x3FAF] =	sst s5  }
0xe: {  	[smem:$0x3FB0] =	sst s6  }
0xf: {  	[smem:$0x3FB1] =	sst s7  }
0x10: {  	[smem:$0x3FB2] =	sst s8  }
0x11: {  	[smem:$0x3FB3] =	sst s9;
	s0 =	simm.s32 @!p0 $0x0  }
0x12: {  	s1 =	sld [smem:$0x3F99];
	s0 =	simm.s32 @p0 $0x1  }
0x13: {  	[smem:$0x3FB4] =	sst s0;
	s0 =	simm.s32 @!p1 $0x0  }
0x14: {  	s2 =	sld [smem:$0x3F98];
	s0 =	simm.s32 @p1 $0x1  }
0x15: {  	[smem:$0x3FB5] =	sst s0;
	s0 =	simm.s32 @!p2 $0x0  }
0x16: {  	s3 =	sld [smem:$0x3FDB];
	s0 =	simm.s32 @p2 $0x1  }
0x17: {  	s4 =	simm.s32 $0x1BF5;
	[smem:$0x3FB7] =	sst s0  }
0x18: {  	s0 =	sld [smem:$0x3F9A];
	_ =	swait.ge [sflag:s4], $0x0  }
0x19: {  	s7 =	sld [smem:$0x3F9B]  }
0x1a: {  	s8 =	sadd.s32 $0xFFFFE003, lr  }
0x1b: {  	s9 =	sadd.s32 $0xFFFFFEF7, lr;
	s5 =	simm.s32 $0xFFFFFFFF;
	p2 =	slt.u32 s8, $0xFFFFF086  }
0x1c: {  	p1 =	slt.u32 s9, $0xF7A;
	s5 =	simm.s32 @!p2 $0x0  }
0x1d: {  	s5 =	simm.s32 @p1 $0x1;
	p0 =	seq.s32 s7, s2  }
0x1e: {  	s7 =	smul.u32 @!p0 $0xF7A, s2;
	p2 =	seq.s32 @!p0 s5, $0x0  }
0x1f: {  	s9 =	smul.u32 $0xF7A, s1;
	s8 =	simm.s32 @!p0 $0x1BF5;
	p2 =	por !p2, p0  }
0x20: {  	[sflag:s8] =	ssyncset.s32 @!p0 $0xFFFFF086;
	s6 =	sadd.s32 @!p0 s3, s7;
	s7 =	simm.s32 @!p0 $0x108  }
0x21: {  	s3 =	sadd.s32 s3, s9;
	s6 =	sadd.s32 @!p0 $0x88, s6;
	s7 =	simm.s32 @p2 $0x1082  }
0x22: {  	[simem:s7], [sflag:s8] =	dma.local @!p0 [hbm:s6], $0xF7A  }
0x23: {  	s9 =	sor.u32 $0xD0000000, s2;
	s6 =	simm.s32 $0x108;
	_ =	swait.ge @!p0 [sflag:s8], $0x0  }
0x24: {  	s3 =	sadd.s32 $0x88, s3;
	s6 =	simm.s32 @!p1 $0x1082;
	[sflag:s4] =	ssyncset.s32 $0xFFFFF086  }
0x25: {  	[simem:s6], [sflag:s4] =	dma.local [hbm:s3], $0xF7A  }
0x26: {  	[smem:$0x3F9B] =	sst s1;
	(tag) =	ssettag s2;
	_ =	strace s9  }
0x27: {  	s1 =	sld [smem:$0x3FAB]  }
0x28: {  	s2 =	sld [smem:$0x3FAC]  }
0x29: {  	s4 =	sld [smem:$0x3FAE]  }
0x2a: {  	p0 =	seq.s32 s5, $0x0;
	s5 =	sld [smem:$0x3FAF]  }
0x2b: {  	s6 =	sld [smem:$0x3FB0]  }
0x2c: {  	s7 =	sld [smem:$0x3FB1]  }
0x2d: {  	s3 =	simm.s32 $0x108;
	s8 =	sld [smem:$0x3FB2]  }
0x2e: {  	s3 =	simm.s32 @!p0 $0x1082;
	s9 =	sld [smem:$0x3FB3]  }
0x2f: {  	lr =	sadd.s32 s0, s3;
	s0 =	sld [smem:$0x3FAA]  }
0x30: {  	s3 =	sld [smem:$0x3FAD]  }
0x31: {  	[smem:$0x3FB6] =	sst s10  }
0x32: {  	s10 =	sld [smem:$0x3FB4];
	_ =	sdelay $0x3  }
0x33: {  	p0 =	seq.s32 s10, $0x1;
	s10 =	sld [smem:$0x3FB6];
	_ =	sdelay $0x3  }
0x34: {  	[smem:$0x3FB6] =	sst s10  }
0x35: {  	s10 =	sld [smem:$0x3FB5];
	_ =	sdelay $0x3  }
0x36: {  	p1 =	seq.s32 s10, $0x1;
	s10 =	sld [smem:$0x3FB6];
	_ =	sdelay $0x3  }
0x37: {  	[smem:$0x3FB6] =	sst s10  }
0x38: {  	s10 =	sld [smem:$0x3FB7]  }
0x39: {  	_ = 	snop;
	(pc) =	sbr.ind lr, $3  }
0x3a: {  	_ = 	snop  }
0x3b: {  	_ = 	snop  }
0x3c: {  	p2 =	seq.s32 s10, $0x1;
	s10 =	sld [smem:$0x3FB6]  }
0x3d: {  	_ =	shalt  }
0x3e: {  	_ =	shalt  }
0x3f: {  	_ =	shalt  }
0x40: {  	_ =	shalt  }
0x41: {  	_ =	shalt  }
0x42: {  	_ =	shalt  }
0x43: {  	_ =	shalt  }
0x44: {  	_ =	shalt  }
0x45: {  	_ =	shalt  }
0x46: {  	_ =	shalt  }
0x47: {  	_ =	shalt  }
0x48: {  	_ =	shalt  }
0x49: {  	_ =	shalt  }
0x4a: {  	_ =	shalt  }
0x4b: {  	_ =	shalt  }
0x4c: {  	_ =	shalt  }
0x4d: {  	_ =	shalt  }
0x4e: {  	_ =	shalt  }
0x4f: {  	_ =	shalt  }
0x50: {  	_ =	shalt  }
0x51: {  	_ =	shalt  }
0x52: {  	_ =	shalt  }
0x53: {  	_ =	shalt  }
0x54: {  	_ =	shalt  }
0x55: {  	_ =	shalt  }
0x56: {  	_ =	shalt  }
0x57: {  	_ =	shalt  }
0x58: {  	_ =	shalt  }
0x59: {  	_ =	shalt  }
0x5a: {  	_ =	shalt  }
0x5b: {  	_ =	shalt  }
0x5c: {  	_ =	shalt  }
0x5d: {  	_ =	shalt  }
0x5e: {  	_ =	shalt  }
0x5f: {  	_ =	shalt  }
0x60: {  	_ =	shalt  }
0x61: {  	_ =	shalt  }
0x62: {  	_ =	shalt  }
0x63: {  	_ =	shalt  }
0x64: {  	_ =	shalt  }
0x65: {  	_ =	shalt  }
0x66: {  	_ =	shalt  }
0x67: {  	_ =	shalt  }
0x68: {  	_ =	shalt  }
0x69: {  	_ =	shalt  }
0x6a: {  	_ =	shalt  }
0x6b: {  	_ =	shalt  }
0x6c: {  	_ =	shalt  }
0x6d: {  	_ =	shalt  }
0x6e: {  	_ =	shalt  }
0x6f: {  	_ =	shalt  }
0x70: {  	_ =	shalt  }
0x71: {  	_ =	shalt  }
0x72: {  	_ =	shalt  }
0x73: {  	_ =	shalt  }
0x74: {  	_ =	shalt  }
0x75: {  	_ =	shalt  }
0x76: {  	_ =	shalt  }
0x77: {  	_ =	shalt  }
0x78: {  	_ =	shalt  }
0x79: {  	_ =	shalt  }
0x7a: {  	_ =	shalt  }
0x7b: {  	_ =	shalt  }
0x7c: {  	_ =	shalt  }
0x7d: {  	_ =	shalt  }
0x7e: {  	_ =	shalt  }
0x7f: {  	_ =	shalt  }
0x80: {  	_ =	shalt  }
0x81: {  	_ =	shalt  }
0x82: {  	_ =	shalt  }
0x83: {  	_ =	shalt  }
0x84: {  	_ =	shalt  }
0x85: {  	_ =	shalt  }
0x86: {  	_ =	shalt  }
0x87: {  	_ =	shalt  }
.Lfunc_end0:
.L_simem_size_0:
called_computation.1_lowered:
.L_overlay_start_0:
0x88: {  	s2 =	sld [smem:$0x3FD9]  }
0x89: {  	s3 =	sld [smem:$0x3FFE];
	_ =	sdelay $0x1  }
0x8a: {  	s1 =	srdreg.scid  }
0x8b: {  	s0 =	sand.u32 $0x1, s1  }
0x8c: {  	s17 =	sshll.u32 s0, $0xA;
	s2 =	sadd.s32 s3, s2  }
0x8d: {  	s2 =	sadd.s32 s2, s17  }
0x8e: {  	[smem:$0x3FC2] =	sst s2  }
0x8f: {  	_ = 	snop  }
0x90: {  	s2 =	sld [smem:$0x3FD0];
	(tm) =	ssettm $0x1  }
0x91: {  	s18 =	sld [smem:$0x3FFB];
	_ =	sdelay $0x3  }
0x92: {  	_ =	strace s18  }
0x93: {  	s3 =	sld [smem:$0x3FFC];
	_ =	sdelay $0x3  }
0x94: {  	_ =	strace s3  }
0x95: {  	s3 =	sld [smem:$0x3FFD];
	_ =	sdelay $0x3  }
0x96: {  	_ =	strace s3  }
0x97: {  	_ =	strace $0x8FFFFFFF  }
0x98: {  	s19 =	sld [smem:$0x3FDB];
	_ =	sdelay $0x1  }
0x99: {  	s4 =	simm.s32 $_scs_section_size  }
0x9a: {  	s5 =	simm.s32 $_size__tile_overlayer_lowered;
	s6 =	simm.s32 $_tile_overlayer_lowered  }
0x9b: {  	s22 =	simm.s32 $0x1BFF;
	s21 =	sshll.u32 s6, $0x1;
	s3 =	sadd.s32 s4, s19  }
0x9c: {  	s7 =	simm.s32 $0x0;
	s20 =	sshll.u32 s5, $0x1;
	s5 =	sadd.s32 s21, s3  }
0x9d: {  	[timem:s7], [sflag:s22] =	dma.local [hbm:s5], s20  }
0x9e: {  	_ =	swait.ge [sflag:s22], s20  }
0x9f: {  	s4 =	ssub.s32 $0x0, s20;
	[sflag:s22] =	ssyncset.done $0x0  }
0xa0: {  	[sflag:s22] =	ssyncadd.s32 s4;
	_ =	sdelay $0x1  }
0xa1: {  	s23 =	simm.s32 $0x1B8B  }
0xa2: {  	_ =	swait.ge [sflag:s23], $0x1  }
0xa3: {  	[sflag:s23] =	ssyncset.done $0x0  }
0xa4: {  	s25 =	simm.s32 $0x1B8E;
	s24 =	sld [smem:$0x3FFE];
	[sflag:s23] =	ssyncadd.s32 $0xFFFFFFFF  }
0xa5: {  	s26 =	simm.s32 $execute0_lowered;
	[smem:$0x3FD2] =	sst s25  }
0xa6: {  	s5 =	sshll.u32 s26, $0x1;
	_ =	strace $0x80000049;
	[dreg:$0x1] =	wrdreg $0xFFFFFFFF  }
0xa7: {  	s28 =	simm.s32 $_size_execute0_lowered;
	s3 =	sadd.s32 s3, s5;
	[dreg:$0x0] =	wrdreg $0x0  }
0xa8: {  	s5 =	sshll.u32 s28, $0x1;
	[dreg:$0x2] =	wrdreg s3  }
0xa9: {  	[dreg:$0x3] =	wrdreg s5  }
0xaa: {  	[dreg:$0x4] =	wrdreg $0xC0  }
0xab: {  	_ =	task [dreg:s7], $0x5FFFF  }
0xac: {  	[dreg:$0x1] =	wrdreg $0xFFFFFFFF  }
0xad: {  	[dreg:$0x0] =	wrdreg $0x60  }
0xae: {  	[dreg:$0x2] =	wrdreg s24  }
0xaf: {  	[dreg:$0x3] =	wrdreg s2  }
0xb0: {  	[dreg:$0x4] =	wrdreg $0xB0000  }
0xb1: {  	[dreg:$0x5] =	wrdreg $0x14C400  }
0xb2: {  	[dreg:$0x6] =	wrdreg $0x9  }
0xb3: {  	_ =	task.clear_ibuf [dreg:s7], $0x7FFFF;
	_ =	strace $0x90000049  }
0xb4: {  	s29 =	simm.s32 $0x9;
	_ =	strace $0x8000004B  }
0xb5: {  	_ =	swait.ge [sflag:s29], $0x1  }
0xb6: {  	[sflag:s29] =	ssyncadd.s32 $0xFFFFFFFF  }
0xb7: {  	_ =	strace $0x9000004B  }
0xb8: {  	_ =	sfence  }
0xb9: {  	s30 =	sld [smem:$0x0];
	_ =	sdelay $0x2  }
0xba: {  	s31 =	sshll.u32 s1, $0xD;
	s1 =	sshrl.u32 s1, $0x2  }
0xbb: {  	s3 =	sand.u32 $0x4000, s31;
	s1 =	sadd.s32 s1, s30  }
0xbc: {  	s0 =	sor.u32 s3, s0;
	s1 =	sshll.u32 s1, $0x11  }
0xbd: {  	s0 =	sor.u32 s1, s0  }
0xbe: {  	s0 =	sadd.s32 $0x8F2B, s0  }
0xbf: {  	[sflag:s0] =	ssyncadd.remote.s32 $0x1  }
0xc0: {  	_ =	sfence.sel $0xFFFF  }
0xc1: {  	[dreg:$0x0] =	wrdreg $0xFFFFFFFF;
	(pc) =	sbr.abs _section_cstart, $3  }
0xc2: {  	[dreg:$0x1] =	wrdreg $0xFFFFFFFF  }
0xc3: {  	_ =	task.clear_ibuf [dreg:s7], $0x2FFFF;
	_ =	strace $0x9FFFFFFF  }
0xc4: {  	(tm) =	ssettm $0x7FFFFFFF  }
0xc5: {  	_ =	shalt  }
tec
execute0_lowered:
.L_overlay_start_1:
0x0: {  	(tag) =	ssettag $0x1  }
0x1: {  	s0 =	rddreg [dreg:$0x0]  }
0x2: {  	s1 =	srdreg.scid;
	s6 =	rddreg [dreg:$0x1]  }
0x3: {  	s2 =	rddreg [dreg:$0x2];
	s12 =	stileid.u32  }
0x4: {  	s3 =	rddreg [dreg:$0x3];
	s22 =	simm.s32 $0x5000;
	s23 =	simm.s32 $0x80  }
0x5: {  	s24 =	simm.s32 $0x7000;
	s26 =	simm.s32 $0x9000;
	s28 =	simm.s32 $0x1  }
0x6: {  	s29 =	simm.s32 $0x2;
	s30 =	simm.s32 $0x3;
	s1 =	sand.u32 $0x1, s1  }
0x7: {  	s8 =	smul.u32 $0x9C40, s12;
	s4 =	sshll.u32 s1, $0x4;
	s10 =	ssub.s32 $0x2, s1  }
0x8: {  	s1 =	smul.u32 $0xA0000, s1;
	s5 =	sor.u32 s12, s4;
	s4 =	simm.s32 $0x0  }
0x9: {  	s9 =	sshrl.u32 s8, $0x3;
	s11 =	sshrl.u32 s10, $0x1;
	s12 =	smul.u32 $0xA000, s12  }
0xa: {  	s20 =	sadd.s32 s8, s2;
	s7 =	smul.u32 $0x500, s5;
	[smem:$0x7FF] =	sst s4  }
0xb: {  	s9 =	sadd.s32 s9, s0;
	s18 =	ssub.s32 s10, s11;
	s21 =	sshrl.u32 s20, $0x3  }
0xc: {  	_ =	strace $0x8000004A;
	s8 =	sadd.s32 s12, s3;
	s13 =	sadd.s32 $0x2000, s12  }
0xd: {  	s15 =	sadd.s32 $0x4000, s12;
	s16 =	sadd.s32 $0x6000, s12;
	s14 =	sadd.s32 s12, s1  }
0xe: {  	s17 =	sadd.s32 $0x8000, s12;
	s18 =	smax.u32 s18, $0x1;
	s5 =	sadd.s32 s7, s0  }
0xf: {  	s0 =	sadd.s32 $0xA0600, s0;
	s6 =	sadd.s32 s6, s7;
	s7 =	sadd.s32 $0x8CC00, s9  }
0x10: {  	s9 =	sadd.s32 s13, s3;
	s10 =	sadd.s32 s15, s3;
	s11 =	sadd.s32 s16, s3  }
0x11: {  	s14 =	sshrl.u32 s14, $0x3;
	s19 =	sadd.s32 s1, s13;
	s12 =	sadd.s32 s17, s3  }
0x12: {  	s15 =	sadd.s32 s1, s15;
	s16 =	sadd.s32 s1, s16;
	s1 =	sadd.s32 s1, s17  }
0x13: {  	s5 =	sadd.s32 $0xBA00, s5;
	s13 =	sadd.s32 s0, s14;
	s31 =	sshrl.u32 s19, $0x3  }
0x14: {  	s15 =	sshrl.u32 s15, $0x3;
	s16 =	sshrl.u32 s16, $0x3;
	s1 =	sshrl.u32 s1, $0x3  }
0x15: {  	s19 =	simm.s32 $0x4;
	s14 =	sadd.s32 s0, s31;
	s15 =	sadd.s32 s0, s15  }
0x16: {  	v0 =	vimm.f32 $0.0e+00;
	s16 =	sadd.s32 s0, s16;
	s17 =	sadd.s32 s0, s1;
	s0 =	simm.s32 $0x0  }
.LBB2_1:
0x17: {  	[tilespmem:s4], [sflag:$0x4] =	stream.linear.gather [hbm4b:s5+s4], $0x2800, $0x38;
	[tilespmem:$0x1EC40] =	vst v63  }
0x18: {  	_ =	swait.ge [sflag:s19], $0x2800  }
0x19: {  	[sflag:s19] =	ssyncset.done $0x0  }
0x1a: {  	s1 =	simm.s32 $0x2800;
	[sflag:s19] =	ssyncadd.s32 $0xFFFFD800  }
0x1b: {  	[tilespmem:s1], [sflag:$0x4] =	stream.linear.gather [hbm4b:s6+s4], $0x2800, $0x38;
	[tilespmem:$0x1EC40] =	vst v63  }
0x1c: {  	s25 =	stileid.u32;
	_ =	swait.ge [sflag:s19], $0x2800  }
0x1d: {  	s20 =	sshll.u32 s25, $0x6;
	[sflag:s19] =	ssyncset.done $0x0  }
0x1e: {  	s20 =	sor.u32 $0x1C04, s20;
	[sflag:s19] =	ssyncadd.s32 $0xFFFFD800  }
0x1f: {  	[spmem:s21], [sflag:s20] =	dma.local [hbm:s7], $0x1388  }
0x20: {  	_ =	swait.ge [sflag:s19], $0x1388  }
0x21: {  	[sflag:s19] =	ssyncset.done $0x0  }
0x22: {  	s31 =	simm.s32 $0x100;
	s25 =	simm.s32 $0x0;
	[sflag:s19] =	ssyncadd.s32 $0xFFFFEC78  }
.LBB2_2:
0x23: {  	p0 =	sne.s32 s31, $0x7F00;
	[tilespmem:s25+$0x5030] =	vst v0;
	s1 =	smov.u32 s31;
	s31 =	sadd.s32 $0x100, s31  }
.Ltmp0:
0x24: {  	[tilespmem:s25+$0x5020] =	vst v0;
	(pc) =	sbr.rel @p0 .LBB2_2-.Ltmp0, $3  }
0x25: {  	[tilespmem:s25+$0x5000] =	vst v0  }
0x26: {  	[tilespmem:s25+$0x5010] =	vst v0;
	_ =	sdelay $0x1  }
0x27: {  	s25 =	sshra.s32 s1, $0x2  }
0x28: {  	[tilespmem:s25+$0x5030] =	vst v0  }
0x29: {  	[tilespmem:s25+$0x5020] =	vst v0  }
0x2a: {  	[tilespmem:s25+$0x5000] =	vst v0  }
0x2b: {  	[tilespmem:s25+$0x5010] =	vst v0  }
0x2c: {  	[spmem:s8] =	stream.linear.scatter [tilespmem:s22], [sflag:$0x4], $0x2000, $0x38;
	[tilespmem:$0x1EC40] =	vst v63  }
0x2d: {  	_ =	swait.ge [sflag:s19], $0x2000  }
0x2e: {  	[sflag:s19] =	ssyncset.done $0x0  }
0x2f: {  	[sflag:s19] =	ssyncadd.s32 $0xFFFFE000  }
0x30: {  	[spmem:s9] =	stream.linear.scatter [tilespmem:s22], [sflag:$0x4], $0x2000, $0x38;
	[tilespmem:$0x1EC40] =	vst v63  }
0x31: {  	_ =	swait.ge [sflag:s19], $0x2000  }
0x32: {  	[sflag:s19] =	ssyncset.done $0x0  }
0x33: {  	[sflag:s19] =	ssyncadd.s32 $0xFFFFE000  }
0x34: {  	[spmem:s10] =	stream.linear.scatter [tilespmem:s22], [sflag:$0x4], $0x2000, $0x38;
	[tilespmem:$0x1EC40] =	vst v63  }
0x35: {  	_ =	swait.ge [sflag:s19], $0x2000  }
0x36: {  	[sflag:s19] =	ssyncset.done $0x0  }
0x37: {  	[sflag:s19] =	ssyncadd.s32 $0xFFFFE000  }
0x38: {  	[spmem:s11] =	stream.linear.scatter [tilespmem:s22], [sflag:$0x4], $0x2000, $0x38;
	[tilespmem:$0x1EC40] =	vst v63  }
0x39: {  	_ =	swait.ge [sflag:s19], $0x2000  }
0x3a: {  	[sflag:s19] =	ssyncset.done $0x0  }
0x3b: {  	[sflag:s19] =	ssyncadd.s32 $0xFFFFE000  }
0x3c: {  	[spmem:s12] =	stream.linear.scatter [tilespmem:s22], [sflag:$0x4], $0x2000, $0x38;
	[tilespmem:$0x1EC40] =	vst v63  }
0x3d: {  	_ =	swait.ge [sflag:s19], $0x2000  }
0x3e: {  	[sflag:s19] =	ssyncset.done $0x0  }
0x3f: {  	[sflag:s19] =	ssyncadd.s32 $0xFFFFE000  }
0x40: {  	s1 =	simm.s32 $0x0;
	[bflag:$0x0] =	sbarrier.arrive $0xFFFF  }
0x41: {  	[tilespmem:s22], [sflag:$0x1] =	stream.indirect.gather [spmem:s2], $0x40, s1, s23, $0xb8;
	[tilespmem:$0x1EC40] =	vst v63  }
0x42: {  	_ = 	snop  }
0x43: {  	[tilespmem:s24], [sflag:$0x2] =	stream.indirect.gather [spmem:s2], $0x40, s23, s23, $0xb8;
	[tilespmem:$0x1EC40] =	vst v63  }
0x44: {  	s25 =	simm.s32 $0x100  }
0x45: {  	[tilespmem:s26], [sflag:$0x3] =	stream.indirect.gather [spmem:s2], $0x40, s25, s23, $0xb8;
	[tilespmem:$0x1EC40] =	vst v63  }
0x46: {  	_ =	swait.ge [sflag:s28], $0x2000  }
0x47: {  	[sflag:s28] =	ssyncset.done $0x0  }
0x48: {  	s25 =	simm.s32 $0x2800;
	[sflag:s28] =	ssyncadd.s32 $0xFFFFE000  }
0x49: {  	[spmem:s3] =	stream.indirect.scatter.add.f32 [tilespmem:s22], [sflag:$0x4], $0x40, s25, s23, $0xb8;
	[tilespmem:$0x1EC40] =	vst v63  }
0x4a: {  	_ =	swait.ge [sflag:s19], $0x2000  }
0x4b: {  	[sflag:s19] =	ssyncset.done $0x0  }
0x4c: {  	s25 =	simm.s32 $0x180;
	[sflag:s19] =	ssyncadd.s32 $0xFFFFE000  }
0x4d: {  	[tilespmem:s22], [sflag:$0x1] =	stream.indirect.gather [spmem:s2], $0x40, s25, s23, $0xb8;
	[tilespmem:$0x1EC40] =	vst v63  }
0x4e: {  	_ =	swait.ge [sflag:s29], $0x2000  }
0x4f: {  	[sflag:s29] =	ssyncset.done $0x0  }
0x50: {  	s25 =	simm.s32 $0x2880;
	[sflag:s29] =	ssyncadd.s32 $0xFFFFE000  }
0x51: {  	[spmem:s3] =	stream.indirect.scatter.add.f32 [tilespmem:s24], [sflag:$0x4], $0x40, s25, s23, $0xb8;
	[tilespmem:$0x1EC40] =	vst v63  }
0x52: {  	_ =	swait.ge [sflag:s19], $0x2000  }
0x53: {  	[sflag:s19] =	ssyncset.done $0x0  }
0x54: {  	s25 =	simm.s32 $0x200;
	[sflag:s19] =	ssyncadd.s32 $0xFFFFE000  }
0x55: {  	[tilespmem:s24], [sflag:$0x2] =	stream.indirect.gather [spmem:s2], $0x40, s25, s23, $0xb8;
	[tilespmem:$0x1EC40] =	vst v63  }
0x56: {  	_ =	swait.ge [sflag:s30], $0x2000  }
0x57: {  	[sflag:s30] =	ssyncset.done $0x0  }
0x58: {  	s25 =	simm.s32 $0x2900;
	[sflag:s30] =	ssyncadd.s32 $0xFFFFE000  }
0x59: {  	[spmem:s3] =	stream.indirect.scatter.add.f32 [tilespmem:s26], [sflag:$0x4], $0x40, s25, s23, $0xb8;
	[tilespmem:$0x1EC40] =	vst v63  }
0x5a: {  	_ =	swait.ge [sflag:s19], $0x2000  }
0x5b: {  	[sflag:s19] =	ssyncset.done $0x0  }
0x5c: {  	s31 =	simm.s32 $0x280;
	s25 =	simm.s32 $0x600;
	[sflag:s19] =	ssyncadd.s32 $0xFFFFE000  }
.LBB2_4:
0x5d: {  	[tilespmem:s26], [sflag:$0x3] =	stream.indirect.gather [spmem:s2], $0x40, s31, s23, $0xb8;
	[tilespmem:$0x1EC40] =	vst v63  }
0x5e: {  	s1 =	smov.u32 s25  }
0x5f: {  	p0 =	sne.s32 s25, $0x9000;
	s25 =	sadd.s32 $0x600, s25;
	_ =	swait.ge [sflag:s28], $0x2000  }
0x60: {  	s1 =	sshra.s32 s1, $0x2;
	[sflag:s28] =	ssyncset.done $0x0  }
0x61: {  	s31 =	sadd.s32 $0x2800, s1;
	[sflag:s28] =	ssyncadd.s32 $0xFFFFE000  }
0x62: {  	[spmem:s3] =	stream.indirect.scatter.add.f32 [tilespmem:s22], [sflag:$0x4], $0x40, s31, s23, $0xb8;
	[tilespmem:$0x1EC40] =	vst v63  }
0x63: {  	_ =	swait.ge [sflag:s19], $0x2000  }
0x64: {  	[sflag:s19] =	ssyncset.done $0x0  }
0x65: {  	s31 =	sadd.s32 $0x180, s1;
	[sflag:s19] =	ssyncadd.s32 $0xFFFFE000  }
0x66: {  	[tilespmem:s22], [sflag:$0x1] =	stream.indirect.gather [spmem:s2], $0x40, s31, s23, $0xb8;
	[tilespmem:$0x1EC40] =	vst v63  }
0x67: {  	_ =	swait.ge [sflag:s29], $0x2000  }
0x68: {  	[sflag:s29] =	ssyncset.done $0x0  }
0x69: {  	s31 =	sadd.s32 $0x2880, s1;
	[sflag:s29] =	ssyncadd.s32 $0xFFFFE000  }
0x6a: {  	[spmem:s3] =	stream.indirect.scatter.add.f32 [tilespmem:s24], [sflag:$0x4], $0x40, s31, s23, $0xb8;
	[tilespmem:$0x1EC40] =	vst v63  }
0x6b: {  	_ =	swait.ge [sflag:s19], $0x2000  }
0x6c: {  	[sflag:s19] =	ssyncset.done $0x0  }
0x6d: {  	s31 =	sadd.s32 $0x200, s1;
	[sflag:s19] =	ssyncadd.s32 $0xFFFFE000  }
0x6e: {  	[tilespmem:s24], [sflag:$0x2] =	stream.indirect.gather [spmem:s2], $0x40, s31, s23, $0xb8;
	[tilespmem:$0x1EC40] =	vst v63  }
0x6f: {  	_ =	swait.ge [sflag:s30], $0x2000  }
0x70: {  	[sflag:s30] =	ssyncset.done $0x0  }
.Ltmp1:
0x71: {  	s31 =	sadd.s32 $0x2900, s1;
	[sflag:s30] =	ssyncadd.s32 $0xFFFFE000;
	(pc) =	sbr.rel @p0 .LBB2_4-.Ltmp1, $4  }
0x72: {  	[spmem:s3] =	stream.indirect.scatter.add.f32 [tilespmem:s26], [sflag:$0x4], $0x40, s31, s23, $0xb8;
	[tilespmem:$0x1EC40] =	vst v63  }
0x73: {  	_ =	swait.ge [sflag:s19], $0x2000  }
0x74: {  	[sflag:s19] =	ssyncset.done $0x0  }
0x75: {  	s31 =	sadd.s32 $0x280, s1;
	[sflag:s19] =	ssyncadd.s32 $0xFFFFE000  }
0x76: {  	[tilespmem:s26], [sflag:$0x3] =	stream.indirect.gather [spmem:s2], $0x40, s31, s23, $0xb8;
	[tilespmem:$0x1EC40] =	vst v63  }
0x77: {  	_ =	swait.ge [sflag:s28], $0x2000  }
0x78: {  	[sflag:s28] =	ssyncset.done $0x0  }
0x79: {  	s1 =	simm.s32 $0x4D80;
	[sflag:s28] =	ssyncadd.s32 $0xFFFFE000  }
0x7a: {  	[spmem:s3] =	stream.indirect.scatter.add.f32 [tilespmem:s22], [sflag:$0x4], $0x40, s1, s23, $0xb8;
	[tilespmem:$0x1EC40] =	vst v63  }
0x7b: {  	_ =	swait.ge [sflag:s19], $0x2000  }
0x7c: {  	[sflag:s19] =	ssyncset.done $0x0  }
0x7d: {  	s31 =	simm.s32 $0x2700;
	[sflag:s19] =	ssyncadd.s32 $0xFFFFE000  }
0x7e: {  	[tilespmem:s22], [sflag:$0x1] =	stream.indirect.gather [spmem:s2], $0x40, s31, s23, $0xb8;
	[tilespmem:$0x1EC40] =	vst v63  }
0x7f: {  	_ =	swait.ge [sflag:s29], $0x2000  }
0x80: {  	[sflag:s29] =	ssyncset.done $0x0  }
0x81: {  	s25 =	simm.s32 $0x4E00;
	[sflag:s29] =	ssyncadd.s32 $0xFFFFE000  }
0x82: {  	[spmem:s3] =	stream.indirect.scatter.add.f32 [tilespmem:s24], [sflag:$0x4], $0x40, s25, s23, $0xb8;
	[tilespmem:$0x1EC40] =	vst v63  }
0x83: {  	_ =	swait.ge [sflag:s19], $0x2000  }
0x84: {  	[sflag:s19] =	ssyncset.done $0x0  }
0x85: {  	s31 =	simm.s32 $0x2780;
	[sflag:s19] =	ssyncadd.s32 $0xFFFFE000  }
0x86: {  	[tilespmem:s24], [sflag:$0x2] =	stream.indirect.gather [spmem:s2], $0x40, s31, s23, $0xb8;
	[tilespmem:$0x1EC40] =	vst v63  }
0x87: {  	_ =	swait.ge [sflag:s30], $0x2000  }
0x88: {  	[sflag:s30] =	ssyncset.done $0x0  }
0x89: {  	s25 =	simm.s32 $0x4E80;
	[sflag:s30] =	ssyncadd.s32 $0xFFFFE000  }
0x8a: {  	[spmem:s3] =	stream.indirect.scatter.add.f32 [tilespmem:s26], [sflag:$0x4], $0x40, s25, s23, $0xb8;
	[tilespmem:$0x1EC40] =	vst v63  }
0x8b: {  	_ =	swait.ge [sflag:s19], $0x2000  }
0x8c: {  	[sflag:s19] =	ssyncset.done $0x0  }
0x8d: {  	[sflag:s19] =	ssyncadd.s32 $0xFFFFE000  }
0x8e: {  	_ =	swait.ge [sflag:s28], $0x2000  }
0x8f: {  	[sflag:s28] =	ssyncset.done $0x0  }
0x90: {  	s31 =	simm.s32 $0x4F00;
	[sflag:s28] =	ssyncadd.s32 $0xFFFFE000  }
0x91: {  	[spmem:s3] =	stream.indirect.scatter.add.f32 [tilespmem:s22], [sflag:$0x4], $0x40, s31, s23, $0xb8;
	[tilespmem:$0x1EC40] =	vst v63  }
0x92: {  	_ =	swait.ge [sflag:s19], $0x2000  }
0x93: {  	[sflag:s19] =	ssyncset.done $0x0  }
0x94: {  	[sflag:s19] =	ssyncadd.s32 $0xFFFFE000  }
0x95: {  	_ =	swait.ge [sflag:s29], $0x2000  }
0x96: {  	[sflag:s29] =	ssyncset.done $0x0  }
0x97: {  	s25 =	simm.s32 $0x4F80;
	[sflag:s29] =	ssyncadd.s32 $0xFFFFE000  }
0x98: {  	[spmem:s3] =	stream.indirect.scatter.add.f32 [tilespmem:s24], [sflag:$0x4], $0x40, s25, s23, $0xb8;
	[tilespmem:$0x1EC40] =	vst v63  }
0x99: {  	_ =	swait.ge [sflag:s19], $0x2000  }
0x9a: {  	[sflag:s19] =	ssyncset.done $0x0  }
0x9b: {  	[sflag:s19] =	ssyncadd.s32 $0xFFFFE000  }
0x9c: {  	s31 =	sshrl.u32 s8, $0x3;
	[bflag:$0x0] =	sbarrier.arrive $0xFFFF  }
0x9d: {  	[hbm:s13], [sflag:s20] =	dma.local [spmem:s31], $0x400  }
0x9e: {  	_ =	swait.ge [sflag:s19], $0x400  }
0x9f: {  	[sflag:s19] =	ssyncset.done $0x0  }
0xa0: {  	s25 =	sshrl.u32 s9, $0x3;
	[sflag:s19] =	ssyncadd.s32 $0xFFFFFC00  }
0xa1: {  	[hbm:s14], [sflag:s20] =	dma.local [spmem:s25], $0x400  }
0xa2: {  	_ =	swait.ge [sflag:s19], $0x400  }
0xa3: {  	[sflag:s19] =	ssyncset.done $0x0  }
0xa4: {  	s31 =	sshrl.u32 s10, $0x3;
	[sflag:s19] =	ssyncadd.s32 $0xFFFFFC00  }
0xa5: {  	[hbm:s15], [sflag:s20] =	dma.local [spmem:s31], $0x400  }
0xa6: {  	_ =	swait.ge [sflag:s19], $0x400  }
0xa7: {  	[sflag:s19] =	ssyncset.done $0x0  }
0xa8: {  	s25 =	sshrl.u32 s11, $0x3;
	[sflag:s19] =	ssyncadd.s32 $0xFFFFFC00  }
0xa9: {  	[hbm:s16], [sflag:s20] =	dma.local [spmem:s25], $0x400  }
0xaa: {  	s0 =	sadd.s32 $0x1, s0;
	_ =	swait.ge [sflag:s19], $0x400  }
0xab: {  	p0 =	sne.s32 s0, s18;
	[sflag:s19] =	ssyncset.done $0x0  }
.Ltmp2:
0xac: {  	s31 =	sshrl.u32 s12, $0x3;
	[sflag:s19] =	ssyncadd.s32 $0xFFFFFC00;
	(pc) =	sbr.rel @p0 .LBB2_1-.Ltmp2, $4  }
0xad: {  	[hbm:s17], [sflag:s20] =	dma.local [spmem:s31], $0x400  }
0xae: {  	_ =	swait.ge [sflag:s19], $0x400  }
0xaf: {  	[sflag:s19] =	ssyncset.done $0x0  }
0xb0: {  	[sflag:s19] =	ssyncadd.s32 $0xFFFFFC00  }
0xb1: {  	_ =	sfence.sel $0x180000  }
0xb2: {  	[bflag:$0x0] =	sbarrier.arrive $0xFFFF  }
0xb3: {  	_ =	strace $0x9000004A  }
0xb4: {  	s0 =	stileid.u32;
	[bflag:$0x2] =	sbarrier.arrive $0xFFFF  }
0xb5: {  	p0 =	sne.s32 s0, $0x0;
	s0 =	rddreg [dreg:$0x4]  }
0xb6: {  	s0 =	sadd.s32 @!p0 $0x100000, s0  }
0xb7: {  	[sflag:s0] =	ssyncadd.tile.s32 @!p0 $0x1;
	_ =	shalt  }
.Lfunc_end2:
_tile_overlayer_lowered:
.L_overlay_start_2:
0xb8: {  	(tag) =	ssettag $0x2  }
0xb9: {  	s0 =	rddreg [dreg:$0x0];
	s2 =	stileid.u32  }
0xba: {  	s1 =	rddreg [dreg:$0x1];
	p0 =	sne.s32 s2, $0x0  }
0xbb: {  	s3 =	rddreg [dreg:$0x2];
	[bflag:$0x3] =	sbarrier.arrive $0xFFFF;
	s2 =	simm.s32 @!p0 $0x1C04  }
0xbc: {  	[timem:s3], [sflag:s2] =	dma.local @!p0 [hbm:s0], s1  }
0xbd: {  	s0 =	simm.s32 @!p0 $0x4  }
0xbe: {  	_ =	swait.ge @!p0 [sflag:s0], s1  }
0xbf: {  	s1 =	ssub.s32 @!p0 $0x0, s1;
	[sflag:s0] =	ssyncset.done @!p0 $0x0  }
0xc0: {  	[sflag:s0] =	ssyncadd.s32 @!p0 s1  }
0xc1: {  	[bflag:$0x3] =	sbarrier.arrive $0xFFFF  }
0xc2: {  	_ =	shalt  }

// kernel: kernel.15.cloned.1.call-start
scs
__scs_entry_jumppad:
0x0: {  	(pc) =	sbr.rel $0x88, $3  }
0x1: {  	(tag) =	ssettag $0x0;
	lr =	simm.s32 $0x1  }
0x2: {  	[smem:$0x3F9B] =	sst lr;
	_ =	strace $0xD0000000  }
0x3: {  	_ = 	snop  }
0x4: {  	_ = 	snop  }
0x5: {  	_ = 	snop  }
0x6: {  	_ = 	snop  }
0x7: {  	_ = 	snop  }
__scs_overlays_trampoline_lowered:
0x8: {  	[smem:$0x3FAA] =	sst s0  }
0x9: {  	[smem:$0x3FAB] =	sst s1  }
0xa: {  	[smem:$0x3FAC] =	sst s2  }
0xb: {  	[smem:$0x3FAD] =	sst s3  }
0xc: {  	[smem:$0x3FAE] =	sst s4  }
0xd: {  	[smem:$0x3FAF] =	sst s5  }
0xe: {  	[smem:$0x3FB0] =	sst s6  }
0xf: {  	[smem:$0x3FB1] =	sst s7  }
0x10: {  	[smem:$0x3FB2] =	sst s8  }
0x11: {  	[smem:$0x3FB3] =	sst s9;
	s0 =	simm.s32 @!p0 $0x0  }
0x12: {  	s1 =	sld [smem:$0x3F99];
	s0 =	simm.s32 @p0 $0x1  }
0x13: {  	[smem:$0x3FB4] =	sst s0;
	s0 =	simm.s32 @!p1 $0x0  }
0x14: {  	s2 =	sld [smem:$0x3F98];
	s0 =	simm.s32 @p1 $0x1  }
0x15: {  	[smem:$0x3FB5] =	sst s0;
	s0 =	simm.s32 @!p2 $0x0  }
0x16: {  	s3 =	sld [smem:$0x3FDB];
	s0 =	simm.s32 @p2 $0x1  }
0x17: {  	s4 =	simm.s32 $0x1BF5;
	[smem:$0x3FB7] =	sst s0  }
0x18: {  	s0 =	sld [smem:$0x3F9A];
	_ =	swait.ge [sflag:s4], $0x0  }
0x19: {  	s7 =	sld [smem:$0x3F9B]  }
0x1a: {  	s8 =	sadd.s32 $0xFFFFE003, lr  }
0x1b: {  	s9 =	sadd.s32 $0xFFFFFEF7, lr;
	s5 =	simm.s32 $0xFFFFFFFF;
	p2 =	slt.u32 s8, $0xFFFFF086  }
0x1c: {  	p1 =	slt.u32 s9, $0xF7A;
	s5 =	simm.s32 @!p2 $0x0  }
0x1d: {  	s5 =	simm.s32 @p1 $0x1;
	p0 =	seq.s32 s7, s2  }
0x1e: {  	s7 =	smul.u32 @!p0 $0xF7A, s2;
	p2 =	seq.s32 @!p0 s5, $0x0  }
0x1f: {  	s9 =	smul.u32 $0xF7A, s1;
	s8 =	simm.s32 @!p0 $0x1BF5;
	p2 =	por !p2, p0  }
0x20: {  	[sflag:s8] =	ssyncset.s32 @!p0 $0xFFFFF086;
	s6 =	sadd.s32 @!p0 s3, s7;
	s7 =	simm.s32 @!p0 $0x108  }
0x21: {  	s3 =	sadd.s32 s3, s9;
	s6 =	sadd.s32 @!p0 $0x88, s6;
	s7 =	simm.s32 @p2 $0x1082  }
0x22: {  	[simem:s7], [sflag:s8] =	dma.local @!p0 [hbm:s6], $0xF7A  }
0x23: {  	s9 =	sor.u32 $0xD0000000, s2;
	s6 =	simm.s32 $0x108;
	_ =	swait.ge @!p0 [sflag:s8], $0x0  }
0x24: {  	s3 =	sadd.s32 $0x88, s3;
	s6 =	simm.s32 @!p1 $0x1082;
	[sflag:s4] =	ssyncset.s32 $0xFFFFF086  }
0x25: {  	[simem:s6], [sflag:s4] =	dma.local [hbm:s3], $0xF7A  }
0x26: {  	[smem:$0x3F9B] =	sst s1;
	(tag) =	ssettag s2;
	_ =	strace s9  }
0x27: {  	s1 =	sld [smem:$0x3FAB]  }
0x28: {  	s2 =	sld [smem:$0x3FAC]  }
0x29: {  	s4 =	sld [smem:$0x3FAE]  }
0x2a: {  	p0 =	seq.s32 s5, $0x0;
	s5 =	sld [smem:$0x3FAF]  }
0x2b: {  	s6 =	sld [smem:$0x3FB0]  }
0x2c: {  	s7 =	sld [smem:$0x3FB1]  }
0x2d: {  	s3 =	simm.s32 $0x108;
	s8 =	sld [smem:$0x3FB2]  }
0x2e: {  	s3 =	simm.s32 @!p0 $0x1082;
	s9 =	sld [smem:$0x3FB3]  }
0x2f: {  	lr =	sadd.s32 s0, s3;
	s0 =	sld [smem:$0x3FAA]  }
0x30: {  	s3 =	sld [smem:$0x3FAD]  }
0x31: {  	[smem:$0x3FB6] =	sst s10  }
0x32: {  	s10 =	sld [smem:$0x3FB4];
	_ =	sdelay $0x3  }
0x33: {  	p0 =	seq.s32 s10, $0x1;
	s10 =	sld [smem:$0x3FB6];
	_ =	sdelay $0x3  }
0x34: {  	[smem:$0x3FB6] =	sst s10  }
0x35: {  	s10 =	sld [smem:$0x3FB5];
	_ =	sdelay $0x3  }
0x36: {  	p1 =	seq.s32 s10, $0x1;
	s10 =	sld [smem:$0x3FB6];
	_ =	sdelay $0x3  }
0x37: {  	[smem:$0x3FB6] =	sst s10  }
0x38: {  	s10 =	sld [smem:$0x3FB7]  }
0x39: {  	_ = 	snop;
	(pc) =	sbr.ind lr, $3  }
0x3a: {  	_ = 	snop  }
0x3b: {  	_ = 	snop  }
0x3c: {  	p2 =	seq.s32 s10, $0x1;
	s10 =	sld [smem:$0x3FB6]  }
0x3d: {  	_ =	shalt  }
0x3e: {  	_ =	shalt  }
0x3f: {  	_ =	shalt  }
0x40: {  	_ =	shalt  }
0x41: {  	_ =	shalt  }
0x42: {  	_ =	shalt  }
0x43: {  	_ =	shalt  }
0x44: {  	_ =	shalt  }
0x45: {  	_ =	shalt  }
0x46: {  	_ =	shalt  }
0x47: {  	_ =	shalt  }
0x48: {  	_ =	shalt  }
0x49: {  	_ =	shalt  }
0x4a: {  	_ =	shalt  }
0x4b: {  	_ =	shalt  }
0x4c: {  	_ =	shalt  }
0x4d: {  	_ =	shalt  }
0x4e: {  	_ =	shalt  }
0x4f: {  	_ =	shalt  }
0x50: {  	_ =	shalt  }
0x51: {  	_ =	shalt  }
0x52: {  	_ =	shalt  }
0x53: {  	_ =	shalt  }
0x54: {  	_ =	shalt  }
0x55: {  	_ =	shalt  }
0x56: {  	_ =	shalt  }
0x57: {  	_ =	shalt  }
0x58: {  	_ =	shalt  }
0x59: {  	_ =	shalt  }
0x5a: {  	_ =	shalt  }
0x5b: {  	_ =	shalt  }
0x5c: {  	_ =	shalt  }
0x5d: {  	_ =	shalt  }
0x5e: {  	_ =	shalt  }
0x5f: {  	_ =	shalt  }
0x60: {  	_ =	shalt  }
0x61: {  	_ =	shalt  }
0x62: {  	_ =	shalt  }
0x63: {  	_ =	shalt  }
0x64: {  	_ =	shalt  }
0x65: {  	_ =	shalt  }
0x66: {  	_ =	shalt  }
0x67: {  	_ =	shalt  }
0x68: {  	_ =	shalt  }
0x69: {  	_ =	shalt  }
0x6a: {  	_ =	shalt  }
0x6b: {  	_ =	shalt  }
0x6c: {  	_ =	shalt  }
0x6d: {  	_ =	shalt  }
0x6e: {  	_ =	shalt  }
0x6f: {  	_ =	shalt  }
0x70: {  	_ =	shalt  }
0x71: {  	_ =	shalt  }
0x72: {  	_ =	shalt  }
0x73: {  	_ =	shalt  }
0x74: {  	_ =	shalt  }
0x75: {  	_ =	shalt  }
0x76: {  	_ =	shalt  }
0x77: {  	_ =	shalt  }
0x78: {  	_ =	shalt  }
0x79: {  	_ =	shalt  }
0x7a: {  	_ =	shalt  }
0x7b: {  	_ =	shalt  }
0x7c: {  	_ =	shalt  }
0x7d: {  	_ =	shalt  }
0x7e: {  	_ =	shalt  }
0x7f: {  	_ =	shalt  }
0x80: {  	_ =	shalt  }
0x81: {  	_ =	shalt  }
0x82: {  	_ =	shalt  }
0x83: {  	_ =	shalt  }
0x84: {  	_ =	shalt  }
0x85: {  	_ =	shalt  }
0x86: {  	_ =	shalt  }
0x87: {  	_ =	shalt  }
.Lfunc_end0:
.L_simem_size_0:
called_computation.2_lowered:
.L_overlay_start_0:
0x88: {  	s2 =	sld [smem:$0x3FD9]  }
0x89: {  	s3 =	sld [smem:$0x3FFE];
	_ =	sdelay $0x1  }
0x8a: {  	s1 =	srdreg.scid  }
0x8b: {  	s0 =	sand.u32 $0x1, s1  }
0x8c: {  	s17 =	sshll.u32 s0, $0xA;
	s2 =	sadd.s32 s3, s2  }
0x8d: {  	s2 =	sadd.s32 s2, s17  }
0x8e: {  	[smem:$0x3FC2] =	sst s2  }
0x8f: {  	_ = 	snop  }
0x90: {  	s2 =	sld [smem:$0x3FD0];
	(tm) =	ssettm $0x1  }
0x91: {  	s18 =	sld [smem:$0x3FFB];
	_ =	sdelay $0x3  }
0x92: {  	_ =	strace s18  }
0x93: {  	s3 =	sld [smem:$0x3FFC];
	_ =	sdelay $0x3  }
0x94: {  	_ =	strace s3  }
0x95: {  	s3 =	sld [smem:$0x3FFD];
	_ =	sdelay $0x3  }
0x96: {  	_ =	strace s3  }
0x97: {  	_ =	strace $0x8FFFFFFF  }
0x98: {  	s19 =	sld [smem:$0x3FDB];
	_ =	sdelay $0x1  }
0x99: {  	s4 =	simm.s32 $_scs_section_size  }
0x9a: {  	s5 =	simm.s32 $_size__tile_overlayer_lowered;
	s6 =	simm.s32 $_tile_overlayer_lowered  }
0x9b: {  	s22 =	simm.s32 $0x1BFF;
	s21 =	sshll.u32 s6, $0x1;
	s3 =	sadd.s32 s4, s19  }
0x9c: {  	s7 =	simm.s32 $0x0;
	s20 =	sshll.u32 s5, $0x1;
	s5 =	sadd.s32 s21, s3  }
0x9d: {  	[timem:s7], [sflag:s22] =	dma.local [hbm:s5], s20  }
0x9e: {  	_ =	swait.ge [sflag:s22], s20  }
0x9f: {  	s4 =	ssub.s32 $0x0, s20;
	[sflag:s22] =	ssyncset.done $0x0  }
0xa0: {  	[sflag:s22] =	ssyncadd.s32 s4;
	_ =	sdelay $0x1  }
0xa1: {  	s23 =	simm.s32 $0x1B8B  }
0xa2: {  	_ =	swait.ge [sflag:s23], $0x1  }
0xa3: {  	[sflag:s23] =	ssyncset.done $0x0  }
0xa4: {  	s25 =	simm.s32 $0x1B8E;
	s24 =	sld [smem:$0x3FFE];
	[sflag:s23] =	ssyncadd.s32 $0xFFFFFFFF  }
0xa5: {  	s26 =	simm.s32 $execute0_lowered;
	[smem:$0x3FD2] =	sst s25  }
0xa6: {  	s5 =	sshll.u32 s26, $0x1;
	_ =	strace $0x8000004C;
	[dreg:$0x1] =	wrdreg $0xFFFFFFFF  }
0xa7: {  	s28 =	simm.s32 $_size_execute0_lowered;
	s3 =	sadd.s32 s3, s5;
	[dreg:$0x0] =	wrdreg $0x0  }
0xa8: {  	s5 =	sshll.u32 s28, $0x1;
	[dreg:$0x2] =	wrdreg s3  }
0xa9: {  	[dreg:$0x3] =	wrdreg s5  }
0xaa: {  	[dreg:$0x4] =	wrdreg $0xC0  }
0xab: {  	_ =	task [dreg:s7], $0x5FFFF  }
0xac: {  	[dreg:$0x1] =	wrdreg $0xFFFFFFFF  }
0xad: {  	[dreg:$0x0] =	wrdreg $0x60  }
0xae: {  	[dreg:$0x2] =	wrdreg s24  }
0xaf: {  	[dreg:$0x3] =	wrdreg s2  }
0xb0: {  	[dreg:$0x4] =	wrdreg $0x98000  }
0xb1: {  	[dreg:$0x5] =	wrdreg $0x10D300  }
0xb2: {  	[dreg:$0x6] =	wrdreg $0x9  }
0xb3: {  	_ =	task.clear_ibuf [dreg:s7], $0x7FFFF;
	_ =	strace $0x9000004C  }
0xb4: {  	s29 =	simm.s32 $0x9;
	_ =	strace $0x8000004E  }
0xb5: {  	_ =	swait.ge [sflag:s29], $0x1  }
0xb6: {  	[sflag:s29] =	ssyncadd.s32 $0xFFFFFFFF  }
0xb7: {  	_ =	strace $0x9000004E  }
0xb8: {  	_ =	sfence  }
0xb9: {  	s30 =	sld [smem:$0x0];
	_ =	sdelay $0x2  }
0xba: {  	s31 =	sshll.u32 s1, $0xD;
	s1 =	sshrl.u32 s1, $0x2  }
0xbb: {  	s3 =	sand.u32 $0x4000, s31;
	s1 =	sadd.s32 s1, s30  }
0xbc: {  	s0 =	sor.u32 s3, s0;
	s1 =	sshll.u32 s1, $0x11  }
0xbd: {  	s0 =	sor.u32 s1, s0  }
0xbe: {  	s0 =	sadd.s32 $0x8F2B, s0  }
0xbf: {  	[sflag:s0] =	ssyncadd.remote.s32 $0x1  }
0xc0: {  	_ =	sfence.sel $0xFFFF  }
0xc1: {  	[dreg:$0x0] =	wrdreg $0xFFFFFFFF;
	(pc) =	sbr.abs _section_cstart, $3  }
0xc2: {  	[dreg:$0x1] =	wrdreg $0xFFFFFFFF  }
0xc3: {  	_ =	task.clear_ibuf [dreg:s7], $0x2FFFF;
	_ =	strace $0x9FFFFFFF  }
0xc4: {  	(tm) =	ssettm $0x7FFFFFFF  }
0xc5: {  	_ =	shalt  }
tec
execute0_lowered:
.L_overlay_start_1:
0x0: {  	(tag) =	ssettag $0x1  }
0x1: {  	s0 =	rddreg [dreg:$0x0]  }
0x2: {  	s1 =	srdreg.scid;
	s6 =	rddreg [dreg:$0x1]  }
0x3: {  	s2 =	rddreg [dreg:$0x2];
	s12 =	stileid.u32  }
0x4: {  	s3 =	rddreg [dreg:$0x3];
	s22 =	simm.s32 $0x5000;
	s23 =	simm.s32 $0x80  }
0x5: {  	s24 =	simm.s32 $0x6800;
	s26 =	simm.s32 $0x8000;
	s28 =	simm.s32 $0x1  }
0x6: {  	s29 =	simm.s32 $0x2;
	s30 =	simm.s32 $0x3;
	s1 =	sand.u32 $0x1, s1  }
0x7: {  	s8 =	smul.u32 $0x7530, s12;
	s4 =	sshll.u32 s1, $0x4;
	s10 =	ssub.s32 $0x2, s1  }
0x8: {  	s1 =	smul.u32 $0x78000, s1;
	s5 =	sor.u32 s12, s4;
	s4 =	simm.s32 $0x0  }
0x9: {  	s9 =	sshrl.u32 s8, $0x3;
	s11 =	sshrl.u32 s10, $0x1;
	s12 =	smul.u32 $0x7800, s12  }
0xa: {  	s20 =	sadd.s32 s8, s2;
	s7 =	smul.u32 $0x500, s5;
	[smem:$0x7FF] =	sst s4  }
0xb: {  	s9 =	sadd.s32 s9, s0;
	s18 =	ssub.s32 s10, s11;
	s21 =	sshrl.u32 s20, $0x3  }
0xc: {  	_ =	strace $0x8000004D;
	s8 =	sadd.s32 s12, s3;
	s13 =	sadd.s32 $0x1800, s12  }
0xd: {  	s15 =	sadd.s32 $0x3000, s12;
	s16 =	sadd.s32 $0x4800, s12;
	s14 =	sadd.s32 s12, s1  }
0xe: {  	s17 =	sadd.s32 $0x6000, s12;
	s18 =	smax.u32 s18, $0x1;
	s5 =	sadd.s32 s7, s0  }
0xf: {  	s0 =	sadd.s32 $0x74600, s0;
	s6 =	sadd.s32 s6, s7;
	s7 =	sadd.s32 $0x65A00, s9  }
0x10: {  	s9 =	sadd.s32 s13, s3;
	s10 =	sadd.s32 s15, s3;
	s11 =	sadd.s32 s16, s3  }
0x11: {  	s14 =	sshrl.u32 s14, $0x3;
	s19 =	sadd.s32 s1, s13;
	s12 =	sadd.s32 s17, s3  }
0x12: {  	s15 =	sadd.s32 s1, s15;
	s16 =	sadd.s32 s1, s16;
	s1 =	sadd.s32 s1, s17  }
0x13: {  	s5 =	sadd.s32 $0xBA00, s5;
	s13 =	sadd.s32 s0, s14;
	s31 =	sshrl.u32 s19, $0x3  }
0x14: {  	s15 =	sshrl.u32 s15, $0x3;
	s16 =	sshrl.u32 s16, $0x3;
	s1 =	sshrl.u32 s1, $0x3  }
0x15: {  	s19 =	simm.s32 $0x4;
	s14 =	sadd.s32 s0, s31;
	s15 =	sadd.s32 s0, s15  }
0x16: {  	v0 =	vimm.f32 $0.0e+00;
	s16 =	sadd.s32 s0, s16;
	s17 =	sadd.s32 s0, s1;
	s0 =	simm.s32 $0x0  }
.LBB2_1:
0x17: {  	[tilespmem:s4], [sflag:$0x4] =	stream.linear.gather [hbm4b:s5+s4], $0x2800, $0x38;
	[tilespmem:$0x18530] =	vst v63  }
0x18: {  	_ =	swait.ge [sflag:s19], $0x2800  }
0x19: {  	[sflag:s19] =	ssyncset.done $0x0  }
0x1a: {  	s1 =	simm.s32 $0x2800;
	[sflag:s19] =	ssyncadd.s32 $0xFFFFD800  }
0x1b: {  	[tilespmem:s1], [sflag:$0x4] =	stream.linear.gather [hbm4b:s6+s4], $0x2800, $0x38;
	[tilespmem:$0x18530] =	vst v63  }
0x1c: {  	s25 =	stileid.u32;
	_ =	swait.ge [sflag:s19], $0x2800  }
0x1d: {  	s20 =	sshll.u32 s25, $0x6;
	[sflag:s19] =	ssyncset.done $0x0  }
0x1e: {  	s20 =	sor.u32 $0x1C04, s20;
	[sflag:s19] =	ssyncadd.s32 $0xFFFFD800  }
0x1f: {  	[spmem:s21], [sflag:s20] =	dma.local [hbm:s7], $0xEA6  }
0x20: {  	_ =	swait.ge [sflag:s19], $0xEA6  }
0x21: {  	[sflag:s19] =	ssyncset.done $0x0  }
0x22: {  	s31 =	simm.s32 $0x0;
	s25 =	simm.s32 $0xC0;
	[sflag:s19] =	ssyncadd.s32 $0xFFFFF15A  }
.LBB2_2:
0x23: {  	p0 =	sne.s32 s25, $0x5F40;
	[tilespmem:s31+$0x5020] =	vst v0;
	s1 =	smov.u32 s25;
	s25 =	sadd.s32 $0xC0, s25  }
.Ltmp0:
0x24: {  	[tilespmem:s31+$0x5000] =	vst v0;
	(pc) =	sbr.rel @p0 .LBB2_2-.Ltmp0, $2  }
0x25: {  	[tilespmem:s31+$0x5010] =	vst v0;
	_ =	sdelay $0x2  }
0x26: {  	s31 =	sshra.s32 s1, $0x2  }
0x27: {  	[tilespmem:s31+$0x5020] =	vst v0  }
0x28: {  	[tilespmem:s31+$0x5000] =	vst v0  }
0x29: {  	[tilespmem:s31+$0x5010] =	vst v0  }
0x2a: {  	[spmem:s8] =	stream.linear.scatter [tilespmem:s22], [sflag:$0x4], $0x1800, $0x38;
	[tilespmem:$0x18530] =	vst v63  }
0x2b: {  	_ =	swait.ge [sflag:s19], $0x1800  }
0x2c: {  	[sflag:s19] =	ssyncset.done $0x0  }
0x2d: {  	[sflag:s19] =	ssyncadd.s32 $0xFFFFE800  }
0x2e: {  	[spmem:s9] =	stream.linear.scatter [tilespmem:s22], [sflag:$0x4], $0x1800, $0x38;
	[tilespmem:$0x18530] =	vst v63  }
0x2f: {  	_ =	swait.ge [sflag:s19], $0x1800  }
0x30: {  	[sflag:s19] =	ssyncset.done $0x0  }
0x31: {  	[sflag:s19] =	ssyncadd.s32 $0xFFFFE800  }
0x32: {  	[spmem:s10] =	stream.linear.scatter [tilespmem:s22], [sflag:$0x4], $0x1800, $0x38;
	[tilespmem:$0x18530] =	vst v63  }
0x33: {  	_ =	swait.ge [sflag:s19], $0x1800  }
0x34: {  	[sflag:s19] =	ssyncset.done $0x0  }
0x35: {  	[sflag:s19] =	ssyncadd.s32 $0xFFFFE800  }
0x36: {  	[spmem:s11] =	stream.linear.scatter [tilespmem:s22], [sflag:$0x4], $0x1800, $0x38;
	[tilespmem:$0x18530] =	vst v63  }
0x37: {  	_ =	swait.ge [sflag:s19], $0x1800  }
0x38: {  	[sflag:s19] =	ssyncset.done $0x0  }
0x39: {  	[sflag:s19] =	ssyncadd.s32 $0xFFFFE800  }
0x3a: {  	[spmem:s12] =	stream.linear.scatter [tilespmem:s22], [sflag:$0x4], $0x1800, $0x38;
	[tilespmem:$0x18530] =	vst v63  }
0x3b: {  	_ =	swait.ge [sflag:s19], $0x1800  }
0x3c: {  	[sflag:s19] =	ssyncset.done $0x0  }
0x3d: {  	[sflag:s19] =	ssyncadd.s32 $0xFFFFE800  }
0x3e: {  	s1 =	simm.s32 $0x0;
	[bflag:$0x0] =	sbarrier.arrive $0xFFFF  }
0x3f: {  	[tilespmem:s22], [sflag:$0x1] =	stream.indirect.gather [spmem:s2], $0x30, s1, s23, $0xb8;
	[tilespmem:$0x18530] =	vst v63  }
0x40: {  	_ = 	snop  }
0x41: {  	[tilespmem:s24], [sflag:$0x2] =	stream.indirect.gather [spmem:s2], $0x30, s23, s23, $0xb8;
	[tilespmem:$0x18530] =	vst v63  }
0x42: {  	s25 =	simm.s32 $0x100  }
0x43: {  	[tilespmem:s26], [sflag:$0x3] =	stream.indirect.gather [spmem:s2], $0x30, s25, s23, $0xb8;
	[tilespmem:$0x18530] =	vst v63  }
0x44: {  	_ =	swait.ge [sflag:s28], $0x1800  }
0x45: {  	[sflag:s28] =	ssyncset.done $0x0  }
0x46: {  	s25 =	simm.s32 $0x2800;
	[sflag:s28] =	ssyncadd.s32 $0xFFFFE800  }
0x47: {  	[spmem:s3] =	stream.indirect.scatter.add.f32 [tilespmem:s22], [sflag:$0x4], $0x30, s25, s23, $0xb8;
	[tilespmem:$0x18530] =	vst v63  }
0x48: {  	_ =	swait.ge [sflag:s19], $0x1800  }
0x49: {  	[sflag:s19] =	ssyncset.done $0x0  }
0x4a: {  	s25 =	simm.s32 $0x180;
	[sflag:s19] =	ssyncadd.s32 $0xFFFFE800  }
0x4b: {  	[tilespmem:s22], [sflag:$0x1] =	stream.indirect.gather [spmem:s2], $0x30, s25, s23, $0xb8;
	[tilespmem:$0x18530] =	vst v63  }
0x4c: {  	_ =	swait.ge [sflag:s29], $0x1800  }
0x4d: {  	[sflag:s29] =	ssyncset.done $0x0  }
0x4e: {  	s25 =	simm.s32 $0x2880;
	[sflag:s29] =	ssyncadd.s32 $0xFFFFE800  }
0x4f: {  	[spmem:s3] =	stream.indirect.scatter.add.f32 [tilespmem:s24], [sflag:$0x4], $0x30, s25, s23, $0xb8;
	[tilespmem:$0x18530] =	vst v63  }
0x50: {  	_ =	swait.ge [sflag:s19], $0x1800  }
0x51: {  	[sflag:s19] =	ssyncset.done $0x0  }
0x52: {  	s25 =	simm.s32 $0x200;
	[sflag:s19] =	ssyncadd.s32 $0xFFFFE800  }
0x53: {  	[tilespmem:s24], [sflag:$0x2] =	stream.indirect.gather [spmem:s2], $0x30, s25, s23, $0xb8;
	[tilespmem:$0x18530] =	vst v63  }
0x54: {  	_ =	swait.ge [sflag:s30], $0x1800  }
0x55: {  	[sflag:s30] =	ssyncset.done $0x0  }
0x56: {  	s25 =	simm.s32 $0x2900;
	[sflag:s30] =	ssyncadd.s32 $0xFFFFE800  }
0x57: {  	[spmem:s3] =	stream.indirect.scatter.add.f32 [tilespmem:s26], [sflag:$0x4], $0x30, s25, s23, $0xb8;
	[tilespmem:$0x18530] =	vst v63  }
0x58: {  	_ =	swait.ge [sflag:s19], $0x1800  }
0x59: {  	[sflag:s19] =	ssyncset.done $0x0  }
0x5a: {  	s31 =	simm.s32 $0x280;
	s25 =	simm.s32 $0x600;
	[sflag:s19] =	ssyncadd.s32 $0xFFFFE800  }
.LBB2_4:
0x5b: {  	[tilespmem:s26], [sflag:$0x3] =	stream.indirect.gather [spmem:s2], $0x30, s31, s23, $0xb8;
	[tilespmem:$0x18530] =	vst v63  }
0x5c: {  	s1 =	smov.u32 s25  }
0x5d: {  	p0 =	sne.s32 s25, $0x9000;
	s25 =	sadd.s32 $0x600, s25;
	_ =	swait.ge [sflag:s28], $0x1800  }
0x5e: {  	s1 =	sshra.s32 s1, $0x2;
	[sflag:s28] =	ssyncset.done $0x0  }
0x5f: {  	s31 =	sadd.s32 $0x2800, s1;
	[sflag:s28] =	ssyncadd.s32 $0xFFFFE800  }
0x60: {  	[spmem:s3] =	stream.indirect.scatter.add.f32 [tilespmem:s22], [sflag:$0x4], $0x30, s31, s23, $0xb8;
	[tilespmem:$0x18530] =	vst v63  }
0x61: {  	_ =	swait.ge [sflag:s19], $0x1800  }
0x62: {  	[sflag:s19] =	ssyncset.done $0x0  }
0x63: {  	s31 =	sadd.s32 $0x180, s1;
	[sflag:s19] =	ssyncadd.s32 $0xFFFFE800  }
0x64: {  	[tilespmem:s22], [sflag:$0x1] =	stream.indirect.gather [spmem:s2], $0x30, s31, s23, $0xb8;
	[tilespmem:$0x18530] =	vst v63  }
0x65: {  	_ =	swait.ge [sflag:s29], $0x1800  }
0x66: {  	[sflag:s29] =	ssyncset.done $0x0  }
0x67: {  	s31 =	sadd.s32 $0x2880, s1;
	[sflag:s29] =	ssyncadd.s32 $0xFFFFE800  }
0x68: {  	[spmem:s3] =	stream.indirect.scatter.add.f32 [tilespmem:s24], [sflag:$0x4], $0x30, s31, s23, $0xb8;
	[tilespmem:$0x18530] =	vst v63  }
0x69: {  	_ =	swait.ge [sflag:s19], $0x1800  }
0x6a: {  	[sflag:s19] =	ssyncset.done $0x0  }
0x6b: {  	s31 =	sadd.s32 $0x200, s1;
	[sflag:s19] =	ssyncadd.s32 $0xFFFFE800  }
0x6c: {  	[tilespmem:s24], [sflag:$0x2] =	stream.indirect.gather [spmem:s2], $0x30, s31, s23, $0xb8;
	[tilespmem:$0x18530] =	vst v63  }
0x6d: {  	_ =	swait.ge [sflag:s30], $0x1800  }
0x6e: {  	[sflag:s30] =	ssyncset.done $0x0  }
.Ltmp1:
0x6f: {  	s31 =	sadd.s32 $0x2900, s1;
	[sflag:s30] =	ssyncadd.s32 $0xFFFFE800;
	(pc) =	sbr.rel @p0 .LBB2_4-.Ltmp1, $4  }
0x70: {  	[spmem:s3] =	stream.indirect.scatter.add.f32 [tilespmem:s26], [sflag:$0x4], $0x30, s31, s23, $0xb8;
	[tilespmem:$0x18530] =	vst v63  }
0x71: {  	_ =	swait.ge [sflag:s19], $0x1800  }
0x72: {  	[sflag:s19] =	ssyncset.done $0x0  }
0x73: {  	s31 =	sadd.s32 $0x280, s1;
	[sflag:s19] =	ssyncadd.s32 $0xFFFFE800  }
0x74: {  	[tilespmem:s26], [sflag:$0x3] =	stream.indirect.gather [spmem:s2], $0x30, s31, s23, $0xb8;
	[tilespmem:$0x18530] =	vst v63  }
0x75: {  	_ =	swait.ge [sflag:s28], $0x1800  }
0x76: {  	[sflag:s28] =	ssyncset.done $0x0  }
0x77: {  	s1 =	simm.s32 $0x4D80;
	[sflag:s28] =	ssyncadd.s32 $0xFFFFE800  }
0x78: {  	[spmem:s3] =	stream.indirect.scatter.add.f32 [tilespmem:s22], [sflag:$0x4], $0x30, s1, s23, $0xb8;
	[tilespmem:$0x18530] =	vst v63  }
0x79: {  	_ =	swait.ge [sflag:s19], $0x1800  }
0x7a: {  	[sflag:s19] =	ssyncset.done $0x0  }
0x7b: {  	s31 =	simm.s32 $0x2700;
	[sflag:s19] =	ssyncadd.s32 $0xFFFFE800  }
0x7c: {  	[tilespmem:s22], [sflag:$0x1] =	stream.indirect.gather [spmem:s2], $0x30, s31, s23, $0xb8;
	[tilespmem:$0x18530] =	vst v63  }
0x7d: {  	_ =	swait.ge [sflag:s29], $0x1800  }
0x7e: {  	[sflag:s29] =	ssyncset.done $0x0  }
0x7f: {  	s25 =	simm.s32 $0x4E00;
	[sflag:s29] =	ssyncadd.s32 $0xFFFFE800  }
0x80: {  	[spmem:s3] =	stream.indirect.scatter.add.f32 [tilespmem:s24], [sflag:$0x4], $0x30, s25, s23, $0xb8;
	[tilespmem:$0x18530] =	vst v63  }
0x81: {  	_ =	swait.ge [sflag:s19], $0x1800  }
0x82: {  	[sflag:s19] =	ssyncset.done $0x0  }
0x83: {  	s31 =	simm.s32 $0x2780;
	[sflag:s19] =	ssyncadd.s32 $0xFFFFE800  }
0x84: {  	[tilespmem:s24], [sflag:$0x2] =	stream.indirect.gather [spmem:s2], $0x30, s31, s23, $0xb8;
	[tilespmem:$0x18530] =	vst v63  }
0x85: {  	_ =	swait.ge [sflag:s30], $0x1800  }
0x86: {  	[sflag:s30] =	ssyncset.done $0x0  }
0x87: {  	s25 =	simm.s32 $0x4E80;
	[sflag:s30] =	ssyncadd.s32 $0xFFFFE800  }
0x88: {  	[spmem:s3] =	stream.indirect.scatter.add.f32 [tilespmem:s26], [sflag:$0x4], $0x30, s25, s23, $0xb8;
	[tilespmem:$0x18530] =	vst v63  }
0x89: {  	_ =	swait.ge [sflag:s19], $0x1800  }
0x8a: {  	[sflag:s19] =	ssyncset.done $0x0  }
0x8b: {  	[sflag:s19] =	ssyncadd.s32 $0xFFFFE800  }
0x8c: {  	_ =	swait.ge [sflag:s28], $0x1800  }
0x8d: {  	[sflag:s28] =	ssyncset.done $0x0  }
0x8e: {  	s31 =	simm.s32 $0x4F00;
	[sflag:s28] =	ssyncadd.s32 $0xFFFFE800  }
0x8f: {  	[spmem:s3] =	stream.indirect.scatter.add.f32 [tilespmem:s22], [sflag:$0x4], $0x30, s31, s23, $0xb8;
	[tilespmem:$0x18530] =	vst v63  }
0x90: {  	_ =	swait.ge [sflag:s19], $0x1800  }
0x91: {  	[sflag:s19] =	ssyncset.done $0x0  }
0x92: {  	[sflag:s19] =	ssyncadd.s32 $0xFFFFE800  }
0x93: {  	_ =	swait.ge [sflag:s29], $0x1800  }
0x94: {  	[sflag:s29] =	ssyncset.done $0x0  }
0x95: {  	s25 =	simm.s32 $0x4F80;
	[sflag:s29] =	ssyncadd.s32 $0xFFFFE800  }
0x96: {  	[spmem:s3] =	stream.indirect.scatter.add.f32 [tilespmem:s24], [sflag:$0x4], $0x30, s25, s23, $0xb8;
	[tilespmem:$0x18530] =	vst v63  }
0x97: {  	_ =	swait.ge [sflag:s19], $0x1800  }
0x98: {  	[sflag:s19] =	ssyncset.done $0x0  }
0x99: {  	[sflag:s19] =	ssyncadd.s32 $0xFFFFE800  }
0x9a: {  	s31 =	sshrl.u32 s8, $0x3;
	[bflag:$0x0] =	sbarrier.arrive $0xFFFF  }
0x9b: {  	[hbm:s13], [sflag:s20] =	dma.local [spmem:s31], $0x300  }
0x9c: {  	_ =	swait.ge [sflag:s19], $0x300  }
0x9d: {  	[sflag:s19] =	ssyncset.done $0x0  }
0x9e: {  	s25 =	sshrl.u32 s9, $0x3;
	[sflag:s19] =	ssyncadd.s32 $0xFFFFFD00  }
0x9f: {  	[hbm:s14], [sflag:s20] =	dma.local [spmem:s25], $0x300  }
0xa0: {  	_ =	swait.ge [sflag:s19], $0x300  }
0xa1: {  	[sflag:s19] =	ssyncset.done $0x0  }
0xa2: {  	s31 =	sshrl.u32 s10, $0x3;
	[sflag:s19] =	ssyncadd.s32 $0xFFFFFD00  }
0xa3: {  	[hbm:s15], [sflag:s20] =	dma.local [spmem:s31], $0x300  }
0xa4: {  	_ =	swait.ge [sflag:s19], $0x300  }
0xa5: {  	[sflag:s19] =	ssyncset.done $0x0  }
0xa6: {  	s25 =	sshrl.u32 s11, $0x3;
	[sflag:s19] =	ssyncadd.s32 $0xFFFFFD00  }
0xa7: {  	[hbm:s16], [sflag:s20] =	dma.local [spmem:s25], $0x300  }
0xa8: {  	s0 =	sadd.s32 $0x1, s0;
	_ =	swait.ge [sflag:s19], $0x300  }
0xa9: {  	p0 =	sne.s32 s0, s18;
	[sflag:s19] =	ssyncset.done $0x0  }
.Ltmp2:
0xaa: {  	s31 =	sshrl.u32 s12, $0x3;
	[sflag:s19] =	ssyncadd.s32 $0xFFFFFD00;
	(pc) =	sbr.rel @p0 .LBB2_1-.Ltmp2, $4  }
0xab: {  	[hbm:s17], [sflag:s20] =	dma.local [spmem:s31], $0x300  }
0xac: {  	_ =	swait.ge [sflag:s19], $0x300  }
0xad: {  	[sflag:s19] =	ssyncset.done $0x0  }
0xae: {  	[sflag:s19] =	ssyncadd.s32 $0xFFFFFD00  }
0xaf: {  	_ =	sfence.sel $0x180000  }
0xb0: {  	[bflag:$0x0] =	sbarrier.arrive $0xFFFF  }
0xb1: {  	_ =	strace $0x9000004D  }
0xb2: {  	s0 =	stileid.u32;
	[bflag:$0x2] =	sbarrier.arrive $0xFFFF  }
0xb3: {  	p0 =	sne.s32 s0, $0x0;
	s0 =	rddreg [dreg:$0x4]  }
0xb4: {  	s0 =	sadd.s32 @!p0 $0x100000, s0  }
0xb5: {  	[sflag:s0] =	ssyncadd.tile.s32 @!p0 $0x1;
	_ =	shalt  }
.Lfunc_end2:
_tile_overlayer_lowered:
.L_overlay_start_2:
0xb6: {  	(tag) =	ssettag $0x2  }
0xb7: {  	s0 =	rddreg [dreg:$0x0];
	s2 =	stileid.u32  }
0xb8: {  	s1 =	rddreg [dreg:$0x1];
	p0 =	sne.s32 s2, $0x0  }
0xb9: {  	s3 =	rddreg [dreg:$0x2];
	[bflag:$0x3] =	sbarrier.arrive $0xFFFF;
	s2 =	simm.s32 @!p0 $0x1C04  }
0xba: {  	[timem:s3], [sflag:s2] =	dma.local @!p0 [hbm:s0], s1  }
0xbb: {  	s0 =	simm.s32 @!p0 $0x4  }
0xbc: {  	_ =	swait.ge @!p0 [sflag:s0], s1  }
0xbd: {  	s1 =	ssub.s32 @!p0 $0x0, s1;
	[sflag:s0] =	ssyncset.done @!p0 $0x0  }
0xbe: {  	[sflag:s0] =	ssyncadd.s32 @!p0 s1  }
0xbf: {  	[bflag:$0x3] =	sbarrier.arrive $0xFFFF  }
0xc0: {  	_ =	shalt  }

// kernel: kernel.9.cloned.1.call-start
scs
__scs_entry_jumppad:
0x0: {  	(pc) =	sbr.rel $0x88, $3  }
0x1: {  	(tag) =	ssettag $0x0;
	lr =	simm.s32 $0x1  }
0x2: {  	[smem:$0x3F9B] =	sst lr;
	_ =	strace $0xD0000000  }
0x3: {  	_ = 	snop  }
0x4: {  	_ = 	snop  }
0x5: {  	_ = 	snop  }
0x6: {  	_ = 	snop  }
0x7: {  	_ = 	snop  }
__scs_overlays_trampoline_lowered:
0x8: {  	[smem:$0x3FAA] =	sst s0  }
0x9: {  	[smem:$0x3FAB] =	sst s1  }
0xa: {  	[smem:$0x3FAC] =	sst s2  }
0xb: {  	[smem:$0x3FAD] =	sst s3  }
0xc: {  	[smem:$0x3FAE] =	sst s4  }
0xd: {  	[smem:$0x3FAF] =	sst s5  }
0xe: {  	[smem:$0x3FB0] =	sst s6  }
0xf: {  	[smem:$0x3FB1] =	sst s7  }
0x10: {  	[smem:$0x3FB2] =	sst s8  }
0x11: {  	[smem:$0x3FB3] =	sst s9;
	s0 =	simm.s32 @!p0 $0x0  }
0x12: {  	s1 =	sld [smem:$0x3F99];
	s0 =	simm.s32 @p0 $0x1  }
0x13: {  	[smem:$0x3FB4] =	sst s0;
	s0 =	simm.s32 @!p1 $0x0  }
0x14: {  	s2 =	sld [smem:$0x3F98];
	s0 =	simm.s32 @p1 $0x1  }
0x15: {  	[smem:$0x3FB5] =	sst s0;
	s0 =	simm.s32 @!p2 $0x0  }
0x16: {  	s3 =	sld [smem:$0x3FDB];
	s0 =	simm.s32 @p2 $0x1  }
0x17: {  	s4 =	simm.s32 $0x1BF5;
	[smem:$0x3FB7] =	sst s0  }
0x18: {  	s0 =	sld [smem:$0x3F9A];
	_ =	swait.ge [sflag:s4], $0x0  }
0x19: {  	s7 =	sld [smem:$0x3F9B]  }
0x1a: {  	s8 =	sadd.s32 $0xFFFFE003, lr  }
0x1b: {  	s9 =	sadd.s32 $0xFFFFFEF7, lr;
	s5 =	simm.s32 $0xFFFFFFFF;
	p2 =	slt.u32 s8, $0xFFFFF086  }
0x1c: {  	p1 =	slt.u32 s9, $0xF7A;
	s5 =	simm.s32 @!p2 $0x0  }
0x1d: {  	s5 =	simm.s32 @p1 $0x1;
	p0 =	seq.s32 s7, s2  }
0x1e: {  	s7 =	smul.u32 @!p0 $0xF7A, s2;
	p2 =	seq.s32 @!p0 s5, $0x0  }
0x1f: {  	s9 =	smul.u32 $0xF7A, s1;
	s8 =	simm.s32 @!p0 $0x1BF5;
	p2 =	por !p2, p0  }
0x20: {  	[sflag:s8] =	ssyncset.s32 @!p0 $0xFFFFF086;
	s6 =	sadd.s32 @!p0 s3, s7;
	s7 =	simm.s32 @!p0 $0x108  }
0x21: {  	s3 =	sadd.s32 s3, s9;
	s6 =	sadd.s32 @!p0 $0x88, s6;
	s7 =	simm.s32 @p2 $0x1082  }
0x22: {  	[simem:s7], [sflag:s8] =	dma.local @!p0 [hbm:s6], $0xF7A  }
0x23: {  	s9 =	sor.u32 $0xD0000000, s2;
	s6 =	simm.s32 $0x108;
	_ =	swait.ge @!p0 [sflag:s8], $0x0  }
0x24: {  	s3 =	sadd.s32 $0x88, s3;
	s6 =	simm.s32 @!p1 $0x1082;
	[sflag:s4] =	ssyncset.s32 $0xFFFFF086  }
0x25: {  	[simem:s6], [sflag:s4] =	dma.local [hbm:s3], $0xF7A  }
0x26: {  	[smem:$0x3F9B] =	sst s1;
	(tag) =	ssettag s2;
	_ =	strace s9  }
0x27: {  	s1 =	sld [smem:$0x3FAB]  }
0x28: {  	s2 =	sld [smem:$0x3FAC]  }
0x29: {  	s4 =	sld [smem:$0x3FAE]  }
0x2a: {  	p0 =	seq.s32 s5, $0x0;
	s5 =	sld [smem:$0x3FAF]  }
0x2b: {  	s6 =	sld [smem:$0x3FB0]  }
0x2c: {  	s7 =	sld [smem:$0x3FB1]  }
0x2d: {  	s3 =	simm.s32 $0x108;
	s8 =	sld [smem:$0x3FB2]  }
0x2e: {  	s3 =	simm.s32 @!p0 $0x1082;
	s9 =	sld [smem:$0x3FB3]  }
0x2f: {  	lr =	sadd.s32 s0, s3;
	s0 =	sld [smem:$0x3FAA]  }
0x30: {  	s3 =	sld [smem:$0x3FAD]  }
0x31: {  	[smem:$0x3FB6] =	sst s10  }
0x32: {  	s10 =	sld [smem:$0x3FB4];
	_ =	sdelay $0x3  }
0x33: {  	p0 =	seq.s32 s10, $0x1;
	s10 =	sld [smem:$0x3FB6];
	_ =	sdelay $0x3  }
0x34: {  	[smem:$0x3FB6] =	sst s10  }
0x35: {  	s10 =	sld [smem:$0x3FB5];
	_ =	sdelay $0x3  }
0x36: {  	p1 =	seq.s32 s10, $0x1;
	s10 =	sld [smem:$0x3FB6];
	_ =	sdelay $0x3  }
0x37: {  	[smem:$0x3FB6] =	sst s10  }
0x38: {  	s10 =	sld [smem:$0x3FB7]  }
0x39: {  	_ = 	snop;
	(pc) =	sbr.ind lr, $3  }
0x3a: {  	_ = 	snop  }
0x3b: {  	_ = 	snop  }
0x3c: {  	p2 =	seq.s32 s10, $0x1;
	s10 =	sld [smem:$0x3FB6]  }
0x3d: {  	_ =	shalt  }
0x3e: {  	_ =	shalt  }
0x3f: {  	_ =	shalt  }
0x40: {  	_ =	shalt  }
0x41: {  	_ =	shalt  }
0x42: {  	_ =	shalt  }
0x43: {  	_ =	shalt  }
0x44: {  	_ =	shalt  }
0x45: {  	_ =	shalt  }
0x46: {  	_ =	shalt  }
0x47: {  	_ =	shalt  }
0x48: {  	_ =	shalt  }
0x49: {  	_ =	shalt  }
0x4a: {  	_ =	shalt  }
0x4b: {  	_ =	shalt  }
0x4c: {  	_ =	shalt  }
0x4d: {  	_ =	shalt  }
0x4e: {  	_ =	shalt  }
0x4f: {  	_ =	shalt  }
0x50: {  	_ =	shalt  }
0x51: {  	_ =	shalt  }
0x52: {  	_ =	shalt  }
0x53: {  	_ =	shalt  }
0x54: {  	_ =	shalt  }
0x55: {  	_ =	shalt  }
0x56: {  	_ =	shalt  }
0x57: {  	_ =	shalt  }
0x58: {  	_ =	shalt  }
0x59: {  	_ =	shalt  }
0x5a: {  	_ =	shalt  }
0x5b: {  	_ =	shalt  }
0x5c: {  	_ =	shalt  }
0x5d: {  	_ =	shalt  }
0x5e: {  	_ =	shalt  }
0x5f: {  	_ =	shalt  }
0x60: {  	_ =	shalt  }
0x61: {  	_ =	shalt  }
0x62: {  	_ =	shalt  }
0x63: {  	_ =	shalt  }
0x64: {  	_ =	shalt  }
0x65: {  	_ =	shalt  }
0x66: {  	_ =	shalt  }
0x67: {  	_ =	shalt  }
0x68: {  	_ =	shalt  }
0x69: {  	_ =	shalt  }
0x6a: {  	_ =	shalt  }
0x6b: {  	_ =	shalt  }
0x6c: {  	_ =	shalt  }
0x6d: {  	_ =	shalt  }
0x6e: {  	_ =	shalt  }
0x6f: {  	_ =	shalt  }
0x70: {  	_ =	shalt  }
0x71: {  	_ =	shalt  }
0x72: {  	_ =	shalt  }
0x73: {  	_ =	shalt  }
0x74: {  	_ =	shalt  }
0x75: {  	_ =	shalt  }
0x76: {  	_ =	shalt  }
0x77: {  	_ =	shalt  }
0x78: {  	_ =	shalt  }
0x79: {  	_ =	shalt  }
0x7a: {  	_ =	shalt  }
0x7b: {  	_ =	shalt  }
0x7c: {  	_ =	shalt  }
0x7d: {  	_ =	shalt  }
0x7e: {  	_ =	shalt  }
0x7f: {  	_ =	shalt  }
0x80: {  	_ =	shalt  }
0x81: {  	_ =	shalt  }
0x82: {  	_ =	shalt  }
0x83: {  	_ =	shalt  }
0x84: {  	_ =	shalt  }
0x85: {  	_ =	shalt  }
0x86: {  	_ =	shalt  }
0x87: {  	_ =	shalt  }
.Lfunc_end0:
.L_simem_size_0:
called_computation_lowered:
.L_overlay_start_0:
0x88: {  	s2 =	sld [smem:$0x3FD9]  }
0x89: {  	s3 =	sld [smem:$0x3FFE];
	_ =	sdelay $0x1  }
0x8a: {  	s1 =	srdreg.scid  }
0x8b: {  	s0 =	sand.u32 $0x1, s1  }
0x8c: {  	s17 =	sshll.u32 s0, $0xA;
	s2 =	sadd.s32 s3, s2  }
0x8d: {  	s2 =	sadd.s32 s2, s17  }
0x8e: {  	[smem:$0x3FC2] =	sst s2  }
0x8f: {  	_ = 	snop  }
0x90: {  	s2 =	sld [smem:$0x3FD0];
	(tm) =	ssettm $0x1  }
0x91: {  	s18 =	sld [smem:$0x3FFB];
	_ =	sdelay $0x3  }
0x92: {  	_ =	strace s18  }
0x93: {  	s3 =	sld [smem:$0x3FFC];
	_ =	sdelay $0x3  }
0x94: {  	_ =	strace s3  }
0x95: {  	s3 =	sld [smem:$0x3FFD];
	_ =	sdelay $0x3  }
0x96: {  	_ =	strace s3  }
0x97: {  	_ =	strace $0x8FFFFFFF  }
0x98: {  	s19 =	sld [smem:$0x3FDB];
	_ =	sdelay $0x1  }
0x99: {  	s4 =	simm.s32 $_scs_section_size  }
0x9a: {  	s5 =	simm.s32 $_size__tile_overlayer_lowered;
	s6 =	simm.s32 $_tile_overlayer_lowered  }
0x9b: {  	s22 =	simm.s32 $0x1BFF;
	s21 =	sshll.u32 s6, $0x1;
	s3 =	sadd.s32 s4, s19  }
0x9c: {  	s7 =	simm.s32 $0x0;
	s20 =	sshll.u32 s5, $0x1;
	s5 =	sadd.s32 s21, s3  }
0x9d: {  	[timem:s7], [sflag:s22] =	dma.local [hbm:s5], s20  }
0x9e: {  	_ =	swait.ge [sflag:s22], s20  }
0x9f: {  	s4 =	ssub.s32 $0x0, s20;
	[sflag:s22] =	ssyncset.done $0x0  }
0xa0: {  	[sflag:s22] =	ssyncadd.s32 s4;
	_ =	sdelay $0x1  }
0xa1: {  	s23 =	simm.s32 $0x1B8B  }
0xa2: {  	_ =	swait.ge [sflag:s23], $0x1  }
0xa3: {  	[sflag:s23] =	ssyncset.done $0x0  }
0xa4: {  	s25 =	simm.s32 $0x1B8E;
	s24 =	sld [smem:$0x3FFE];
	[sflag:s23] =	ssyncadd.s32 $0xFFFFFFFF  }
0xa5: {  	s26 =	simm.s32 $execute0_lowered;
	[smem:$0x3FD2] =	sst s25  }
0xa6: {  	s5 =	sshll.u32 s26, $0x1;
	_ =	strace $0x80000046;
	[dreg:$0x1] =	wrdreg $0xFFFFFFFF  }
0xa7: {  	s28 =	simm.s32 $_size_execute0_lowered;
	s3 =	sadd.s32 s3, s5;
	[dreg:$0x0] =	wrdreg $0x0  }
0xa8: {  	s5 =	sshll.u32 s28, $0x1;
	[dreg:$0x2] =	wrdreg s3  }
0xa9: {  	[dreg:$0x3] =	wrdreg s5  }
0xaa: {  	[dreg:$0x4] =	wrdreg $0xC0  }
0xab: {  	_ =	task [dreg:s7], $0x5FFFF  }
0xac: {  	[dreg:$0x1] =	wrdreg $0xFFFFFFFF  }
0xad: {  	[dreg:$0x0] =	wrdreg $0x60  }
0xae: {  	[dreg:$0x2] =	wrdreg s2  }
0xaf: {  	[dreg:$0x3] =	wrdreg s24  }
0xb0: {  	[dreg:$0x4] =	wrdreg $0x38000  }
0xb1: {  	[dreg:$0x5] =	wrdreg $0x9  }
0xb2: {  	_ =	task.clear_ibuf [dreg:s7], $0x6FFFF;
	_ =	strace $0x90000046  }
0xb3: {  	s29 =	simm.s32 $0x9;
	_ =	strace $0x80000048  }
0xb4: {  	_ =	swait.ge [sflag:s29], $0x1  }
0xb5: {  	[sflag:s29] =	ssyncadd.s32 $0xFFFFFFFF  }
0xb6: {  	_ =	strace $0x90000048  }
0xb7: {  	_ =	sfence  }
0xb8: {  	s30 =	sld [smem:$0x0];
	_ =	sdelay $0x2  }
0xb9: {  	s31 =	sshll.u32 s1, $0xD;
	s1 =	sshrl.u32 s1, $0x2  }
0xba: {  	s3 =	sand.u32 $0x4000, s31;
	s1 =	sadd.s32 s1, s30  }
0xbb: {  	s0 =	sor.u32 s3, s0;
	s1 =	sshll.u32 s1, $0x11  }
0xbc: {  	s0 =	sor.u32 s1, s0  }
0xbd: {  	s0 =	sadd.s32 $0x8F2B, s0  }
0xbe: {  	[sflag:s0] =	ssyncadd.remote.s32 $0x1  }
0xbf: {  	_ =	sfence.sel $0xFFFF  }
0xc0: {  	[dreg:$0x0] =	wrdreg $0xFFFFFFFF;
	(pc) =	sbr.abs _section_cstart, $3  }
0xc1: {  	[dreg:$0x1] =	wrdreg $0xFFFFFFFF  }
0xc2: {  	_ =	task.clear_ibuf [dreg:s7], $0x2FFFF;
	_ =	strace $0x9FFFFFFF  }
0xc3: {  	(tm) =	ssettm $0x7FFFFFFF  }
tec
execute0_lowered:
.L_overlay_start_1:
0x0: {  	(tag) =	ssettag $0x1  }
0x1: {  	s4 =	rddreg [dreg:$0x0]  }
0x2: {  	s5 =	rddreg [dreg:$0x1]  }
0x3: {  	s0 =	srdreg.scid;
	s2 =	rddreg [dreg:$0x2];
	s3 =	simm.s32 $0x0  }
0x4: {  	s19 =	simm.s32 $0x2800;
	s20 =	simm.s32 $0x0;
	s6 =	sand.u32 $0x1, s0  }
0x5: {  	s0 =	stileid.u32;
	[smem:$0x7FF] =	sst s3;
	s14 =	sadd.s32 $0x1A00, s5  }
0x6: {  	s1 =	sshll.u32 s6, $0x4;
	s8 =	ssub.s32 $0x2, s6;
	s9 =	smul.u32 $0x2800, s0  }
0x7: {  	s13 =	smul.u32 $0x28000, s6;
	s7 =	sor.u32 s0, s1;
	s1 =	rddreg [dreg:$0x3]  }
0x8: {  	_ =	strace $0x80000047;
	s31 =	sshrl.u32 s8, $0x1;
	s7 =	smul.u32 $0x500, s7  }
0x9: {  	s15 =	ssub.s32 s8, s31;
	s5 =	sadd.s32 s9, s2;
	s10 =	sadd.s32 $0x800, s9  }
0xa: {  	s12 =	sadd.s32 $0x1000, s9;
	s16 =	sadd.s32 $0x1800, s9;
	s11 =	sadd.s32 s9, s13  }
0xb: {  	s17 =	sadd.s32 $0x2000, s9;
	s6 =	sadd.s32 s10, s2;
	s8 =	sadd.s32 s16, s2  }
0xc: {  	s10 =	sadd.s32 s13, s10;
	s11 =	sshrl.u32 s11, $0x3;
	s9 =	sadd.s32 s17, s2  }
0xd: {  	s16 =	sadd.s32 s13, s16;
	s15 =	smax.u32 s15, $0x1;
	s4 =	sadd.s32 s4, s7  }
0xe: {  	s7 =	sadd.s32 s12, s2;
	s18 =	sshrl.u32 s10, $0x3;
	s10 =	sadd.s32 s14, s11  }
0xf: {  	s12 =	sadd.s32 s13, s12;
	s13 =	sadd.s32 s13, s17;
	s16 =	sshrl.u32 s16, $0x3  }
0x10: {  	s11 =	sadd.s32 s14, s18;
	s12 =	sshrl.u32 s12, $0x3;
	s17 =	sshrl.u32 s13, $0x3  }
0x11: {  	s13 =	sadd.s32 s14, s16;
	s16 =	simm.s32 $0x1;
	s18 =	simm.s32 $0x80  }
0x12: {  	v0 =	vimm.f32 $1.000000000e+00;
	v1 =	vimm.f32 $0.0e+00;
	s12 =	sadd.s32 s14, s12;
	s14 =	sadd.s32 s14, s17;
	s17 =	simm.s32 $0x3000  }
.LBB2_1:
0x13: {  	[tilespmem:s3], [sflag:$0x1] =	stream.linear.gather [hbm4b:s4+s3], $0x2800, $0x38;
	[tilespmem:$0x6000] =	vst v63  }
0x14: {  	_ =	swait.ge [sflag:s16], $0x2800  }
0x15: {  	[sflag:s16] =	ssyncset.done $0x0  }
0x16: {  	s21 =	simm.s32 $0x40;
	s22 =	simm.s32 $0x0;
	[sflag:s16] =	ssyncadd.s32 $0xFFFFD800  }
.LBB2_2:
0x17: {  	p0 =	sne.s32 s21, $0x1FC0;
	[tilespmem:s22+$0x2800] =	vst v0;
	s23 =	smov.u32 s21;
	s21 =	sadd.s32 $0x40, s21  }
.Ltmp0:
0x18: {  	[tilespmem:s22+$0x3000] =	vst v1;
	(pc) =	sbr.rel @p0 .LBB2_2-.Ltmp0, $2  }
0x19: {  	_ =	sdelay $0x2  }
0x1a: {  	s22 =	sshra.s32 s23, $0x2  }
0x1b: {  	[tilespmem:s22+$0x2800] =	vst v0  }
0x1c: {  	[tilespmem:s22+$0x3000] =	vst v1  }
0x1d: {  	[spmem:s5] =	stream.linear.scatter [tilespmem:s17], [sflag:$0x1], $0x800, $0x38;
	[tilespmem:$0x6000] =	vst v63  }
0x1e: {  	_ =	swait.ge [sflag:s16], $0x800  }
0x1f: {  	[sflag:s16] =	ssyncset.done $0x0  }
0x20: {  	[sflag:s16] =	ssyncadd.s32 $0xFFFFF800  }
0x21: {  	[spmem:s6] =	stream.linear.scatter [tilespmem:s17], [sflag:$0x1], $0x800, $0x38;
	[tilespmem:$0x6000] =	vst v63  }
0x22: {  	_ =	swait.ge [sflag:s16], $0x800  }
0x23: {  	[sflag:s16] =	ssyncset.done $0x0  }
0x24: {  	[sflag:s16] =	ssyncadd.s32 $0xFFFFF800  }
0x25: {  	[spmem:s7] =	stream.linear.scatter [tilespmem:s17], [sflag:$0x1], $0x800, $0x38;
	[tilespmem:$0x6000] =	vst v63  }
0x26: {  	_ =	swait.ge [sflag:s16], $0x800  }
0x27: {  	[sflag:s16] =	ssyncset.done $0x0  }
0x28: {  	[sflag:s16] =	ssyncadd.s32 $0xFFFFF800  }
0x29: {  	[spmem:s8] =	stream.linear.scatter [tilespmem:s17], [sflag:$0x1], $0x800, $0x38;
	[tilespmem:$0x6000] =	vst v63  }
0x2a: {  	_ =	swait.ge [sflag:s16], $0x800  }
0x2b: {  	[sflag:s16] =	ssyncset.done $0x0  }
0x2c: {  	[sflag:s16] =	ssyncadd.s32 $0xFFFFF800  }
0x2d: {  	[spmem:s9] =	stream.linear.scatter [tilespmem:s17], [sflag:$0x1], $0x800, $0x38;
	[tilespmem:$0x6000] =	vst v63  }
0x2e: {  	_ =	swait.ge [sflag:s16], $0x800  }
0x2f: {  	[sflag:s16] =	ssyncset.done $0x0  }
0x30: {  	[sflag:s16] =	ssyncadd.s32 $0xFFFFF800  }
0x31: {  	s21 =	simm.s32 $0x0;
	[bflag:$0x0] =	sbarrier.arrive $0xFFFF  }
0x32: {  	[spmem:s2] =	stream.indirect.scatter.add.f32 [tilespmem:s19], [sflag:$0x1], $0x10, s21, s18, $0xb8;
	[tilespmem:$0x6000] =	vst v63  }
0x33: {  	_ =	swait.ge [sflag:s16], $0x800  }
0x34: {  	s21 =	simm.s32 $0x200;
	[sflag:s16] =	ssyncset.done $0x0  }
.LBB2_4:
0x35: {  	s22 =	sshra.s32 s21, $0x2;
	[sflag:s16] =	ssyncadd.s32 $0xFFFFF800;
	p0 =	sne.s32 s21, $0x9E00  }
0x36: {  	[spmem:s2] =	stream.indirect.scatter.add.f32 [tilespmem:s19], [sflag:$0x1], $0x10, s22, s18, $0xb8;
	[tilespmem:$0x6000] =	vst v63  }
.Ltmp1:
0x37: {  	_ = 	snop;
	(pc) =	sbr.rel @p0 .LBB2_4-.Ltmp1, $4  }
0x38: {  	_ = 	snop  }
0x39: {  	s21 =	sadd.s32 $0x200, s21  }
0x3a: {  	_ =	swait.ge [sflag:s16], $0x800  }
0x3b: {  	[sflag:s16] =	ssyncset.done $0x0  }
0x3c: {  	[sflag:s16] =	ssyncadd.s32 $0xFFFFF800;
	s21 =	sshll.u32 s0, $0x6  }
0x3d: {  	s22 =	sshrl.u32 s5, $0x3;
	[bflag:$0x0] =	sbarrier.arrive $0xFFFF;
	s21 =	sor.u32 $0x1C01, s21  }
0x3e: {  	[hbm:s10], [sflag:s21] =	dma.local [spmem:s22], $0x100  }
0x3f: {  	_ =	swait.ge [sflag:s16], $0x100  }
0x40: {  	[sflag:s16] =	ssyncset.done $0x0  }
0x41: {  	s28 =	sshrl.u32 s6, $0x3;
	[sflag:s16] =	ssyncadd.s32 $0xFFFFFF00  }
0x42: {  	[hbm:s11], [sflag:s21] =	dma.local [spmem:s28], $0x100  }
0x43: {  	_ =	swait.ge [sflag:s16], $0x100  }
0x44: {  	[sflag:s16] =	ssyncset.done $0x0  }
0x45: {  	s29 =	sshrl.u32 s7, $0x3;
	[sflag:s16] =	ssyncadd.s32 $0xFFFFFF00  }
0x46: {  	[hbm:s12], [sflag:s21] =	dma.local [spmem:s29], $0x100  }
0x47: {  	_ =	swait.ge [sflag:s16], $0x100  }
0x48: {  	[sflag:s16] =	ssyncset.done $0x0  }
0x49: {  	s30 =	sshrl.u32 s8, $0x3;
	[sflag:s16] =	ssyncadd.s32 $0xFFFFFF00  }
0x4a: {  	[hbm:s13], [sflag:s21] =	dma.local [spmem:s30], $0x100  }
0x4b: {  	s20 =	sadd.s32 $0x1, s20;
	_ =	swait.ge [sflag:s16], $0x100  }
0x4c: {  	p0 =	sne.s32 s20, s15;
	[sflag:s16] =	ssyncset.done $0x0  }
.Ltmp2:
0x4d: {  	s31 =	sshrl.u32 s9, $0x3;
	[sflag:s16] =	ssyncadd.s32 $0xFFFFFF00;
	(pc) =	sbr.rel @p0 .LBB2_1-.Ltmp2, $4  }
0x4e: {  	[hbm:s14], [sflag:s21] =	dma.local [spmem:s31], $0x100  }
0x4f: {  	_ =	swait.ge [sflag:s16], $0x100  }
0x50: {  	[sflag:s16] =	ssyncset.done $0x0  }
0x51: {  	[sflag:s16] =	ssyncadd.s32 $0xFFFFFF00  }
0x52: {  	_ =	sfence.sel $0x180000  }
0x53: {  	[bflag:$0x0] =	sbarrier.arrive $0xFFFF  }
0x54: {  	p0 =	sne.s32 s0, $0x0;
	_ =	strace $0x90000047  }
0x55: {  	s0 =	sadd.s32 @!p0 $0x100000, s1;
	[bflag:$0x2] =	sbarrier.arrive $0xFFFF  }
0x56: {  	[sflag:s0] =	ssyncadd.tile.s32 @!p0 $0x1;
	_ =	shalt  }
.Lfunc_end2:
_tile_overlayer_lowered:
.L_overlay_start_2:
0x57: {  	(tag) =	ssettag $0x2  }
0x58: {  	s0 =	rddreg [dreg:$0x0];
	s2 =	stileid.u32  }
0x59: {  	s1 =	rddreg [dreg:$0x1];
	p0 =	sne.s32 s2, $0x0  }
0x5a: {  	s3 =	rddreg [dreg:$0x2];
	[bflag:$0x3] =	sbarrier.arrive $0xFFFF;
	s2 =	simm.s32 @!p0 $0x1C01  }
0x5b: {  	[timem:s3], [sflag:s2] =	dma.local @!p0 [hbm:s0], s1  }
0x5c: {  	s0 =	simm.s32 @!p0 $0x1  }
0x5d: {  	_ =	swait.ge @!p0 [sflag:s0], s1  }
0x5e: {  	s1 =	ssub.s32 @!p0 $0x0, s1;
	[sflag:s0] =	ssyncset.done @!p0 $0x0  }
0x5f: {  	[sflag:s0] =	ssyncadd.s32 @!p0 s1  }
0x60: {  	[bflag:$0x3] =	sbarrier.arrive $0xFFFF  }
0x61: {  	_ =	shalt  }

</sc_bundles>
